<compile_context>
chip_gen: v7x
topology: tpu7x:2x2x1
jax: 0.10.2.dev20260603
libtpu: 0.0.44.dev20260713+nightly
codegen_flags: <defaults>
</compile_context>

<pallas_src>
import functools

import jax
import jax.numpy as jnp
from jax import lax
from jax.experimental import pallas as pl
from jax.experimental.pallas import tpu as pltpu
from jax.experimental.pallas import tpu_sc as plsc

K = 16
CH = 32
M = 16
CT = 24
COUT = 64
P = 1024
CHUNK = 512


def _leaky(x):
    return jnp.where(x >= 0, x, 0.1 * x)


def _make_sc_gather(rows):
    info = plsc.get_sparse_core_info()
    nc, ns = info.num_cores, info.num_subcores
    nw = nc * ns
    rows_per_w = rows // nw
    n2 = rows_per_w // (2 * CHUNK)
    mesh = plsc.VectorSubcoreMesh(core_axis_name="c", subcore_axis_name="s")

    @functools.partial(
        pl.kernel, mesh=mesh,
        compiler_params=pltpu.CompilerParams(use_tc_tiling_on_sc=False),
        out_type=jax.ShapeDtypeStruct((rows, CH), jnp.float32),
        scratch_types=[
            pltpu.VMEM((rows_per_w,), jnp.int32),
            pltpu.VMEM((CHUNK, CH), jnp.float32),
            pltpu.VMEM((CHUNK, CH), jnp.float32),
            pltpu.SemaphoreType.DMA,
            pltpu.SemaphoreType.DMA,
        ],
    )
    def sc_gather(table_hbm, idx_hbm, out_hbm, idx_v, rows_a, rows_b,
                  sem_a, sem_b):
        wid = lax.axis_index("s") * nc + lax.axis_index("c")
        base = wid * rows_per_w
        pltpu.sync_copy(idx_hbm.at[pl.ds(base, rows_per_w)], idx_v)

        def body(i, carry):
            c0 = 2 * i * CHUNK
            c1 = c0 + CHUNK
            ha = pltpu.async_copy(
                table_hbm.at[idx_v.at[pl.ds(c0, CHUNK)]], rows_a, sem_a)
            hb = pltpu.async_copy(
                table_hbm.at[idx_v.at[pl.ds(c1, CHUNK)]], rows_b, sem_b)
            ha.wait()
            pltpu.sync_copy(rows_a, out_hbm.at[pl.ds(base + c0, CHUNK)])
            hb.wait()
            pltpu.sync_copy(rows_b, out_hbm.at[pl.ds(base + c1, CHUNK)])
            return carry

        lax.fori_loop(0, n2, body, 0)

    return sc_gather


def _tc_body(g_ref, xyz_ref, bd1_ref, b1_ref, bd2_ref, b2_ref, wl_ref,
             blin_ref, out_ref):
    xyzb = xyz_ref[0]
    x48 = jnp.concatenate(
        [g_ref[j * CH:j * CH + 3, :] for j in range(K)], axis=0)
    xyzrep = jnp.concatenate([xyzb] * K, axis=0)
    dx = (x48 - xyzrep).astype(jnp.bfloat16)
    h = _leaky(jnp.dot(bd1_ref[...], dx,
                       preferred_element_type=jnp.float32) + b1_ref[...])
    w = _leaky(jnp.dot(bd2_ref[...], h.astype(jnp.bfloat16),
                       preferred_element_type=jnp.float32) + b2_ref[...])
    accs = []
    for m in range(M):
        am = jnp.zeros((CT, P), dtype=jnp.float32)
        for j in range(K):
            row = w[j * M + m:j * M + m + 1, :]
            am = am + jnp.broadcast_to(row, (CT, P)) * g_ref[j * CH:j * CH + CT, :]
        accs.append(am)
    acc = jnp.concatenate(accs, axis=0)
    out = jnp.dot(wl_ref[...], acc.astype(jnp.bfloat16),
                  preferred_element_type=jnp.float32)
    out_ref[0] = _leaky(out + blin_ref[...])


def kernel(xyz, features, knn_indices, w1, b1, w2, b2, Wlin, blin):
    B, _, N = xyz.shape
    Cin = features.shape[1]

    xyz_t = jnp.transpose(xyz, (0, 2, 1)).reshape(B * N, 3)
    feat_t = jnp.transpose(features, (0, 2, 1)).reshape(B * N, Cin)
    table = jnp.concatenate(
        [xyz_t, feat_t, jnp.zeros((B * N, CH - 3 - Cin), jnp.float32)], axis=1)

    idx = (knn_indices.astype(jnp.int32)
           + (jnp.arange(B, dtype=jnp.int32) * N)[:, None, None])
    idx = idx.reshape(B * N * K)

    gathered = _make_sc_gather(B * N * K)(table, idx)
    gt = jnp.transpose(gathered.reshape(B * N, K * CH))

    bd1 = jnp.kron(jnp.eye(K, dtype=jnp.float32), w1).astype(jnp.bfloat16)
    bd2 = jnp.kron(jnp.eye(K, dtype=jnp.float32), w2).astype(jnp.bfloat16)
    b1r = jnp.tile(b1, K).reshape(8 * K, 1)
    b2r = jnp.tile(b2, K).reshape(M * K, 1)

    wl = Wlin.reshape(COUT, M, 19)
    wl = jnp.concatenate(
        [wl, jnp.zeros((COUT, M, CT - 19), jnp.float32)], axis=2)
    wl = wl.reshape(COUT, M * CT).astype(jnp.bfloat16)

    nb = N // P
    out = pl.pallas_call(
        _tc_body,
        grid=(B, nb),
        in_specs=[
            pl.BlockSpec((K * CH, P), lambda b, i: (0, b * nb + i)),
            pl.BlockSpec((1, 3, P), lambda b, i: (b, 0, i)),
            pl.BlockSpec((8 * K, 3 * K), lambda b, i: (0, 0)),
            pl.BlockSpec((8 * K, 1), lambda b, i: (0, 0)),
            pl.BlockSpec((M * K, 8 * K), lambda b, i: (0, 0)),
            pl.BlockSpec((M * K, 1), lambda b, i: (0, 0)),
            pl.BlockSpec((COUT, M * CT), lambda b, i: (0, 0)),
            pl.BlockSpec((COUT, 1), lambda b, i: (0, 0)),
        ],
        out_specs=pl.BlockSpec((1, COUT, P), lambda b, i: (b, 0, i)),
        out_shape=jax.ShapeDtypeStruct((B, COUT, N), jnp.float32),
    )(gt, xyz, bd1, b1r, bd2, b2r, wl, blin.reshape(COUT, 1))

    return out

# --- scband reference (transcript-rebuilt; emitter-appended) ---
"""Pipeline reference for scband-point-conv-no-sampling-74552042324075 (READ-ONLY COPY).

The authoritative reference and input builder live on the scoring server;
editing this copy changes nothing except your own understanding.
"""

import jax, jax.numpy as jnp
import numpy as np

K = 16

def _leaky(x):
    return jnp.where(x >= 0, x, 0.1 * x)

def setup_inputs(seed: int = 0) -> dict:
    key = jax.random.key(seed)
    ks = jax.random.split(key, 8)
    B, N, Cin, Cout = 2, 65536, 16, 64
    xyz = jax.random.normal(ks[0], (B, 3, N), dtype=jnp.float32)
    features = jax.random.normal(ks[1], (B, Cin, N), dtype=jnp.float32)
    knn_indices = jax.random.randint(ks[2], (B, N, K), 0, N, dtype=jnp.int64)
    # weight_net MLP2d(3 -> 8 -> 16), 1x1 convs (pointwise linear over channel dim)
    w1 = jax.random.normal(ks[3], (8, 3), dtype=jnp.float32) * (1.0 / np.sqrt(3))
    b1 = jnp.zeros((8,), dtype=jnp.float32)
    w2 = jax.random.normal(ks[4], (16, 8), dtype=jnp.float32) * (1.0 / np.sqrt(8))
    b2 = jnp.zeros((16,), dtype=jnp.float32)
    # final linear: 16*(Cin+3) -> Cout
    D = Cin + 3
    Wlin = jax.random.normal(ks[5], (Cout, 16 * D), dtype=jnp.float32) * (1.0 / np.sqrt(16 * D))
    blin = jnp.zeros((Cout,), dtype=jnp.float32)
    return {"xyz": xyz, "features": features, "knn_indices": knn_indices,
            "w1": w1, "b1": b1, "w2": w2, "b2": b2, "Wlin": Wlin, "blin": blin}

def reference(xyz, features, knn_indices, w1, b1, w2, b2, Wlin, blin):
    B, _, N = xyz.shape
    knn = knn_indices[:, :, :K]  # [B, N, K]
    feats = jnp.concatenate([xyz, features], axis=1)          # [B, 3+Cin, N]
    feats_cl = jnp.transpose(feats, (0, 2, 1))                # [B, N, 3+Cin]
    # batch_indexing_channel_first: result[b,c,n,j] = xyz[b,c,knn[b,n,j]]
    knn_xyz = jax.vmap(lambda x, i: x[:, i])(xyz, knn)        # [B, 3, N, K]
    knn_xyz_norm = knn_xyz - xyz[:, :, :, None]               # [B, 3, N, K]
    # weight_net (1x1 conv MLP with leaky relu after each layer)
    h = jnp.einsum('oc,bcnk->bonk', w1, knn_xyz_norm) + b1[None, :, None, None]
    h = _leaky(h)
    w = jnp.einsum('oc,bcnk->bonk', w2, h) + b2[None, :, None, None]
    w = _leaky(w)                                             # [B, 16, N, K]
    w = jnp.transpose(w, (0, 2, 1, 3))                        # [B, N, 16, K]
    # batch_indexing_channel_last: result[b,n,j,d] = feats_cl[b,knn[b,n,j],d]
    knn_features = jax.vmap(lambda f, i: f[i])(feats_cl, knn) # [B, N, K, 3+Cin]
    weighted = jnp.matmul(w, knn_features)                    # [B, N, 16, 3+Cin]
    weighted = weighted.reshape(B, N, -1)                     # [B, N, 16*(3+Cin)]
    out = weighted @ Wlin.T + blin                            # [B, N, Cout]
    out = jnp.transpose(out, (0, 2, 1))                       # [B, Cout, N]
    out = _leaky(out)  # norm=None -> Identity; activation leaky_relu(0.1)
    return out

if __name__ == "__main__":
    import jax
    _d = setup_inputs()
    print(jax.jit(kernel)(*tuple(_d.values())))

</pallas_src>

<mosaic_0001>
#map = affine_map<(d0, d1) -> (0, 0)>
#map1 = affine_map<(d0, d1) -> (0)>
module attributes {stable_mosaic.version = 14 : i64} {
  func.func @sc_gather(%arg0: i32, %arg1: i32, %arg2: memref<131072x32xf32, #tpu.memory_space<hbm>>, %arg3: memref<2097152xi32, #tpu.memory_space<hbm>>, %arg4: memref<2097152x32xf32, #tpu.memory_space<hbm>>, %arg5: memref<65536xi32, #tpu.memory_space<vmem>>, %arg6: memref<512x32xf32, #tpu.memory_space<vmem>>, %arg7: memref<512x32xf32, #tpu.memory_space<vmem>>, %arg8: memref<!tpu.dma_semaphore, #tpu.memory_space<semaphore_mem>>, %arg9: memref<!tpu.dma_semaphore, #tpu.memory_space<semaphore_mem>>) attributes {dimension_semantics = [#tpu.dimension_semantics<core_parallel>, #tpu.dimension_semantics<subcore_parallel>], iteration_bounds = array<i64: 2, 16>, scalar_prefetch = 0 : i64, scratch_operands = 5 : i64, tpu.core_type = #tpu.core_type<sc_vector_subcore>, window_params = [{transform_indices = #map}, {transform_indices = #map1}, {transform_indices = #map}]} {
    %mul3A = arith.constant 2 : i32
    %mul3A_0 = arith.muli %arg1, %mul3A : i32
    %add3A = arith.addi %mul3A_0, %arg0 : i32
    %mul3A_1 = arith.constant 65536 : i32
    %mul3A_2 = arith.muli %add3A, %mul3A_1 : i32
    "tpu.region"() ({
      %run_scoped3A = tpu.sem_alloc : memref<!tpu.dma_semaphore, #tpu.memory_space<semaphore_mem>>
      %dma_start3A = tpu.memref_slice %arg3[%mul3A_2] : memref<2097152xi32, #tpu.memory_space<hbm>> -> memref<65536xi32, #tpu.memory_space<hbm>>
      %dma_start3A_8 = tpu.memref_slice %arg3[%mul3A_2] : memref<2097152xi32, #tpu.memory_space<hbm>> -> memref<65536xi32, #tpu.memory_space<hbm>>
      tpu.enqueue_dma source(%dma_start3A_8 : memref<65536xi32, #tpu.memory_space<hbm>>) target(%arg5 : memref<65536xi32, #tpu.memory_space<vmem>>) target_semaphore(%run_scoped3A : memref<!tpu.dma_semaphore, #tpu.memory_space<semaphore_mem>>)
      %dma_wait3A = tpu.memref_slice %arg3[%mul3A_2] : memref<2097152xi32, #tpu.memory_space<hbm>> -> memref<65536xi32, #tpu.memory_space<hbm>>
      %dma_wait3A_9 = tpu.memref_slice %arg3[%mul3A_2] : memref<2097152xi32, #tpu.memory_space<hbm>> -> memref<65536xi32, #tpu.memory_space<hbm>>
      tpu.wait_dma2 semaphore(%run_scoped3A : memref<!tpu.dma_semaphore, #tpu.memory_space<semaphore_mem>>) src(%dma_wait3A_9 : memref<65536xi32, #tpu.memory_space<hbm>>) dst(%arg5 : memref<65536xi32, #tpu.memory_space<vmem>>)
      tpu.yield
    }) : () -> ()
    %scan3A = arith.constant 0 : i32
    %scan3A_3 = arith.constant 0 : i32
    %scan3A_4 = arith.constant 64 : i32
    %scan3A_5 = arith.addi %scan3A_3, %scan3A_4 : i32
    %scan3A_6 = arith.constant 1 : i32
    scf.for %scan3A_8 = %scan3A_3 to %scan3A_5 step %scan3A_6  : i32 {
      %mul3A_9 = arith.constant 2 : i32
      %mul3A_10 = arith.muli %mul3A_9, %scan3A_8 : i32
      %mul3A_11 = arith.constant 512 : i32
      %mul3A_12 = arith.muli %mul3A_10, %mul3A_11 : i32
      %add3A_13 = arith.constant 512 : i32
      %add3A_14 = arith.addi %mul3A_12, %add3A_13 : i32
      %dma_start3A = tpu.memref_slice %arg5[%mul3A_12] : memref<65536xi32, #tpu.memory_space<vmem>> -> memref<512xi32, #tpu.memory_space<vmem>>
      %dma_start3A_15 = arith.constant 0 : i32
      %dma_start3A_16 = arith.constant 0 : i32
      %dma_start3A_17 = tpu.memref_slice %arg2[%dma_start3A_15, %dma_start3A_16] : memref<131072x32xf32, #tpu.memory_space<hbm>> -> memref<131072x32xf32, #tpu.memory_space<hbm>>
      tpu.enqueue_indirect_dma source(%dma_start3A_17 : memref<131072x32xf32, #tpu.memory_space<hbm>>) target(%arg6 : memref<512x32xf32, #tpu.memory_space<vmem>>) offsets(%dma_start3A : memref<512xi32, #tpu.memory_space<vmem>>) semaphore(%arg8 : memref<!tpu.dma_semaphore, #tpu.memory_space<semaphore_mem>>)
      %dma_start3A_18 = tpu.memref_slice %arg5[%add3A_14] : memref<65536xi32, #tpu.memory_space<vmem>> -> memref<512xi32, #tpu.memory_space<vmem>>
      %dma_start3A_19 = arith.constant 0 : i32
      %dma_start3A_20 = arith.constant 0 : i32
      %dma_start3A_21 = tpu.memref_slice %arg2[%dma_start3A_19, %dma_start3A_20] : memref<131072x32xf32, #tpu.memory_space<hbm>> -> memref<131072x32xf32, #tpu.memory_space<hbm>>
      tpu.enqueue_indirect_dma source(%dma_start3A_21 : memref<131072x32xf32, #tpu.memory_space<hbm>>) target(%arg7 : memref<512x32xf32, #tpu.memory_space<vmem>>) offsets(%dma_start3A_18 : memref<512xi32, #tpu.memory_space<vmem>>) semaphore(%arg9 : memref<!tpu.dma_semaphore, #tpu.memory_space<semaphore_mem>>)
      %dma_wait3A = tpu.memref_slice %arg5[%mul3A_12] : memref<65536xi32, #tpu.memory_space<vmem>> -> memref<512xi32, #tpu.memory_space<vmem>>
      %dma_wait3A_22 = arith.constant 0 : i32
      %dma_wait3A_23 = arith.constant 0 : i32
      %dma_wait3A_24 = tpu.memref_slice %arg2[%dma_wait3A_22, %dma_wait3A_23] : memref<131072x32xf32, #tpu.memory_space<hbm>> -> memref<131072x32xf32, #tpu.memory_space<hbm>>
      tpu.wait_indirect_dma semaphore(%arg8 : memref<!tpu.dma_semaphore, #tpu.memory_space<semaphore_mem>>) src(%dma_wait3A_24 : memref<131072x32xf32, #tpu.memory_space<hbm>>) dst(%arg6 : memref<512x32xf32, #tpu.memory_space<vmem>>)
      %add3A_25 = arith.addi %mul3A_2, %mul3A_12 : i32
      "tpu.region"() ({
        %run_scoped3A = tpu.sem_alloc : memref<!tpu.dma_semaphore, #tpu.memory_space<semaphore_mem>>
        %dma_start3A_31 = arith.constant 0 : i32
        %dma_start3A_32 = tpu.memref_slice %arg4[%add3A_25, %dma_start3A_31] : memref<2097152x32xf32, #tpu.memory_space<hbm>> -> memref<512x32xf32, #tpu.memory_space<hbm>>
        %dma_start3A_33 = arith.constant 0 : i32
        %dma_start3A_34 = tpu.memref_slice %arg4[%add3A_25, %dma_start3A_33] : memref<2097152x32xf32, #tpu.memory_space<hbm>> -> memref<512x32xf32, #tpu.memory_space<hbm>>
        tpu.enqueue_dma source(%arg6 : memref<512x32xf32, #tpu.memory_space<vmem>>) target(%dma_start3A_34 : memref<512x32xf32, #tpu.memory_space<hbm>>) target_semaphore(%run_scoped3A : memref<!tpu.dma_semaphore, #tpu.memory_space<semaphore_mem>>)
        %dma_wait3A_35 = arith.constant 0 : i32
        %dma_wait3A_36 = tpu.memref_slice %arg4[%add3A_25, %dma_wait3A_35] : memref<2097152x32xf32, #tpu.memory_space<hbm>> -> memref<512x32xf32, #tpu.memory_space<hbm>>
        %dma_wait3A_37 = arith.constant 0 : i32
        %dma_wait3A_38 = tpu.memref_slice %arg4[%add3A_25, %dma_wait3A_37] : memref<2097152x32xf32, #tpu.memory_space<hbm>> -> memref<512x32xf32, #tpu.memory_space<hbm>>
        tpu.wait_dma2 semaphore(%run_scoped3A : memref<!tpu.dma_semaphore, #tpu.memory_space<semaphore_mem>>) src(%arg6 : memref<512x32xf32, #tpu.memory_space<vmem>>) dst(%dma_wait3A_38 : memref<512x32xf32, #tpu.memory_space<hbm>>)
        tpu.yield
      }) : () -> ()
      %dma_wait3A_26 = tpu.memref_slice %arg5[%add3A_14] : memref<65536xi32, #tpu.memory_space<vmem>> -> memref<512xi32, #tpu.memory_space<vmem>>
      %dma_wait3A_27 = arith.constant 0 : i32
      %dma_wait3A_28 = arith.constant 0 : i32
      %dma_wait3A_29 = tpu.memref_slice %arg2[%dma_wait3A_27, %dma_wait3A_28] : memref<131072x32xf32, #tpu.memory_space<hbm>> -> memref<131072x32xf32, #tpu.memory_space<hbm>>
      tpu.wait_indirect_dma semaphore(%arg9 : memref<!tpu.dma_semaphore, #tpu.memory_space<semaphore_mem>>) src(%dma_wait3A_29 : memref<131072x32xf32, #tpu.memory_space<hbm>>) dst(%arg7 : memref<512x32xf32, #tpu.memory_space<vmem>>)
      %add3A_30 = arith.addi %mul3A_2, %add3A_14 : i32
      "tpu.region"() ({
        %run_scoped3A = tpu.sem_alloc : memref<!tpu.dma_semaphore, #tpu.memory_space<semaphore_mem>>
        %dma_start3A_31 = arith.constant 0 : i32
        %dma_start3A_32 = tpu.memref_slice %arg4[%add3A_30, %dma_start3A_31] : memref<2097152x32xf32, #tpu.memory_space<hbm>> -> memref<512x32xf32, #tpu.memory_space<hbm>>
        %dma_start3A_33 = arith.constant 0 : i32
        %dma_start3A_34 = tpu.memref_slice %arg4[%add3A_30, %dma_start3A_33] : memref<2097152x32xf32, #tpu.memory_space<hbm>> -> memref<512x32xf32, #tpu.memory_space<hbm>>
        tpu.enqueue_dma source(%arg7 : memref<512x32xf32, #tpu.memory_space<vmem>>) target(%dma_start3A_34 : memref<512x32xf32, #tpu.memory_space<hbm>>) target_semaphore(%run_scoped3A : memref<!tpu.dma_semaphore, #tpu.memory_space<semaphore_mem>>)
        %dma_wait3A_35 = arith.constant 0 : i32
        %dma_wait3A_36 = tpu.memref_slice %arg4[%add3A_30, %dma_wait3A_35] : memref<2097152x32xf32, #tpu.memory_space<hbm>> -> memref<512x32xf32, #tpu.memory_space<hbm>>
        %dma_wait3A_37 = arith.constant 0 : i32
        %dma_wait3A_38 = tpu.memref_slice %arg4[%add3A_30, %dma_wait3A_37] : memref<2097152x32xf32, #tpu.memory_space<hbm>> -> memref<512x32xf32, #tpu.memory_space<hbm>>
        tpu.wait_dma2 semaphore(%run_scoped3A : memref<!tpu.dma_semaphore, #tpu.memory_space<semaphore_mem>>) src(%arg7 : memref<512x32xf32, #tpu.memory_space<vmem>>) dst(%dma_wait3A_38 : memref<512x32xf32, #tpu.memory_space<hbm>>)
        tpu.yield
      }) : () -> ()
    }
    %scan3A_7 = arith.constant 64 : i32
    return
  }
}

module attributes {stable_mosaic.version = 14 : i64} {
  func.func @_tc_body(%arg0: i32, %arg1: i32, %arg2: memref<512x1024xf32, #tpu.memory_space<vmem>>, %arg3: memref<1x3x1024xf32, #tpu.memory_space<vmem>>, %arg4: memref<128x48xbf16, #tpu.memory_space<vmem>>, %arg5: memref<128x1xf32, #tpu.memory_space<vmem>>, %arg6: memref<256x128xbf16, #tpu.memory_space<vmem>>, %arg7: memref<256x1xf32, #tpu.memory_space<vmem>>, %arg8: memref<64x384xbf16, #tpu.memory_space<vmem>>, %arg9: memref<64x1xf32, #tpu.memory_space<vmem>>, %arg10: memref<1x64x1024xf32, #tpu.memory_space<vmem>>) attributes {dimension_semantics = [#tpu.dimension_semantics<arbitrary>, #tpu.dimension_semantics<arbitrary>], iteration_bounds = array<i64: 2, 64>, scalar_prefetch = 0 : i64, scratch_operands = 0 : i64, tpu.core_type = #tpu.core_type<tc>, window_params = [{transform_indices = @transform_0, window_bounds = array<i64: 512, 1024>}, {transform_indices = @transform_1, window_bounds = array<i64: 1, 3, 1024>}, {pipeline_mode = #tpu.pipeline_mode<synchronous>, transform_indices = @transform_2, window_bounds = array<i64: 128, 48>}, {pipeline_mode = #tpu.pipeline_mode<synchronous>, transform_indices = @transform_3, window_bounds = array<i64: 128, 1>}, {pipeline_mode = #tpu.pipeline_mode<synchronous>, transform_indices = @transform_4, window_bounds = array<i64: 256, 128>}, {pipeline_mode = #tpu.pipeline_mode<synchronous>, transform_indices = @transform_5, window_bounds = array<i64: 256, 1>}, {pipeline_mode = #tpu.pipeline_mode<synchronous>, transform_indices = @transform_6, window_bounds = array<i64: 64, 384>}, {pipeline_mode = #tpu.pipeline_mode<synchronous>, transform_indices = @transform_7, window_bounds = array<i64: 64, 1>}, {transform_indices = @transform_8, window_bounds = array<i64: 1, 64, 1024>}]} {
    %get3A = arith.constant 0 : index
    %get3A_0 = arith.constant 0 : index
    %get3A_1 = arith.constant 0 : index
    %get3A_2 = vector.load %arg3[%get3A, %get3A_0, %get3A_1] : memref<1x3x1024xf32, #tpu.memory_space<vmem>>, vector<1x3x1024xf32>
    %get3A_3 = vector.shape_cast %get3A_2 : vector<1x3x1024xf32> to vector<3x1024xf32>
    %get3A_4 = arith.constant 0 : index
    %get3A_5 = arith.constant 0 : index
    %get3A_6 = vector.load %arg2[%get3A_4, %get3A_5] : memref<512x1024xf32, #tpu.memory_space<vmem>>, vector<3x1024xf32>
    %get3A_7 = arith.constant 32 : index
    %get3A_8 = arith.constant 0 : index
    %get3A_9 = vector.load %arg2[%get3A_7, %get3A_8] : memref<512x1024xf32, #tpu.memory_space<vmem>>, vector<3x1024xf32>
    %get3A_10 = arith.constant 64 : index
    %get3A_11 = arith.constant 0 : index
    %get3A_12 = vector.load %arg2[%get3A_10, %get3A_11] : memref<512x1024xf32, #tpu.memory_space<vmem>>, vector<3x1024xf32>
    %get3A_13 = arith.constant 96 : index
    %get3A_14 = arith.constant 0 : index
    %get3A_15 = vector.load %arg2[%get3A_13, %get3A_14] : memref<512x1024xf32, #tpu.memory_space<vmem>>, vector<3x1024xf32>
    %get3A_16 = arith.constant 128 : index
    %get3A_17 = arith.constant 0 : index
    %get3A_18 = vector.load %arg2[%get3A_16, %get3A_17] : memref<512x1024xf32, #tpu.memory_space<vmem>>, vector<3x1024xf32>
    %get3A_19 = arith.constant 160 : index
    %get3A_20 = arith.constant 0 : index
    %get3A_21 = vector.load %arg2[%get3A_19, %get3A_20] : memref<512x1024xf32, #tpu.memory_space<vmem>>, vector<3x1024xf32>
    %get3A_22 = arith.constant 192 : index
    %get3A_23 = arith.constant 0 : index
    %get3A_24 = vector.load %arg2[%get3A_22, %get3A_23] : memref<512x1024xf32, #tpu.memory_space<vmem>>, vector<3x1024xf32>
    %get3A_25 = arith.constant 224 : index
    %get3A_26 = arith.constant 0 : index
    %get3A_27 = vector.load %arg2[%get3A_25, %get3A_26] : memref<512x1024xf32, #tpu.memory_space<vmem>>, vector<3x1024xf32>
    %get3A_28 = arith.constant 256 : index
    %get3A_29 = arith.constant 0 : index
    %get3A_30 = vector.load %arg2[%get3A_28, %get3A_29] : memref<512x1024xf32, #tpu.memory_space<vmem>>, vector<3x1024xf32>
    %get3A_31 = arith.constant 288 : index
    %get3A_32 = arith.constant 0 : index
    %get3A_33 = vector.load %arg2[%get3A_31, %get3A_32] : memref<512x1024xf32, #tpu.memory_space<vmem>>, vector<3x1024xf32>
    %get3A_34 = arith.constant 320 : index
    %get3A_35 = arith.constant 0 : index
    %get3A_36 = vector.load %arg2[%get3A_34, %get3A_35] : memref<512x1024xf32, #tpu.memory_space<vmem>>, vector<3x1024xf32>
    %get3A_37 = arith.constant 352 : index
    %get3A_38 = arith.constant 0 : index
    %get3A_39 = vector.load %arg2[%get3A_37, %get3A_38] : memref<512x1024xf32, #tpu.memory_space<vmem>>, vector<3x1024xf32>
    %get3A_40 = arith.constant 384 : index
    %get3A_41 = arith.constant 0 : index
    %get3A_42 = vector.load %arg2[%get3A_40, %get3A_41] : memref<512x1024xf32, #tpu.memory_space<vmem>>, vector<3x1024xf32>
    %get3A_43 = arith.constant 416 : index
    %get3A_44 = arith.constant 0 : index
    %get3A_45 = vector.load %arg2[%get3A_43, %get3A_44] : memref<512x1024xf32, #tpu.memory_space<vmem>>, vector<3x1024xf32>
    %get3A_46 = arith.constant 448 : index
    %get3A_47 = arith.constant 0 : index
    %get3A_48 = vector.load %arg2[%get3A_46, %get3A_47] : memref<512x1024xf32, #tpu.memory_space<vmem>>, vector<3x1024xf32>
    %get3A_49 = arith.constant 480 : index
    %get3A_50 = arith.constant 0 : index
    %get3A_51 = vector.load %arg2[%get3A_49, %get3A_50] : memref<512x1024xf32, #tpu.memory_space<vmem>>, vector<3x1024xf32>
    %concatenate3A = tpu.concatenate %get3A_6, %get3A_9, %get3A_12, %get3A_15, %get3A_18, %get3A_21, %get3A_24, %get3A_27, %get3A_30, %get3A_33, %get3A_36, %get3A_39, %get3A_42, %get3A_45, %get3A_48, %get3A_51 in 0 : vector<3x1024xf32>, vector<3x1024xf32>, vector<3x1024xf32>, vector<3x1024xf32>, vector<3x1024xf32>, vector<3x1024xf32>, vector<3x1024xf32>, vector<3x1024xf32>, vector<3x1024xf32>, vector<3x1024xf32>, vector<3x1024xf32>, vector<3x1024xf32>, vector<3x1024xf32>, vector<3x1024xf32>, vector<3x1024xf32>, vector<3x1024xf32> -> vector<48x1024xf32>
    %concatenate3A_52 = tpu.concatenate %get3A_3, %get3A_3, %get3A_3, %get3A_3, %get3A_3, %get3A_3, %get3A_3, %get3A_3, %get3A_3, %get3A_3, %get3A_3, %get3A_3, %get3A_3, %get3A_3, %get3A_3, %get3A_3 in 0 : vector<3x1024xf32>, vector<3x1024xf32>, vector<3x1024xf32>, vector<3x1024xf32>, vector<3x1024xf32>, vector<3x1024xf32>, vector<3x1024xf32>, vector<3x1024xf32>, vector<3x1024xf32>, vector<3x1024xf32>, vector<3x1024xf32>, vector<3x1024xf32>, vector<3x1024xf32>, vector<3x1024xf32>, vector<3x1024xf32>, vector<3x1024xf32> -> vector<48x1024xf32>
    %sub3A = arith.subf %concatenate3A, %concatenate3A_52 : vector<48x1024xf32>
    %convert_element_type3A = arith.truncf %sub3A : vector<48x1024xf32> to vector<48x1024xbf16>
    %get3A_53 = arith.constant 0 : index
    %get3A_54 = arith.constant 0 : index
    %get3A_55 = vector.load %arg4[%get3A_53, %get3A_54] : memref<128x48xbf16, #tpu.memory_space<vmem>>, vector<128x48xbf16>
    %dot_general3A = arith.constant dense<0.000000e+00> : vector<128x1024xf32>
    %dot_general3A_56 = tpu.matmul %get3A_55, %convert_element_type3A, %dot_general3A {dimension_numbers = #tpu.dot_dimension_numbers<[1], [0], [0], [1], [0, 0, 1, 1], [], []>, transpose_lhs_hint = false} : vector<128x48xbf16>, vector<48x1024xbf16>, vector<128x1024xf32> -> vector<128x1024xf32>
    %get3A_57 = arith.constant 0 : index
    %get3A_58 = arith.constant 0 : index
    %get3A_59 = vector.load %arg5[%get3A_57, %get3A_58] : memref<128x1xf32, #tpu.memory_space<vmem>>, vector<128x1xf32>
    %add3A = vector.broadcast %get3A_59 : vector<128x1xf32> to vector<128x1024xf32>
    %add3A_60 = arith.addf %dot_general3A_56, %add3A : vector<128x1024xf32>
    %ge3A = arith.constant 0.000000e+00 : f32
    %ge3A_61 = vector.broadcast %ge3A : f32 to vector<128x1024xf32>
    %ge3A_62 = arith.cmpf oge, %add3A_60, %ge3A_61 : vector<128x1024xf32>
    %mul3A = arith.constant 1.000000e-01 : f32
    %mul3A_63 = vector.broadcast %mul3A : f32 to vector<128x1024xf32>
    %mul3A_64 = arith.mulf %mul3A_63, %add3A_60 : vector<128x1024xf32>
    %select_n3A = arith.select %ge3A_62, %add3A_60, %mul3A_64 : vector<128x1024xi1>, vector<128x1024xf32>
    %get3A_65 = arith.constant 0 : index
    %get3A_66 = arith.constant 0 : index
    %get3A_67 = vector.load %arg6[%get3A_65, %get3A_66] : memref<256x128xbf16, #tpu.memory_space<vmem>>, vector<256x128xbf16>
    %convert_element_type3A_68 = arith.truncf %select_n3A : vector<128x1024xf32> to vector<128x1024xbf16>
    %dot_general3A_69 = arith.constant dense<0.000000e+00> : vector<256x1024xf32>
    %dot_general3A_70 = tpu.matmul %get3A_67, %convert_element_type3A_68, %dot_general3A_69 {dimension_numbers = #tpu.dot_dimension_numbers<[1], [0], [0], [1], [0, 0, 1, 1], [], []>, transpose_lhs_hint = false} : vector<256x128xbf16>, vector<128x1024xbf16>, vector<256x1024xf32> -> vector<256x1024xf32>
    %get3A_71 = arith.constant 0 : index
    %get3A_72 = arith.constant 0 : index
    %get3A_73 = vector.load %arg7[%get3A_71, %get3A_72] : memref<256x1xf32, #tpu.memory_space<vmem>>, vector<256x1xf32>
    %add3A_74 = vector.broadcast %get3A_73 : vector<256x1xf32> to vector<256x1024xf32>
    %add3A_75 = arith.addf %dot_general3A_70, %add3A_74 : vector<256x1024xf32>
    %ge3A_76 = arith.constant 0.000000e+00 : f32
    %ge3A_77 = vector.broadcast %ge3A_76 : f32 to vector<256x1024xf32>
    %ge3A_78 = arith.cmpf oge, %add3A_75, %ge3A_77 : vector<256x1024xf32>
    %mul3A_79 = arith.constant 1.000000e-01 : f32
    %mul3A_80 = vector.broadcast %mul3A_79 : f32 to vector<256x1024xf32>
    %mul3A_81 = arith.mulf %mul3A_80, %add3A_75 : vector<256x1024xf32>
    %select_n3A_82 = arith.select %ge3A_78, %add3A_75, %mul3A_81 : vector<256x1024xi1>, vector<256x1024xf32>
    %broadcast_in_dim3A = arith.constant 0.000000e+00 : f32
    %broadcast_in_dim3A_83 = vector.broadcast %broadcast_in_dim3A : f32 to vector<24x1024xf32>
    %slice3A = vector.extract_strided_slice %select_n3A_82 {offsets = [0, 0], sizes = [1, 1024], strides = [1, 1]} : vector<256x1024xf32> to vector<1x1024xf32>
    %broadcast_in_dim3A_84 = vector.shape_cast %slice3A : vector<1x1024xf32> to vector<1x1024xf32>
    %broadcast_in_dim3A_85 = vector.broadcast %broadcast_in_dim3A_84 : vector<1x1024xf32> to vector<24x1024xf32>
    %get3A_86 = arith.constant 0 : index
    %get3A_87 = arith.constant 0 : index
    %get3A_88 = vector.load %arg2[%get3A_86, %get3A_87] : memref<512x1024xf32, #tpu.memory_space<vmem>>, vector<24x1024xf32>
    %mul3A_89 = arith.mulf %broadcast_in_dim3A_85, %get3A_88 : vector<24x1024xf32>
    %add3A_90 = arith.addf %broadcast_in_dim3A_83, %mul3A_89 : vector<24x1024xf32>
    %slice3A_91 = vector.extract_strided_slice %select_n3A_82 {offsets = [16, 0], sizes = [1, 1024], strides = [1, 1]} : vector<256x1024xf32> to vector<1x1024xf32>
    %broadcast_in_dim3A_92 = vector.shape_cast %slice3A_91 : vector<1x1024xf32> to vector<1x1024xf32>
    %broadcast_in_dim3A_93 = vector.broadcast %broadcast_in_dim3A_92 : vector<1x1024xf32> to vector<24x1024xf32>
    %get3A_94 = arith.constant 32 : index
    %get3A_95 = arith.constant 0 : index
    %get3A_96 = vector.load %arg2[%get3A_94, %get3A_95] : memref<512x1024xf32, #tpu.memory_space<vmem>>, vector<24x1024xf32>
    %mul3A_97 = arith.mulf %broadcast_in_dim3A_93, %get3A_96 : vector<24x1024xf32>
    %add3A_98 = arith.addf %add3A_90, %mul3A_97 : vector<24x1024xf32>
    %slice3A_99 = vector.extract_strided_slice %select_n3A_82 {offsets = [32, 0], sizes = [1, 1024], strides = [1, 1]} : vector<256x1024xf32> to vector<1x1024xf32>
    %broadcast_in_dim3A_100 = vector.shape_cast %slice3A_99 : vector<1x1024xf32> to vector<1x1024xf32>
    %broadcast_in_dim3A_101 = vector.broadcast %broadcast_in_dim3A_100 : vector<1x1024xf32> to vector<24x1024xf32>
    %get3A_102 = arith.constant 64 : index
    %get3A_103 = arith.constant 0 : index
    %get3A_104 = vector.load %arg2[%get3A_102, %get3A_103] : memref<512x1024xf32, #tpu.memory_space<vmem>>, vector<24x1024xf32>
    %mul3A_105 = arith.mulf %broadcast_in_dim3A_101, %get3A_104 : vector<24x1024xf32>
    %add3A_106 = arith.addf %add3A_98, %mul3A_105 : vector<24x1024xf32>
    %slice3A_107 = vector.extract_strided_slice %select_n3A_82 {offsets = [48, 0], sizes = [1, 1024], strides = [1, 1]} : vector<256x1024xf32> to vector<1x1024xf32>
    %broadcast_in_dim3A_108 = vector.shape_cast %slice3A_107 : vector<1x1024xf32> to vector<1x1024xf32>
    %broadcast_in_dim3A_109 = vector.broadcast %broadcast_in_dim3A_108 : vector<1x1024xf32> to vector<24x1024xf32>
    %get3A_110 = arith.constant 96 : index
    %get3A_111 = arith.constant 0 : index
    %get3A_112 = vector.load %arg2[%get3A_110, %get3A_111] : memref<512x1024xf32, #tpu.memory_space<vmem>>, vector<24x1024xf32>
    %mul3A_113 = arith.mulf %broadcast_in_dim3A_109, %get3A_112 : vector<24x1024xf32>
    %add3A_114 = arith.addf %add3A_106, %mul3A_113 : vector<24x1024xf32>
    %slice3A_115 = vector.extract_strided_slice %select_n3A_82 {offsets = [64, 0], sizes = [1, 1024], strides = [1, 1]} : vector<256x1024xf32> to vector<1x1024xf32>
    %broadcast_in_dim3A_116 = vector.shape_cast %slice3A_115 : vector<1x1024xf32> to vector<1x1024xf32>
    %broadcast_in_dim3A_117 = vector.broadcast %broadcast_in_dim3A_116 : vector<1x1024xf32> to vector<24x1024xf32>
    %get3A_118 = arith.constant 128 : index
    %get3A_119 = arith.constant 0 : index
    %get3A_120 = vector.load %arg2[%get3A_118, %get3A_119] : memref<512x1024xf32, #tpu.memory_space<vmem>>, vector<24x1024xf32>
    %mul3A_121 = arith.mulf %broadcast_in_dim3A_117, %get3A_120 : vector<24x1024xf32>
    %add3A_122 = arith.addf %add3A_114, %mul3A_121 : vector<24x1024xf32>
    %slice3A_123 = vector.extract_strided_slice %select_n3A_82 {offsets = [80, 0], sizes = [1, 1024], strides = [1, 1]} : vector<256x1024xf32> to vector<1x1024xf32>
    %broadcast_in_dim3A_124 = vector.shape_cast %slice3A_123 : vector<1x1024xf32> to vector<1x1024xf32>
    %broadcast_in_dim3A_125 = vector.broadcast %broadcast_in_dim3A_124 : vector<1x1024xf32> to vector<24x1024xf32>
    %get3A_126 = arith.constant 160 : index
    %get3A_127 = arith.constant 0 : index
    %get3A_128 = vector.load %arg2[%get3A_126, %get3A_127] : memref<512x1024xf32, #tpu.memory_space<vmem>>, vector<24x1024xf32>
    %mul3A_129 = arith.mulf %broadcast_in_dim3A_125, %get3A_128 : vector<24x1024xf32>
    %add3A_130 = arith.addf %add3A_122, %mul3A_129 : vector<24x1024xf32>
    %slice3A_131 = vector.extract_strided_slice %select_n3A_82 {offsets = [96, 0], sizes = [1, 1024], strides = [1, 1]} : vector<256x1024xf32> to vector<1x1024xf32>
    %broadcast_in_dim3A_132 = vector.shape_cast %slice3A_131 : vector<1x1024xf32> to vector<1x1024xf32>
    %broadcast_in_dim3A_133 = vector.broadcast %broadcast_in_dim3A_132 : vector<1x1024xf32> to vector<24x1024xf32>
    %get3A_134 = arith.constant 192 : index
    %get3A_135 = arith.constant 0 : index
    %get3A_136 = vector.load %arg2[%get3A_134, %get3A_135] : memref<512x1024xf32, #tpu.memory_space<vmem>>, vector<24x1024xf32>
    %mul3A_137 = arith.mulf %broadcast_in_dim3A_133, %get3A_136 : vector<24x1024xf32>
    %add3A_138 = arith.addf %add3A_130, %mul3A_137 : vector<24x1024xf32>
    %slice3A_139 = vector.extract_strided_slice %select_n3A_82 {offsets = [112, 0], sizes = [1, 1024], strides = [1, 1]} : vector<256x1024xf32> to vector<1x1024xf32>
    %broadcast_in_dim3A_140 = vector.shape_cast %slice3A_139 : vector<1x1024xf32> to vector<1x1024xf32>
    %broadcast_in_dim3A_141 = vector.broadcast %broadcast_in_dim3A_140 : vector<1x1024xf32> to vector<24x1024xf32>
    %get3A_142 = arith.constant 224 : index
    %get3A_143 = arith.constant 0 : index
    %get3A_144 = vector.load %arg2[%get3A_142, %get3A_143] : memref<512x1024xf32, #tpu.memory_space<vmem>>, vector<24x1024xf32>
    %mul3A_145 = arith.mulf %broadcast_in_dim3A_141, %get3A_144 : vector<24x1024xf32>
    %add3A_146 = arith.addf %add3A_138, %mul3A_145 : vector<24x1024xf32>
    %slice3A_147 = vector.extract_strided_slice %select_n3A_82 {offsets = [128, 0], sizes = [1, 1024], strides = [1, 1]} : vector<256x1024xf32> to vector<1x1024xf32>
    %broadcast_in_dim3A_148 = vector.shape_cast %slice3A_147 : vector<1x1024xf32> to vector<1x1024xf32>
    %broadcast_in_dim3A_149 = vector.broadcast %broadcast_in_dim3A_148 : vector<1x1024xf32> to vector<24x1024xf32>
    %get3A_150 = arith.constant 256 : index
    %get3A_151 = arith.constant 0 : index
    %get3A_152 = vector.load %arg2[%get3A_150, %get3A_151] : memref<512x1024xf32, #tpu.memory_space<vmem>>, vector<24x1024xf32>
    %mul3A_153 = arith.mulf %broadcast_in_dim3A_149, %get3A_152 : vector<24x1024xf32>
    %add3A_154 = arith.addf %add3A_146, %mul3A_153 : vector<24x1024xf32>
    %slice3A_155 = vector.extract_strided_slice %select_n3A_82 {offsets = [144, 0], sizes = [1, 1024], strides = [1, 1]} : vector<256x1024xf32> to vector<1x1024xf32>
    %broadcast_in_dim3A_156 = vector.shape_cast %slice3A_155 : vector<1x1024xf32> to vector<1x1024xf32>
    %broadcast_in_dim3A_157 = vector.broadcast %broadcast_in_dim3A_156 : vector<1x1024xf32> to vector<24x1024xf32>
    %get3A_158 = arith.constant 288 : index
    %get3A_159 = arith.constant 0 : index
    %get3A_160 = vector.load %arg2[%get3A_158, %get3A_159] : memref<512x1024xf32, #tpu.memory_space<vmem>>, vector<24x1024xf32>
    %mul3A_161 = arith.mulf %broadcast_in_dim3A_157, %get3A_160 : vector<24x1024xf32>
    %add3A_162 = arith.addf %add3A_154, %mul3A_161 : vector<24x1024xf32>
    %slice3A_163 = vector.extract_strided_slice %select_n3A_82 {offsets = [160, 0], sizes = [1, 1024], strides = [1, 1]} : vector<256x1024xf32> to vector<1x1024xf32>
    %broadcast_in_dim3A_164 = vector.shape_cast %slice3A_163 : vector<1x1024xf32> to vector<1x1024xf32>
    %broadcast_in_dim3A_165 = vector.broadcast %broadcast_in_dim3A_164 : vector<1x1024xf32> to vector<24x1024xf32>
    %get3A_166 = arith.constant 320 : index
    %get3A_167 = arith.constant 0 : index
    %get3A_168 = vector.load %arg2[%get3A_166, %get3A_167] : memref<512x1024xf32, #tpu.memory_space<vmem>>, vector<24x1024xf32>
    %mul3A_169 = arith.mulf %broadcast_in_dim3A_165, %get3A_168 : vector<24x1024xf32>
    %add3A_170 = arith.addf %add3A_162, %mul3A_169 : vector<24x1024xf32>
    %slice3A_171 = vector.extract_strided_slice %select_n3A_82 {offsets = [176, 0], sizes = [1, 1024], strides = [1, 1]} : vector<256x1024xf32> to vector<1x1024xf32>
    %broadcast_in_dim3A_172 = vector.shape_cast %slice3A_171 : vector<1x1024xf32> to vector<1x1024xf32>
    %broadcast_in_dim3A_173 = vector.broadcast %broadcast_in_dim3A_172 : vector<1x1024xf32> to vector<24x1024xf32>
    %get3A_174 = arith.constant 352 : index
    %get3A_175 = arith.constant 0 : index
    %get3A_176 = vector.load %arg2[%get3A_174, %get3A_175] : memref<512x1024xf32, #tpu.memory_space<vmem>>, vector<24x1024xf32>
    %mul3A_177 = arith.mulf %broadcast_in_dim3A_173, %get3A_176 : vector<24x1024xf32>
    %add3A_178 = arith.addf %add3A_170, %mul3A_177 : vector<24x1024xf32>
    %slice3A_179 = vector.extract_strided_slice %select_n3A_82 {offsets = [192, 0], sizes = [1, 1024], strides = [1, 1]} : vector<256x1024xf32> to vector<1x1024xf32>
    %broadcast_in_dim3A_180 = vector.shape_cast %slice3A_179 : vector<1x1024xf32> to vector<1x1024xf32>
    %broadcast_in_dim3A_181 = vector.broadcast %broadcast_in_dim3A_180 : vector<1x1024xf32> to vector<24x1024xf32>
    %get3A_182 = arith.constant 384 : index
    %get3A_183 = arith.constant 0 : index
    %get3A_184 = vector.load %arg2[%get3A_182, %get3A_183] : memref<512x1024xf32, #tpu.memory_space<vmem>>, vector<24x1024xf32>
    %mul3A_185 = arith.mulf %broadcast_in_dim3A_181, %get3A_184 : vector<24x1024xf32>
    %add3A_186 = arith.addf %add3A_178, %mul3A_185 : vector<24x1024xf32>
    %slice3A_187 = vector.extract_strided_slice %select_n3A_82 {offsets = [208, 0], sizes = [1, 1024], strides = [1, 1]} : vector<256x1024xf32> to vector<1x1024xf32>
    %broadcast_in_dim3A_188 = vector.shape_cast %slice3A_187 : vector<1x1024xf32> to vector<1x1024xf32>
    %broadcast_in_dim3A_189 = vector.broadcast %broadcast_in_dim3A_188 : vector<1x1024xf32> to vector<24x1024xf32>
    %get3A_190 = arith.constant 416 : index
    %get3A_191 = arith.constant 0 : index
    %get3A_192 = vector.load %arg2[%get3A_190, %get3A_191] : memref<512x1024xf32, #tpu.memory_space<vmem>>, vector<24x1024xf32>
    %mul3A_193 = arith.mulf %broadcast_in_dim3A_189, %get3A_192 : vector<24x1024xf32>
    %add3A_194 = arith.addf %add3A_186, %mul3A_193 : vector<24x1024xf32>
    %slice3A_195 = vector.extract_strided_slice %select_n3A_82 {offsets = [224, 0], sizes = [1, 1024], strides = [1, 1]} : vector<256x1024xf32> to vector<1x1024xf32>
    %broadcast_in_dim3A_196 = vector.shape_cast %slice3A_195 : vector<1x1024xf32> to vector<1x1024xf32>
    %broadcast_in_dim3A_197 = vector.broadcast %broadcast_in_dim3A_196 : vector<1x1024xf32> to vector<24x1024xf32>
    %get3A_198 = arith.constant 448 : index
    %get3A_199 = arith.constant 0 : index
    %get3A_200 = vector.load %arg2[%get3A_198, %get3A_199] : memref<512x1024xf32, #tpu.memory_space<vmem>>, vector<24x1024xf32>
    %mul3A_201 = arith.mulf %broadcast_in_dim3A_197, %get3A_200 : vector<24x1024xf32>
    %add3A_202 = arith.addf %add3A_194, %mul3A_201 : vector<24x1024xf32>
    %slice3A_203 = vector.extract_strided_slice %select_n3A_82 {offsets = [240, 0], sizes = [1, 1024], strides = [1, 1]} : vector<256x1024xf32> to vector<1x1024xf32>
    %broadcast_in_dim3A_204 = vector.shape_cast %slice3A_203 : vector<1x1024xf32> to vector<1x1024xf32>
    %broadcast_in_dim3A_205 = vector.broadcast %broadcast_in_dim3A_204 : vector<1x1024xf32> to vector<24x1024xf32>
    %get3A_206 = arith.constant 480 : index
    %get3A_207 = arith.constant 0 : index
    %get3A_208 = vector.load %arg2[%get3A_206, %get3A_207] : memref<512x1024xf32, #tpu.memory_space<vmem>>, vector<24x1024xf32>
    %mul3A_209 = arith.mulf %broadcast_in_dim3A_205, %get3A_208 : vector<24x1024xf32>
    %add3A_210 = arith.addf %add3A_202, %mul3A_209 : vector<24x1024xf32>
    %broadcast_in_dim3A_211 = arith.constant 0.000000e+00 : f32
    %broadcast_in_dim3A_212 = vector.broadcast %broadcast_in_dim3A_211 : f32 to vector<24x1024xf32>
    %slice3A_213 = vector.extract_strided_slice %select_n3A_82 {offsets = [1, 0], sizes = [1, 1024], strides = [1, 1]} : vector<256x1024xf32> to vector<1x1024xf32>
    %broadcast_in_dim3A_214 = vector.shape_cast %slice3A_213 : vector<1x1024xf32> to vector<1x1024xf32>
    %broadcast_in_dim3A_215 = vector.broadcast %broadcast_in_dim3A_214 : vector<1x1024xf32> to vector<24x1024xf32>
    %get3A_216 = arith.constant 0 : index
    %get3A_217 = arith.constant 0 : index
    %get3A_218 = vector.load %arg2[%get3A_216, %get3A_217] : memref<512x1024xf32, #tpu.memory_space<vmem>>, vector<24x1024xf32>
    %mul3A_219 = arith.mulf %broadcast_in_dim3A_215, %get3A_218 : vector<24x1024xf32>
    %add3A_220 = arith.addf %broadcast_in_dim3A_212, %mul3A_219 : vector<24x1024xf32>
    %slice3A_221 = vector.extract_strided_slice %select_n3A_82 {offsets = [17, 0], sizes = [1, 1024], strides = [1, 1]} : vector<256x1024xf32> to vector<1x1024xf32>
    %broadcast_in_dim3A_222 = vector.shape_cast %slice3A_221 : vector<1x1024xf32> to vector<1x1024xf32>
    %broadcast_in_dim3A_223 = vector.broadcast %broadcast_in_dim3A_222 : vector<1x1024xf32> to vector<24x1024xf32>
    %get3A_224 = arith.constant 32 : index
    %get3A_225 = arith.constant 0 : index
    %get3A_226 = vector.load %arg2[%get3A_224, %get3A_225] : memref<512x1024xf32, #tpu.memory_space<vmem>>, vector<24x1024xf32>
    %mul3A_227 = arith.mulf %broadcast_in_dim3A_223, %get3A_226 : vector<24x1024xf32>
    %add3A_228 = arith.addf %add3A_220, %mul3A_227 : vector<24x1024xf32>
    %slice3A_229 = vector.extract_strided_slice %select_n3A_82 {offsets = [33, 0], sizes = [1, 1024], strides = [1, 1]} : vector<256x1024xf32> to vector<1x1024xf32>
    %broadcast_in_dim3A_230 = vector.shape_cast %slice3A_229 : vector<1x1024xf32> to vector<1x1024xf32>
    %broadcast_in_dim3A_231 = vector.broadcast %broadcast_in_dim3A_230 : vector<1x1024xf32> to vector<24x1024xf32>
    %get3A_232 = arith.constant 64 : index
    %get3A_233 = arith.constant 0 : index
    %get3A_234 = vector.load %arg2[%get3A_232, %get3A_233] : memref<512x1024xf32, #tpu.memory_space<vmem>>, vector<24x1024xf32>
    %mul3A_235 = arith.mulf %broadcast_in_dim3A_231, %get3A_234 : vector<24x1024xf32>
    %add3A_236 = arith.addf %add3A_228, %mul3A_235 : vector<24x1024xf32>
    %slice3A_237 = vector.extract_strided_slice %select_n3A_82 {offsets = [49, 0], sizes = [1, 1024], strides = [1, 1]} : vector<256x1024xf32> to vector<1x1024xf32>
    %broadcast_in_dim3A_238 = vector.shape_cast %slice3A_237 : vector<1x1024xf32> to vector<1x1024xf32>
    %broadcast_in_dim3A_239 = vector.broadcast %broadcast_in_dim3A_238 : vector<1x1024xf32> to vector<24x1024xf32>
    %get3A_240 = arith.constant 96 : index
    %get3A_241 = arith.constant 0 : index
    %get3A_242 = vector.load %arg2[%get3A_240, %get3A_241] : memref<512x1024xf32, #tpu.memory_space<vmem>>, vector<24x1024xf32>
    %mul3A_243 = arith.mulf %broadcast_in_dim3A_239, %get3A_242 : vector<24x1024xf32>
    %add3A_244 = arith.addf %add3A_236, %mul3A_243 : vector<24x1024xf32>
    %slice3A_245 = vector.extract_strided_slice %select_n3A_82 {offsets = [65, 0], sizes = [1, 1024], strides = [1, 1]} : vector<256x1024xf32> to vector<1x1024xf32>
    %broadcast_in_dim3A_246 = vector.shape_cast %slice3A_245 : vector<1x1024xf32> to vector<1x1024xf32>
    %broadcast_in_dim3A_247 = vector.broadcast %broadcast_in_dim3A_246 : vector<1x1024xf32> to vector<24x1024xf32>
    %get3A_248 = arith.constant 128 : index
    %get3A_249 = arith.constant 0 : index
    %get3A_250 = vector.load %arg2[%get3A_248, %get3A_249] : memref<512x1024xf32, #tpu.memory_space<vmem>>, vector<24x1024xf32>
    %mul3A_251 = arith.mulf %broadcast_in_dim3A_247, %get3A_250 : vector<24x1024xf32>
    %add3A_252 = arith.addf %add3A_244, %mul3A_251 : vector<24x1024xf32>
    %slice3A_253 = vector.extract_strided_slice %select_n3A_82 {offsets = [81, 0], sizes = [1, 1024], strides = [1, 1]} : vector<256x1024xf32> to vector<1x1024xf32>
    %broadcast_in_dim3A_254 = vector.shape_cast %slice3A_253 : vector<1x1024xf32> to vector<1x1024xf32>
    %broadcast_in_dim3A_255 = vector.broadcast %broadcast_in_dim3A_254 : vector<1x1024xf32> to vector<24x1024xf32>
    %get3A_256 = arith.constant 160 : index
    %get3A_257 = arith.constant 0 : index
    %get3A_258 = vector.load %arg2[%get3A_256, %get3A_257] : memref<512x1024xf32, #tpu.memory_space<vmem>>, vector<24x1024xf32>
    %mul3A_259 = arith.mulf %broadcast_in_dim3A_255, %get3A_258 : vector<24x1024xf32>
    %add3A_260 = arith.addf %add3A_252, %mul3A_259 : vector<24x1024xf32>
    %slice3A_261 = vector.extract_strided_slice %select_n3A_82 {offsets = [97, 0], sizes = [1, 1024], strides = [1, 1]} : vector<256x1024xf32> to vector<1x1024xf32>
    %broadcast_in_dim3A_262 = vector.shape_cast %slice3A_261 : vector<1x1024xf32> to vector<1x1024xf32>
    %broadcast_in_dim3A_263 = vector.broadcast %broadcast_in_dim3A_262 : vector<1x1024xf32> to vector<24x1024xf32>
    %get3A_264 = arith.constant 192 : index
    %get3A_265 = arith.constant 0 : index
    %get3A_266 = vector.load %arg2[%get3A_264, %get3A_265] : memref<512x1024xf32, #tpu.memory_space<vmem>>, vector<24x1024xf32>
    %mul3A_267 = arith.mulf %broadcast_in_dim3A_263, %get3A_266 : vector<24x1024xf32>
    %add3A_268 = arith.addf %add3A_260, %mul3A_267 : vector<24x1024xf32>
    %slice3A_269 = vector.extract_strided_slice %select_n3A_82 {offsets = [113, 0], sizes = [1, 1024], strides = [1, 1]} : vector<256x1024xf32> to vector<1x1024xf32>
    %broadcast_in_dim3A_270 = vector.shape_cast %slice3A_269 : vector<1x1024xf32> to vector<1x1024xf32>
    %broadcast_in_dim3A_271 = vector.broadcast %broadcast_in_dim3A_270 : vector<1x1024xf32> to vector<24x1024xf32>
    %get3A_272 = arith.constant 224 : index
    %get3A_273 = arith.constant 0 : index
    %get3A_274 = vector.load %arg2[%get3A_272, %get3A_273] : memref<512x1024xf32, #tpu.memory_space<vmem>>, vector<24x1024xf32>
    %mul3A_275 = arith.mulf %broadcast_in_dim3A_271, %get3A_274 : vector<24x1024xf32>
    %add3A_276 = arith.addf %add3A_268, %mul3A_275 : vector<24x1024xf32>
    %slice3A_277 = vector.extract_strided_slice %select_n3A_82 {offsets = [129, 0], sizes = [1, 1024], strides = [1, 1]} : vector<256x1024xf32> to vector<1x1024xf32>
    %broadcast_in_dim3A_278 = vector.shape_cast %slice3A_277 : vector<1x1024xf32> to vector<1x1024xf32>
    %broadcast_in_dim3A_279 = vector.broadcast %broadcast_in_dim3A_278 : vector<1x1024xf32> to vector<24x1024xf32>
    %get3A_280 = arith.constant 256 : index
    %get3A_281 = arith.constant 0 : index
    %get3A_282 = vector.load %arg2[%get3A_280, %get3A_281] : memref<512x1024xf32, #tpu.memory_space<vmem>>, vector<24x1024xf32>
    %mul3A_283 = arith.mulf %broadcast_in_dim3A_279, %get3A_282 : vector<24x1024xf32>
    %add3A_284 = arith.addf %add3A_276, %mul3A_283 : vector<24x1024xf32>
    %slice3A_285 = vector.extract_strided_slice %select_n3A_82 {offsets = [145, 0], sizes = [1, 1024], strides = [1, 1]} : vector<256x1024xf32> to vector<1x1024xf32>
    %broadcast_in_dim3A_286 = vector.shape_cast %slice3A_285 : vector<1x1024xf32> to vector<1x1024xf32>
    %broadcast_in_dim3A_287 = vector.broadcast %broadcast_in_dim3A_286 : vector<1x1024xf32> to vector<24x1024xf32>
    %get3A_288 = arith.constant 288 : index
    %get3A_289 = arith.constant 0 : index
    %get3A_290 = vector.load %arg2[%get3A_288, %get3A_289] : memref<512x1024xf32, #tpu.memory_space<vmem>>, vector<24x1024xf32>
    %mul3A_291 = arith.mulf %broadcast_in_dim3A_287, %get3A_290 : vector<24x1024xf32>
    %add3A_292 = arith.addf %add3A_284, %mul3A_291 : vector<24x1024xf32>
    %slice3A_293 = vector.extract_strided_slice %select_n3A_82 {offsets = [161, 0], sizes = [1, 1024], strides = [1, 1]} : vector<256x1024xf32> to vector<1x1024xf32>
    %broadcast_in_dim3A_294 = vector.shape_cast %slice3A_293 : vector<1x1024xf32> to vector<1x1024xf32>
    %broadcast_in_dim3A_295 = vector.broadcast %broadcast_in_dim3A_294 : vector<1x1024xf32> to vector<24x1024xf32>
    %get3A_296 = arith.constant 320 : index
    %get3A_297 = arith.constant 0 : index
    %get3A_298 = vector.load %arg2[%get3A_296, %get3A_297] : memref<512x1024xf32, #tpu.memory_space<vmem>>, vector<24x1024xf32>
    %mul3A_299 = arith.mulf %broadcast_in_dim3A_295, %get3A_298 : vector<24x1024xf32>
    %add3A_300 = arith.addf %add3A_292, %mul3A_299 : vector<24x1024xf32>
    %slice3A_301 = vector.extract_strided_slice %select_n3A_82 {offsets = [177, 0], sizes = [1, 1024], strides = [1, 1]} : vector<256x1024xf32> to vector<1x1024xf32>
    %broadcast_in_dim3A_302 = vector.shape_cast %slice3A_301 : vector<1x1024xf32> to vector<1x1024xf32>
    %broadcast_in_dim3A_303 = vector.broadcast %broadcast_in_dim3A_302 : vector<1x1024xf32> to vector<24x1024xf32>
    %get3A_304 = arith.constant 352 : index
    %get3A_305 = arith.constant 0 : index
    %get3A_306 = vector.load %arg2[%get3A_304, %get3A_305] : memref<512x1024xf32, #tpu.memory_space<vmem>>, vector<24x1024xf32>
    %mul3A_307 = arith.mulf %broadcast_in_dim3A_303, %get3A_306 : vector<24x1024xf32>
    %add3A_308 = arith.addf %add3A_300, %mul3A_307 : vector<24x1024xf32>
    %slice3A_309 = vector.extract_strided_slice %select_n3A_82 {offsets = [193, 0], sizes = [1, 1024], strides = [1, 1]} : vector<256x1024xf32> to vector<1x1024xf32>
    %broadcast_in_dim3A_310 = vector.shape_cast %slice3A_309 : vector<1x1024xf32> to vector<1x1024xf32>
    %broadcast_in_dim3A_311 = vector.broadcast %broadcast_in_dim3A_310 : vector<1x1024xf32> to vector<24x1024xf32>
    %get3A_312 = arith.constant 384 : index
    %get3A_313 = arith.constant 0 : index
    %get3A_314 = vector.load %arg2[%get3A_312, %get3A_313] : memref<512x1024xf32, #tpu.memory_space<vmem>>, vector<24x1024xf32>
    %mul3A_315 = arith.mulf %broadcast_in_dim3A_311, %get3A_314 : vector<24x1024xf32>
    %add3A_316 = arith.addf %add3A_308, %mul3A_315 : vector<24x1024xf32>
    %slice3A_317 = vector.extract_strided_slice %select_n3A_82 {offsets = [209, 0], sizes = [1, 1024], strides = [1, 1]} : vector<256x1024xf32> to vector<1x1024xf32>
    %broadcast_in_dim3A_318 = vector.shape_cast %slice3A_317 : vector<1x1024xf32> to vector<1x1024xf32>
    %broadcast_in_dim3A_319 = vector.broadcast %broadcast_in_dim3A_318 : vector<1x1024xf32> to vector<24x1024xf32>
    %get3A_320 = arith.constant 416 : index
    %get3A_321 = arith.constant 0 : index
    %get3A_322 = vector.load %arg2[%get3A_320, %get3A_321] : memref<512x1024xf32, #tpu.memory_space<vmem>>, vector<24x1024xf32>
    %mul3A_323 = arith.mulf %broadcast_in_dim3A_319, %get3A_322 : vector<24x1024xf32>
    %add3A_324 = arith.addf %add3A_316, %mul3A_323 : vector<24x1024xf32>
    %slice3A_325 = vector.extract_strided_slice %select_n3A_82 {offsets = [225, 0], sizes = [1, 1024], strides = [1, 1]} : vector<256x1024xf32> to vector<1x1024xf32>
    %broadcast_in_dim3A_326 = vector.shape_cast %slice3A_325 : vector<1x1024xf32> to vector<1x1024xf32>
    %broadcast_in_dim3A_327 = vector.broadcast %broadcast_in_dim3A_326 : vector<1x1024xf32> to vector<24x1024xf32>
    %get3A_328 = arith.constant 448 : index
    %get3A_329 = arith.constant 0 : index
    %get3A_330 = vector.load %arg2[%get3A_328, %get3A_329] : memref<512x1024xf32, #tpu.memory_space<vmem>>, vector<24x1024xf32>
    %mul3A_331 = arith.mulf %broadcast_in_dim3A_327, %get3A_330 : vector<24x1024xf32>
    %add3A_332 = arith.addf %add3A_324, %mul3A_331 : vector<24x1024xf32>
    %slice3A_333 = vector.extract_strided_slice %select_n3A_82 {offsets = [241, 0], sizes = [1, 1024], strides = [1, 1]} : vector<256x1024xf32> to vector<1x1024xf32>
    %broadcast_in_dim3A_334 = vector.shape_cast %slice3A_333 : vector<1x1024xf32> to vector<1x1024xf32>
    %broadcast_in_dim3A_335 = vector.broadcast %broadcast_in_dim3A_334 : vector<1x1024xf32> to vector<24x1024xf32>
    %get3A_336 = arith.constant 480 : index
    %get3A_337 = arith.constant 0 : index
    %get3A_338 = vector.load %arg2[%get3A_336, %get3A_337] : memref<512x1024xf32, #tpu.memory_space<vmem>>, vector<24x1024xf32>
    %mul3A_339 = arith.mulf %broadcast_in_dim3A_335, %get3A_338 : vector<24x1024xf32>
    %add3A_340 = arith.addf %add3A_332, %mul3A_339 : vector<24x1024xf32>
    %broadcast_in_dim3A_341 = arith.constant 0.000000e+00 : f32
    %broadcast_in_dim3A_342 = vector.broadcast %broadcast_in_dim3A_341 : f32 to vector<24x1024xf32>
    %slice3A_343 = vector.extract_strided_slice %select_n3A_82 {offsets = [2, 0], sizes = [1, 1024], strides = [1, 1]} : vector<256x1024xf32> to vector<1x1024xf32>
    %broadcast_in_dim3A_344 = vector.shape_cast %slice3A_343 : vector<1x1024xf32> to vector<1x1024xf32>
    %broadcast_in_dim3A_345 = vector.broadcast %broadcast_in_dim3A_344 : vector<1x1024xf32> to vector<24x1024xf32>
    %get3A_346 = arith.constant 0 : index
    %get3A_347 = arith.constant 0 : index
    %get3A_348 = vector.load %arg2[%get3A_346, %get3A_347] : memref<512x1024xf32, #tpu.memory_space<vmem>>, vector<24x1024xf32>
    %mul3A_349 = arith.mulf %broadcast_in_dim3A_345, %get3A_348 : vector<24x1024xf32>
    %add3A_350 = arith.addf %broadcast_in_dim3A_342, %mul3A_349 : vector<24x1024xf32>
    %slice3A_351 = vector.extract_strided_slice %select_n3A_82 {offsets = [18, 0], sizes = [1, 1024], strides = [1, 1]} : vector<256x1024xf32> to vector<1x1024xf32>
    %broadcast_in_dim3A_352 = vector.shape_cast %slice3A_351 : vector<1x1024xf32> to vector<1x1024xf32>
    %broadcast_in_dim3A_353 = vector.broadcast %broadcast_in_dim3A_352 : vector<1x1024xf32> to vector<24x1024xf32>
    %get3A_354 = arith.constant 32 : index
    %get3A_355 = arith.constant 0 : index
    %get3A_356 = vector.load %arg2[%get3A_354, %get3A_355] : memref<512x1024xf32, #tpu.memory_space<vmem>>, vector<24x1024xf32>
    %mul3A_357 = arith.mulf %broadcast_in_dim3A_353, %get3A_356 : vector<24x1024xf32>
    %add3A_358 = arith.addf %add3A_350, %mul3A_357 : vector<24x1024xf32>
    %slice3A_359 = vector.extract_strided_slice %select_n3A_82 {offsets = [34, 0], sizes = [1, 1024], strides = [1, 1]} : vector<256x1024xf32> to vector<1x1024xf32>
    %broadcast_in_dim3A_360 = vector.shape_cast %slice3A_359 : vector<1x1024xf32> to vector<1x1024xf32>
    %broadcast_in_dim3A_361 = vector.broadcast %broadcast_in_dim3A_360 : vector<1x1024xf32> to vector<24x1024xf32>
    %get3A_362 = arith.constant 64 : index
    %get3A_363 = arith.constant 0 : index
    %get3A_364 = vector.load %arg2[%get3A_362, %get3A_363] : memref<512x1024xf32, #tpu.memory_space<vmem>>, vector<24x1024xf32>
    %mul3A_365 = arith.mulf %broadcast_in_dim3A_361, %get3A_364 : vector<24x1024xf32>
    %add3A_366 = arith.addf %add3A_358, %mul3A_365 : vector<24x1024xf32>
    %slice3A_367 = vector.extract_strided_slice %select_n3A_82 {offsets = [50, 0], sizes = [1, 1024], strides = [1, 1]} : vector<256x1024xf32> to vector<1x1024xf32>
    %broadcast_in_dim3A_368 = vector.shape_cast %slice3A_367 : vector<1x1024xf32> to vector<1x1024xf32>
    %broadcast_in_dim3A_369 = vector.broadcast %broadcast_in_dim3A_368 : vector<1x1024xf32> to vector<24x1024xf32>
    %get3A_370 = arith.constant 96 : index
    %get3A_371 = arith.constant 0 : index
    %get3A_372 = vector.load %arg2[%get3A_370, %get3A_371] : memref<512x1024xf32, #tpu.memory_space<vmem>>, vector<24x1024xf32>
    %mul3A_373 = arith.mulf %broadcast_in_dim3A_369, %get3A_372 : vector<24x1024xf32>
    %add3A_374 = arith.addf %add3A_366, %mul3A_373 : vector<24x1024xf32>
    %slice3A_375 = vector.extract_strided_slice %select_n3A_82 {offsets = [66, 0], sizes = [1, 1024], strides = [1, 1]} : vector<256x1024xf32> to vector<1x1024xf32>
    %broadcast_in_dim3A_376 = vector.shape_cast %slice3A_375 : vector<1x1024xf32> to vector<1x1024xf32>
    %broadcast_in_dim3A_377 = vector.broadcast %broadcast_in_dim3A_376 : vector<1x1024xf32> to vector<24x1024xf32>
    %get3A_378 = arith.constant 128 : index
    %get3A_379 = arith.constant 0 : index
    %get3A_380 = vector.load %arg2[%get3A_378, %get3A_379] : memref<512x1024xf32, #tpu.memory_space<vmem>>, vector<24x1024xf32>
    %mul3A_381 = arith.mulf %broadcast_in_dim3A_377, %get3A_380 : vector<24x1024xf32>
    %add3A_382 = arith.addf %add3A_374, %mul3A_381 : vector<24x1024xf32>
    %slice3A_383 = vector.extract_strided_slice %select_n3A_82 {offsets = [82, 0], sizes = [1, 1024], strides = [1, 1]} : vector<256x1024xf32> to vector<1x1024xf32>
    %broadcast_in_dim3A_384 = vector.shape_cast %slice3A_383 : vector<1x1024xf32> to vector<1x1024xf32>
    %broadcast_in_dim3A_385 = vector.broadcast %broadcast_in_dim3A_384 : vector<1x1024xf32> to vector<24x1024xf32>
    %get3A_386 = arith.constant 160 : index
    %get3A_387 = arith.constant 0 : index
    %get3A_388 = vector.load %arg2[%get3A_386, %get3A_387] : memref<512x1024xf32, #tpu.memory_space<vmem>>, vector<24x1024xf32>
    %mul3A_389 = arith.mulf %broadcast_in_dim3A_385, %get3A_388 : vector<24x1024xf32>
    %add3A_390 = arith.addf %add3A_382, %mul3A_389 : vector<24x1024xf32>
    %slice3A_391 = vector.extract_strided_slice %select_n3A_82 {offsets = [98, 0], sizes = [1, 1024], strides = [1, 1]} : vector<256x1024xf32> to vector<1x1024xf32>
    %broadcast_in_dim3A_392 = vector.shape_cast %slice3A_391 : vector<1x1024xf32> to vector<1x1024xf32>
    %broadcast_in_dim3A_393 = vector.broadcast %broadcast_in_dim3A_392 : vector<1x1024xf32> to vector<24x1024xf32>
    %get3A_394 = arith.constant 192 : index
    %get3A_395 = arith.constant 0 : index
    %get3A_396 = vector.load %arg2[%get3A_394, %get3A_395] : memref<512x1024xf32, #tpu.memory_space<vmem>>, vector<24x1024xf32>
    %mul3A_397 = arith.mulf %broadcast_in_dim3A_393, %get3A_396 : vector<24x1024xf32>
    %add3A_398 = arith.addf %add3A_390, %mul3A_397 : vector<24x1024xf32>
    %slice3A_399 = vector.extract_strided_slice %select_n3A_82 {offsets = [114, 0], sizes = [1, 1024], strides = [1, 1]} : vector<256x1024xf32> to vector<1x1024xf32>
    %broadcast_in_dim3A_400 = vector.shape_cast %slice3A_399 : vector<1x1024xf32> to vector<1x1024xf32>
    %broadcast_in_dim3A_401 = vector.broadcast %broadcast_in_dim3A_400 : vector<1x1024xf32> to vector<24x1024xf32>
    %get3A_402 = arith.constant 224 : index
    %get3A_403 = arith.constant 0 : index
    %get3A_404 = vector.load %arg2[%get3A_402, %get3A_403] : memref<512x1024xf32, #tpu.memory_space<vmem>>, vector<24x1024xf32>
    %mul3A_405 = arith.mulf %broadcast_in_dim3A_401, %get3A_404 : vector<24x1024xf32>
    %add3A_406 = arith.addf %add3A_398, %mul3A_405 : vector<24x1024xf32>
    %slice3A_407 = vector.extract_strided_slice %select_n3A_82 {offsets = [130, 0], sizes = [1, 1024], strides = [1, 1]} : vector<256x1024xf32> to vector<1x1024xf32>
    %broadcast_in_dim3A_408 = vector.shape_cast %slice3A_407 : vector<1x1024xf32> to vector<1x1024xf32>
    %broadcast_in_dim3A_409 = vector.broadcast %broadcast_in_dim3A_408 : vector<1x1024xf32> to vector<24x1024xf32>
    %get3A_410 = arith.constant 256 : index
    %get3A_411 = arith.constant 0 : index
    %get3A_412 = vector.load %arg2[%get3A_410, %get3A_411] : memref<512x1024xf32, #tpu.memory_space<vmem>>, vector<24x1024xf32>
    %mul3A_413 = arith.mulf %broadcast_in_dim3A_409, %get3A_412 : vector<24x1024xf32>
    %add3A_414 = arith.addf %add3A_406, %mul3A_413 : vector<24x1024xf32>
    %slice3A_415 = vector.extract_strided_slice %select_n3A_82 {offsets = [146, 0], sizes = [1, 1024], strides = [1, 1]} : vector<256x1024xf32> to vector<1x1024xf32>
    %broadcast_in_dim3A_416 = vector.shape_cast %slice3A_415 : vector<1x1024xf32> to vector<1x1024xf32>
    %broadcast_in_dim3A_417 = vector.broadcast %broadcast_in_dim3A_416 : vector<1x1024xf32> to vector<24x1024xf32>
    %get3A_418 = arith.constant 288 : index
    %get3A_419 = arith.constant 0 : index
    %get3A_420 = vector.load %arg2[%get3A_418, %get3A_419] : memref<512x1024xf32, #tpu.memory_space<vmem>>, vector<24x1024xf32>
    %mul3A_421 = arith.mulf %broadcast_in_dim3A_417, %get3A_420 : vector<24x1024xf32>
    %add3A_422 = arith.addf %add3A_414, %mul3A_421 : vector<24x1024xf32>
    %slice3A_423 = vector.extract_strided_slice %select_n3A_82 {offsets = [162, 0], sizes = [1, 1024], strides = [1, 1]} : vector<256x1024xf32> to vector<1x1024xf32>
    %broadcast_in_dim3A_424 = vector.shape_cast %slice3A_423 : vector<1x1024xf32> to vector<1x1024xf32>
    %broadcast_in_dim3A_425 = vector.broadcast %broadcast_in_dim3A_424 : vector<1x1024xf32> to vector<24x1024xf32>
    %get3A_426 = arith.constant 320 : index
    %get3A_427 = arith.constant 0 : index
    %get3A_428 = vector.load %arg2[%get3A_426, %get3A_427] : memref<512x1024xf32, #tpu.memory_space<vmem>>, vector<24x1024xf32>
    %mul3A_429 = arith.mulf %broadcast_in_dim3A_425, %get3A_428 : vector<24x1024xf32>
    %add3A_430 = arith.addf %add3A_422, %mul3A_429 : vector<24x1024xf32>
    %slice3A_431 = vector.extract_strided_slice %select_n3A_82 {offsets = [178, 0], sizes = [1, 1024], strides = [1, 1]} : vector<256x1024xf32> to vector<1x1024xf32>
    %broadcast_in_dim3A_432 = vector.shape_cast %slice3A_431 : vector<1x1024xf32> to vector<1x1024xf32>
    %broadcast_in_dim3A_433 = vector.broadcast %broadcast_in_dim3A_432 : vector<1x1024xf32> to vector<24x1024xf32>
    %get3A_434 = arith.constant 352 : index
    %get3A_435 = arith.constant 0 : index
    %get3A_436 = vector.load %arg2[%get3A_434, %get3A_435] : memref<512x1024xf32, #tpu.memory_space<vmem>>, vector<24x1024xf32>
    %mul3A_437 = arith.mulf %broadcast_in_dim3A_433, %get3A_436 : vector<24x1024xf32>
    %add3A_438 = arith.addf %add3A_430, %mul3A_437 : vector<24x1024xf32>
    %slice3A_439 = vector.extract_strided_slice %select_n3A_82 {offsets = [194, 0], sizes = [1, 1024], strides = [1, 1]} : vector<256x1024xf32> to vector<1x1024xf32>
    %broadcast_in_dim3A_440 = vector.shape_cast %slice3A_439 : vector<1x1024xf32> to vector<1x1024xf32>
    %broadcast_in_dim3A_441 = vector.broadcast %broadcast_in_dim3A_440 : vector<1x1024xf32> to vector<24x1024xf32>
    %get3A_442 = arith.constant 384 : index
    %get3A_443 = arith.constant 0 : index
    %get3A_444 = vector.load %arg2[%get3A_442, %get3A_443] : memref<512x1024xf32, #tpu.memory_space<vmem>>, vector<24x1024xf32>
    %mul3A_445 = arith.mulf %broadcast_in_dim3A_441, %get3A_444 : vector<24x1024xf32>
    %add3A_446 = arith.addf %add3A_438, %mul3A_445 : vector<24x1024xf32>
    %slice3A_447 = vector.extract_strided_slice %select_n3A_82 {offsets = [210, 0], sizes = [1, 1024], strides = [1, 1]} : vector<256x1024xf32> to vector<1x1024xf32>
    %broadcast_in_dim3A_448 = vector.shape_cast %slice3A_447 : vector<1x1024xf32> to vector<1x1024xf32>
    %broadcast_in_dim3A_449 = vector.broadcast %broadcast_in_dim3A_448 : vector<1x1024xf32> to vector<24x1024xf32>
    %get3A_450 = arith.constant 416 : index
    %get3A_451 = arith.constant 0 : index
    %get3A_452 = vector.load %arg2[%get3A_450, %get3A_451] : memref<512x1024xf32, #tpu.memory_space<vmem>>, vector<24x1024xf32>
    %mul3A_453 = arith.mulf %broadcast_in_dim3A_449, %get3A_452 : vector<24x1024xf32>
    %add3A_454 = arith.addf %add3A_446, %mul3A_453 : vector<24x1024xf32>
    %slice3A_455 = vector.extract_strided_slice %select_n3A_82 {offsets = [226, 0], sizes = [1, 1024], strides = [1, 1]} : vector<256x1024xf32> to vector<1x1024xf32>
    %broadcast_in_dim3A_456 = vector.shape_cast %slice3A_455 : vector<1x1024xf32> to vector<1x1024xf32>
    %broadcast_in_dim3A_457 = vector.broadcast %broadcast_in_dim3A_456 : vector<1x1024xf32> to vector<24x1024xf32>
    %get3A_458 = arith.constant 448 : index
    %get3A_459 = arith.constant 0 : index
    %get3A_460 = vector.load %arg2[%get3A_458, %get3A_459] : memref<512x1024xf32, #tpu.memory_space<vmem>>, vector<24x1024xf32>
    %mul3A_461 = arith.mulf %broadcast_in_dim3A_457, %get3A_460 : vector<24x1024xf32>
    %add3A_462 = arith.addf %add3A_454, %mul3A_461 : vector<24x1024xf32>
    %slice3A_463 = vector.extract_strided_slice %select_n3A_82 {offsets = [242, 0], sizes = [1, 1024], strides = [1, 1]} : vector<256x1024xf32> to vector<1x1024xf32>
    %broadcast_in_dim3A_464 = vector.shape_cast %slice3A_463 : vector<1x1024xf32> to vector<1x1024xf32>
    %broadcast_in_dim3A_465 = vector.broadcast %broadcast_in_dim3A_464 : vector<1x1024xf32> to vector<24x1024xf32>
    %get3A_466 = arith.constant 480 : index
    %get3A_467 = arith.constant 0 : index
    %get3A_468 = vector.load %arg2[%get3A_466, %get3A_467] : memref<512x1024xf32, #tpu.memory_space<vmem>>, vector<24x1024xf32>
    %mul3A_469 = arith.mulf %broadcast_in_dim3A_465, %get3A_468 : vector<24x1024xf32>
    %add3A_470 = arith.addf %add3A_462, %mul3A_469 : vector<24x1024xf32>
    %broadcast_in_dim3A_471 = arith.constant 0.000000e+00 : f32
    %broadcast_in_dim3A_472 = vector.broadcast %broadcast_in_dim3A_471 : f32 to vector<24x1024xf32>
    %slice3A_473 = vector.extract_strided_slice %select_n3A_82 {offsets = [3, 0], sizes = [1, 1024], strides = [1, 1]} : vector<256x1024xf32> to vector<1x1024xf32>
    %broadcast_in_dim3A_474 = vector.shape_cast %slice3A_473 : vector<1x1024xf32> to vector<1x1024xf32>
    %broadcast_in_dim3A_475 = vector.broadcast %broadcast_in_dim3A_474 : vector<1x1024xf32> to vector<24x1024xf32>
    %get3A_476 = arith.constant 0 : index
    %get3A_477 = arith.constant 0 : index
    %get3A_478 = vector.load %arg2[%get3A_476, %get3A_477] : memref<512x1024xf32, #tpu.memory_space<vmem>>, vector<24x1024xf32>
    %mul3A_479 = arith.mulf %broadcast_in_dim3A_475, %get3A_478 : vector<24x1024xf32>
    %add3A_480 = arith.addf %broadcast_in_dim3A_472, %mul3A_479 : vector<24x1024xf32>
    %slice3A_481 = vector.extract_strided_slice %select_n3A_82 {offsets = [19, 0], sizes = [1, 1024], strides = [1, 1]} : vector<256x1024xf32> to vector<1x1024xf32>
    %broadcast_in_dim3A_482 = vector.shape_cast %slice3A_481 : vector<1x1024xf32> to vector<1x1024xf32>
    %broadcast_in_dim3A_483 = vector.broadcast %broadcast_in_dim3A_482 : vector<1x1024xf32> to vector<24x1024xf32>
    %get3A_484 = arith.constant 32 : index
    %get3A_485 = arith.constant 0 : index
    %get3A_486 = vector.load %arg2[%get3A_484, %get3A_485] : memref<512x1024xf32, #tpu.memory_space<vmem>>, vector<24x1024xf32>
    %mul3A_487 = arith.mulf %broadcast_in_dim3A_483, %get3A_486 : vector<24x1024xf32>
    %add3A_488 = arith.addf %add3A_480, %mul3A_487 : vector<24x1024xf32>
    %slice3A_489 = vector.extract_strided_slice %select_n3A_82 {offsets = [35, 0], sizes = [1, 1024], strides = [1, 1]} : vector<256x1024xf32> to vector<1x1024xf32>
    %broadcast_in_dim3A_490 = vector.shape_cast %slice3A_489 : vector<1x1024xf32> to vector<1x1024xf32>
    %broadcast_in_dim3A_491 = vector.broadcast %broadcast_in_dim3A_490 : vector<1x1024xf32> to vector<24x1024xf32>
    %get3A_492 = arith.constant 64 : index
    %get3A_493 = arith.constant 0 : index
    %get3A_494 = vector.load %arg2[%get3A_492, %get3A_493] : memref<512x1024xf32, #tpu.memory_space<vmem>>, vector<24x1024xf32>
    %mul3A_495 = arith.mulf %broadcast_in_dim3A_491, %get3A_494 : vector<24x1024xf32>
    %add3A_496 = arith.addf %add3A_488, %mul3A_495 : vector<24x1024xf32>
    %slice3A_497 = vector.extract_strided_slice %select_n3A_82 {offsets = [51, 0], sizes = [1, 1024], strides = [1, 1]} : vector<256x1024xf32> to vector<1x1024xf32>
    %broadcast_in_dim3A_498 = vector.shape_cast %slice3A_497 : vector<1x1024xf32> to vector<1x1024xf32>
    %broadcast_in_dim3A_499 = vector.broadcast %broadcast_in_dim3A_498 : vector<1x1024xf32> to vector<24x1024xf32>
    %get3A_500 = arith.constant 96 : index
    %get3A_501 = arith.constant 0 : index
    %get3A_502 = vector.load %arg2[%get3A_500, %get3A_501] : memref<512x1024xf32, #tpu.memory_space<vmem>>, vector<24x1024xf32>
    %mul3A_503 = arith.mulf %broadcast_in_dim3A_499, %get3A_502 : vector<24x1024xf32>
    %add3A_504 = arith.addf %add3A_496, %mul3A_503 : vector<24x1024xf32>
    %slice3A_505 = vector.extract_strided_slice %select_n3A_82 {offsets = [67, 0], sizes = [1, 1024], strides = [1, 1]} : vector<256x1024xf32> to vector<1x1024xf32>
    %broadcast_in_dim3A_506 = vector.shape_cast %slice3A_505 : vector<1x1024xf32> to vector<1x1024xf32>
    %broadcast_in_dim3A_507 = vector.broadcast %broadcast_in_dim3A_506 : vector<1x1024xf32> to vector<24x1024xf32>
    %get3A_508 = arith.constant 128 : index
    %get3A_509 = arith.constant 0 : index
    %get3A_510 = vector.load %arg2[%get3A_508, %get3A_509] : memref<512x1024xf32, #tpu.memory_space<vmem>>, vector<24x1024xf32>
    %mul3A_511 = arith.mulf %broadcast_in_dim3A_507, %get3A_510 : vector<24x1024xf32>
    %add3A_512 = arith.addf %add3A_504, %mul3A_511 : vector<24x1024xf32>
    %slice3A_513 = vector.extract_strided_slice %select_n3A_82 {offsets = [83, 0], sizes = [1, 1024], strides = [1, 1]} : vector<256x1024xf32> to vector<1x1024xf32>
    %broadcast_in_dim3A_514 = vector.shape_cast %slice3A_513 : vector<1x1024xf32> to vector<1x1024xf32>
    %broadcast_in_dim3A_515 = vector.broadcast %broadcast_in_dim3A_514 : vector<1x1024xf32> to vector<24x1024xf32>
    %get3A_516 = arith.constant 160 : index
    %get3A_517 = arith.constant 0 : index
    %get3A_518 = vector.load %arg2[%get3A_516, %get3A_517] : memref<512x1024xf32, #tpu.memory_space<vmem>>, vector<24x1024xf32>
    %mul3A_519 = arith.mulf %broadcast_in_dim3A_515, %get3A_518 : vector<24x1024xf32>
    %add3A_520 = arith.addf %add3A_512, %mul3A_519 : vector<24x1024xf32>
    %slice3A_521 = vector.extract_strided_slice %select_n3A_82 {offsets = [99, 0], sizes = [1, 1024], strides = [1, 1]} : vector<256x1024xf32> to vector<1x1024xf32>
    %broadcast_in_dim3A_522 = vector.shape_cast %slice3A_521 : vector<1x1024xf32> to vector<1x1024xf32>
    %broadcast_in_dim3A_523 = vector.broadcast %broadcast_in_dim3A_522 : vector<1x1024xf32> to vector<24x1024xf32>
    %get3A_524 = arith.constant 192 : index
    %get3A_525 = arith.constant 0 : index
    %get3A_526 = vector.load %arg2[%get3A_524, %get3A_525] : memref<512x1024xf32, #tpu.memory_space<vmem>>, vector<24x1024xf32>
    %mul3A_527 = arith.mulf %broadcast_in_dim3A_523, %get3A_526 : vector<24x1024xf32>
    %add3A_528 = arith.addf %add3A_520, %mul3A_527 : vector<24x1024xf32>
    %slice3A_529 = vector.extract_strided_slice %select_n3A_82 {offsets = [115, 0], sizes = [1, 1024], strides = [1, 1]} : vector<256x1024xf32> to vector<1x1024xf32>
    %broadcast_in_dim3A_530 = vector.shape_cast %slice3A_529 : vector<1x1024xf32> to vector<1x1024xf32>
    %broadcast_in_dim3A_531 = vector.broadcast %broadcast_in_dim3A_530 : vector<1x1024xf32> to vector<24x1024xf32>
    %get3A_532 = arith.constant 224 : index
    %get3A_533 = arith.constant 0 : index
    %get3A_534 = vector.load %arg2[%get3A_532, %get3A_533] : memref<512x1024xf32, #tpu.memory_space<vmem>>, vector<24x1024xf32>
    %mul3A_535 = arith.mulf %broadcast_in_dim3A_531, %get3A_534 : vector<24x1024xf32>
    %add3A_536 = arith.addf %add3A_528, %mul3A_535 : vector<24x1024xf32>
    %slice3A_537 = vector.extract_strided_slice %select_n3A_82 {offsets = [131, 0], sizes = [1, 1024], strides = [1, 1]} : vector<256x1024xf32> to vector<1x1024xf32>
    %broadcast_in_dim3A_538 = vector.shape_cast %slice3A_537 : vector<1x1024xf32> to vector<1x1024xf32>
    %broadcast_in_dim3A_539 = vector.broadcast %broadcast_in_dim3A_538 : vector<1x1024xf32> to vector<24x1024xf32>
    %get3A_540 = arith.constant 256 : index
    %get3A_541 = arith.constant 0 : index
    %get3A_542 = vector.load %arg2[%get3A_540, %get3A_541] : memref<512x1024xf32, #tpu.memory_space<vmem>>, vector<24x1024xf32>
    %mul3A_543 = arith.mulf %broadcast_in_dim3A_539, %get3A_542 : vector<24x1024xf32>
    %add3A_544 = arith.addf %add3A_536, %mul3A_543 : vector<24x1024xf32>
    %slice3A_545 = vector.extract_strided_slice %select_n3A_82 {offsets = [147, 0], sizes = [1, 1024], strides = [1, 1]} : vector<256x1024xf32> to vector<1x1024xf32>
    %broadcast_in_dim3A_546 = vector.shape_cast %slice3A_545 : vector<1x1024xf32> to vector<1x1024xf32>
    %broadcast_in_dim3A_547 = vector.broadcast %broadcast_in_dim3A_546 : vector<1x1024xf32> to vector<24x1024xf32>
    %get3A_548 = arith.constant 288 : index
    %get3A_549 = arith.constant 0 : index
    %get3A_550 = vector.load %arg2[%get3A_548, %get3A_549] : memref<512x1024xf32, #tpu.memory_space<vmem>>, vector<24x1024xf32>
    %mul3A_551 = arith.mulf %broadcast_in_dim3A_547, %get3A_550 : vector<24x1024xf32>
    %add3A_552 = arith.addf %add3A_544, %mul3A_551 : vector<24x1024xf32>
    %slice3A_553 = vector.extract_strided_slice %select_n3A_82 {offsets = [163, 0], sizes = [1, 1024], strides = [1, 1]} : vector<256x1024xf32> to vector<1x1024xf32>
    %broadcast_in_dim3A_554 = vector.shape_cast %slice3A_553 : vector<1x1024xf32> to vector<1x1024xf32>
    %broadcast_in_dim3A_555 = vector.broadcast %broadcast_in_dim3A_554 : vector<1x1024xf32> to vector<24x1024xf32>
    %get3A_556 = arith.constant 320 : index
    %get3A_557 = arith.constant 0 : index
    %get3A_558 = vector.load %arg2[%get3A_556, %get3A_557] : memref<512x1024xf32, #tpu.memory_space<vmem>>, vector<24x1024xf32>
    %mul3A_559 = arith.mulf %broadcast_in_dim3A_555, %get3A_558 : vector<24x1024xf32>
    %add3A_560 = arith.addf %add3A_552, %mul3A_559 : vector<24x1024xf32>
    %slice3A_561 = vector.extract_strided_slice %select_n3A_82 {offsets = [179, 0], sizes = [1, 1024], strides = [1, 1]} : vector<256x1024xf32> to vector<1x1024xf32>
    %broadcast_in_dim3A_562 = vector.shape_cast %slice3A_561 : vector<1x1024xf32> to vector<1x1024xf32>
    %broadcast_in_dim3A_563 = vector.broadcast %broadcast_in_dim3A_562 : vector<1x1024xf32> to vector<24x1024xf32>
    %get3A_564 = arith.constant 352 : index
    %get3A_565 = arith.constant 0 : index
    %get3A_566 = vector.load %arg2[%get3A_564, %get3A_565] : memref<512x1024xf32, #tpu.memory_space<vmem>>, vector<24x1024xf32>
    %mul3A_567 = arith.mulf %broadcast_in_dim3A_563, %get3A_566 : vector<24x1024xf32>
    %add3A_568 = arith.addf %add3A_560, %mul3A_567 : vector<24x1024xf32>
    %slice3A_569 = vector.extract_strided_slice %select_n3A_82 {offsets = [195, 0], sizes = [1, 1024], strides = [1, 1]} : vector<256x1024xf32> to vector<1x1024xf32>
    %broadcast_in_dim3A_570 = vector.shape_cast %slice3A_569 : vector<1x1024xf32> to vector<1x1024xf32>
    %broadcast_in_dim3A_571 = vector.broadcast %broadcast_in_dim3A_570 : vector<1x1024xf32> to vector<24x1024xf32>
    %get3A_572 = arith.constant 384 : index
    %get3A_573 = arith.constant 0 : index
    %get3A_574 = vector.load %arg2[%get3A_572, %get3A_573] : memref<512x1024xf32, #tpu.memory_space<vmem>>, vector<24x1024xf32>
    %mul3A_575 = arith.mulf %broadcast_in_dim3A_571, %get3A_574 : vector<24x1024xf32>
    %add3A_576 = arith.addf %add3A_568, %mul3A_575 : vector<24x1024xf32>
    %slice3A_577 = vector.extract_strided_slice %select_n3A_82 {offsets = [211, 0], sizes = [1, 1024], strides = [1, 1]} : vector<256x1024xf32> to vector<1x1024xf32>
    %broadcast_in_dim3A_578 = vector.shape_cast %slice3A_577 : vector<1x1024xf32> to vector<1x1024xf32>
    %broadcast_in_dim3A_579 = vector.broadcast %broadcast_in_dim3A_578 : vector<1x1024xf32> to vector<24x1024xf32>
    %get3A_580 = arith.constant 416 : index
    %get3A_581 = arith.constant 0 : index
    %get3A_582 = vector.load %arg2[%get3A_580, %get3A_581] : memref<512x1024xf32, #tpu.memory_space<vmem>>, vector<24x1024xf32>
    %mul3A_583 = arith.mulf %broadcast_in_dim3A_579, %get3A_582 : vector<24x1024xf32>
    %add3A_584 = arith.addf %add3A_576, %mul3A_583 : vector<24x1024xf32>
    %slice3A_585 = vector.extract_strided_slice %select_n3A_82 {offsets = [227, 0], sizes = [1, 1024], strides = [1, 1]} : vector<256x1024xf32> to vector<1x1024xf32>
    %broadcast_in_dim3A_586 = vector.shape_cast %slice3A_585 : vector<1x1024xf32> to vector<1x1024xf32>
    %broadcast_in_dim3A_587 = vector.broadcast %broadcast_in_dim3A_586 : vector<1x1024xf32> to vector<24x1024xf32>
    %get3A_588 = arith.constant 448 : index
    %get3A_589 = arith.constant 0 : index
    %get3A_590 = vector.load %arg2[%get3A_588, %get3A_589] : memref<512x1024xf32, #tpu.memory_space<vmem>>, vector<24x1024xf32>
    %mul3A_591 = arith.mulf %broadcast_in_dim3A_587, %get3A_590 : vector<24x1024xf32>
    %add3A_592 = arith.addf %add3A_584, %mul3A_591 : vector<24x1024xf32>
    %slice3A_593 = vector.extract_strided_slice %select_n3A_82 {offsets = [243, 0], sizes = [1, 1024], strides = [1, 1]} : vector<256x1024xf32> to vector<1x1024xf32>
    %broadcast_in_dim3A_594 = vector.shape_cast %slice3A_593 : vector<1x1024xf32> to vector<1x1024xf32>
    %broadcast_in_dim3A_595 = vector.broadcast %broadcast_in_dim3A_594 : vector<1x1024xf32> to vector<24x1024xf32>
    %get3A_596 = arith.constant 480 : index
    %get3A_597 = arith.constant 0 : index
    %get3A_598 = vector.load %arg2[%get3A_596, %get3A_597] : memref<512x1024xf32, #tpu.memory_space<vmem>>, vector<24x1024xf32>
    %mul3A_599 = arith.mulf %broadcast_in_dim3A_595, %get3A_598 : vector<24x1024xf32>
    %add3A_600 = arith.addf %add3A_592, %mul3A_599 : vector<24x1024xf32>
    %broadcast_in_dim3A_601 = arith.constant 0.000000e+00 : f32
    %broadcast_in_dim3A_602 = vector.broadcast %broadcast_in_dim3A_601 : f32 to vector<24x1024xf32>
    %slice3A_603 = vector.extract_strided_slice %select_n3A_82 {offsets = [4, 0], sizes = [1, 1024], strides = [1, 1]} : vector<256x1024xf32> to vector<1x1024xf32>
    %broadcast_in_dim3A_604 = vector.shape_cast %slice3A_603 : vector<1x1024xf32> to vector<1x1024xf32>
    %broadcast_in_dim3A_605 = vector.broadcast %broadcast_in_dim3A_604 : vector<1x1024xf32> to vector<24x1024xf32>
    %get3A_606 = arith.constant 0 : index
    %get3A_607 = arith.constant 0 : index
    %get3A_608 = vector.load %arg2[%get3A_606, %get3A_607] : memref<512x1024xf32, #tpu.memory_space<vmem>>, vector<24x1024xf32>
    %mul3A_609 = arith.mulf %broadcast_in_dim3A_605, %get3A_608 : vector<24x1024xf32>
    %add3A_610 = arith.addf %broadcast_in_dim3A_602, %mul3A_609 : vector<24x1024xf32>
    %slice3A_611 = vector.extract_strided_slice %select_n3A_82 {offsets = [20, 0], sizes = [1, 1024], strides = [1, 1]} : vector<256x1024xf32> to vector<1x1024xf32>
    %broadcast_in_dim3A_612 = vector.shape_cast %slice3A_611 : vector<1x1024xf32> to vector<1x1024xf32>
    %broadcast_in_dim3A_613 = vector.broadcast %broadcast_in_dim3A_612 : vector<1x1024xf32> to vector<24x1024xf32>
    %get3A_614 = arith.constant 32 : index
    %get3A_615 = arith.constant 0 : index
    %get3A_616 = vector.load %arg2[%get3A_614, %get3A_615] : memref<512x1024xf32, #tpu.memory_space<vmem>>, vector<24x1024xf32>
    %mul3A_617 = arith.mulf %broadcast_in_dim3A_613, %get3A_616 : vector<24x1024xf32>
    %add3A_618 = arith.addf %add3A_610, %mul3A_617 : vector<24x1024xf32>
    %slice3A_619 = vector.extract_strided_slice %select_n3A_82 {offsets = [36, 0], sizes = [1, 1024], strides = [1, 1]} : vector<256x1024xf32> to vector<1x1024xf32>
    %broadcast_in_dim3A_620 = vector.shape_cast %slice3A_619 : vector<1x1024xf32> to vector<1x1024xf32>
    %broadcast_in_dim3A_621 = vector.broadcast %broadcast_in_dim3A_620 : vector<1x1024xf32> to vector<24x1024xf32>
    %get3A_622 = arith.constant 64 : index
    %get3A_623 = arith.constant 0 : index
    %get3A_624 = vector.load %arg2[%get3A_622, %get3A_623] : memref<512x1024xf32, #tpu.memory_space<vmem>>, vector<24x1024xf32>
    %mul3A_625 = arith.mulf %broadcast_in_dim3A_621, %get3A_624 : vector<24x1024xf32>
    %add3A_626 = arith.addf %add3A_618, %mul3A_625 : vector<24x1024xf32>
    %slice3A_627 = vector.extract_strided_slice %select_n3A_82 {offsets = [52, 0], sizes = [1, 1024], strides = [1, 1]} : vector<256x1024xf32> to vector<1x1024xf32>
    %broadcast_in_dim3A_628 = vector.shape_cast %slice3A_627 : vector<1x1024xf32> to vector<1x1024xf32>
    %broadcast_in_dim3A_629 = vector.broadcast %broadcast_in_dim3A_628 : vector<1x1024xf32> to vector<24x1024xf32>
    %get3A_630 = arith.constant 96 : index
    %get3A_631 = arith.constant 0 : index
    %get3A_632 = vector.load %arg2[%get3A_630, %get3A_631] : memref<512x1024xf32, #tpu.memory_space<vmem>>, vector<24x1024xf32>
    %mul3A_633 = arith.mulf %broadcast_in_dim3A_629, %get3A_632 : vector<24x1024xf32>
    %add3A_634 = arith.addf %add3A_626, %mul3A_633 : vector<24x1024xf32>
    %slice3A_635 = vector.extract_strided_slice %select_n3A_82 {offsets = [68, 0], sizes = [1, 1024], strides = [1, 1]} : vector<256x1024xf32> to vector<1x1024xf32>
    %broadcast_in_dim3A_636 = vector.shape_cast %slice3A_635 : vector<1x1024xf32> to vector<1x1024xf32>
    %broadcast_in_dim3A_637 = vector.broadcast %broadcast_in_dim3A_636 : vector<1x1024xf32> to vector<24x1024xf32>
    %get3A_638 = arith.constant 128 : index
    %get3A_639 = arith.constant 0 : index
    %get3A_640 = vector.load %arg2[%get3A_638, %get3A_639] : memref<512x1024xf32, #tpu.memory_space<vmem>>, vector<24x1024xf32>
    %mul3A_641 = arith.mulf %broadcast_in_dim3A_637, %get3A_640 : vector<24x1024xf32>
    %add3A_642 = arith.addf %add3A_634, %mul3A_641 : vector<24x1024xf32>
    %slice3A_643 = vector.extract_strided_slice %select_n3A_82 {offsets = [84, 0], sizes = [1, 1024], strides = [1, 1]} : vector<256x1024xf32> to vector<1x1024xf32>
    %broadcast_in_dim3A_644 = vector.shape_cast %slice3A_643 : vector<1x1024xf32> to vector<1x1024xf32>
    %broadcast_in_dim3A_645 = vector.broadcast %broadcast_in_dim3A_644 : vector<1x1024xf32> to vector<24x1024xf32>
    %get3A_646 = arith.constant 160 : index
    %get3A_647 = arith.constant 0 : index
    %get3A_648 = vector.load %arg2[%get3A_646, %get3A_647] : memref<512x1024xf32, #tpu.memory_space<vmem>>, vector<24x1024xf32>
    %mul3A_649 = arith.mulf %broadcast_in_dim3A_645, %get3A_648 : vector<24x1024xf32>
    %add3A_650 = arith.addf %add3A_642, %mul3A_649 : vector<24x1024xf32>
    %slice3A_651 = vector.extract_strided_slice %select_n3A_82 {offsets = [100, 0], sizes = [1, 1024], strides = [1, 1]} : vector<256x1024xf32> to vector<1x1024xf32>
    %broadcast_in_dim3A_652 = vector.shape_cast %slice3A_651 : vector<1x1024xf32> to vector<1x1024xf32>
    %broadcast_in_dim3A_653 = vector.broadcast %broadcast_in_dim3A_652 : vector<1x1024xf32> to vector<24x1024xf32>
    %get3A_654 = arith.constant 192 : index
    %get3A_655 = arith.constant 0 : index
    %get3A_656 = vector.load %arg2[%get3A_654, %get3A_655] : memref<512x1024xf32, #tpu.memory_space<vmem>>, vector<24x1024xf32>
    %mul3A_657 = arith.mulf %broadcast_in_dim3A_653, %get3A_656 : vector<24x1024xf32>
    %add3A_658 = arith.addf %add3A_650, %mul3A_657 : vector<24x1024xf32>
    %slice3A_659 = vector.extract_strided_slice %select_n3A_82 {offsets = [116, 0], sizes = [1, 1024], strides = [1, 1]} : vector<256x1024xf32> to vector<1x1024xf32>
    %broadcast_in_dim3A_660 = vector.shape_cast %slice3A_659 : vector<1x1024xf32> to vector<1x1024xf32>
    %broadcast_in_dim3A_661 = vector.broadcast %broadcast_in_dim3A_660 : vector<1x1024xf32> to vector<24x1024xf32>
    %get3A_662 = arith.constant 224 : index
    %get3A_663 = arith.constant 0 : index
    %get3A_664 = vector.load %arg2[%get3A_662, %get3A_663] : memref<512x1024xf32, #tpu.memory_space<vmem>>, vector<24x1024xf32>
    %mul3A_665 = arith.mulf %broadcast_in_dim3A_661, %get3A_664 : vector<24x1024xf32>
    %add3A_666 = arith.addf %add3A_658, %mul3A_665 : vector<24x1024xf32>
    %slice3A_667 = vector.extract_strided_slice %select_n3A_82 {offsets = [132, 0], sizes = [1, 1024], strides = [1, 1]} : vector<256x1024xf32> to vector<1x1024xf32>
    %broadcast_in_dim3A_668 = vector.shape_cast %slice3A_667 : vector<1x1024xf32> to vector<1x1024xf32>
    %broadcast_in_dim3A_669 = vector.broadcast %broadcast_in_dim3A_668 : vector<1x1024xf32> to vector<24x1024xf32>
    %get3A_670 = arith.constant 256 : index
    %get3A_671 = arith.constant 0 : index
    %get3A_672 = vector.load %arg2[%get3A_670, %get3A_671] : memref<512x1024xf32, #tpu.memory_space<vmem>>, vector<24x1024xf32>
    %mul3A_673 = arith.mulf %broadcast_in_dim3A_669, %get3A_672 : vector<24x1024xf32>
    %add3A_674 = arith.addf %add3A_666, %mul3A_673 : vector<24x1024xf32>
    %slice3A_675 = vector.extract_strided_slice %select_n3A_82 {offsets = [148, 0], sizes = [1, 1024], strides = [1, 1]} : vector<256x1024xf32> to vector<1x1024xf32>
    %broadcast_in_dim3A_676 = vector.shape_cast %slice3A_675 : vector<1x1024xf32> to vector<1x1024xf32>
    %broadcast_in_dim3A_677 = vector.broadcast %broadcast_in_dim3A_676 : vector<1x1024xf32> to vector<24x1024xf32>
    %get3A_678 = arith.constant 288 : index
    %get3A_679 = arith.constant 0 : index
    %get3A_680 = vector.load %arg2[%get3A_678, %get3A_679] : memref<512x1024xf32, #tpu.memory_space<vmem>>, vector<24x1024xf32>
    %mul3A_681 = arith.mulf %broadcast_in_dim3A_677, %get3A_680 : vector<24x1024xf32>
    %add3A_682 = arith.addf %add3A_674, %mul3A_681 : vector<24x1024xf32>
    %slice3A_683 = vector.extract_strided_slice %select_n3A_82 {offsets = [164, 0], sizes = [1, 1024], strides = [1, 1]} : vector<256x1024xf32> to vector<1x1024xf32>
    %broadcast_in_dim3A_684 = vector.shape_cast %slice3A_683 : vector<1x1024xf32> to vector<1x1024xf32>
    %broadcast_in_dim3A_685 = vector.broadcast %broadcast_in_dim3A_684 : vector<1x1024xf32> to vector<24x1024xf32>
    %get3A_686 = arith.constant 320 : index
    %get3A_687 = arith.constant 0 : index
    %get3A_688 = vector.load %arg2[%get3A_686, %get3A_687] : memref<512x1024xf32, #tpu.memory_space<vmem>>, vector<24x1024xf32>
    %mul3A_689 = arith.mulf %broadcast_in_dim3A_685, %get3A_688 : vector<24x1024xf32>
    %add3A_690 = arith.addf %add3A_682, %mul3A_689 : vector<24x1024xf32>
    %slice3A_691 = vector.extract_strided_slice %select_n3A_82 {offsets = [180, 0], sizes = [1, 1024], strides = [1, 1]} : vector<256x1024xf32> to vector<1x1024xf32>
    %broadcast_in_dim3A_692 = vector.shape_cast %slice3A_691 : vector<1x1024xf32> to vector<1x1024xf32>
    %broadcast_in_dim3A_693 = vector.broadcast %broadcast_in_dim3A_692 : vector<1x1024xf32> to vector<24x1024xf32>
    %get3A_694 = arith.constant 352 : index
    %get3A_695 = arith.constant 0 : index
    %get3A_696 = vector.load %arg2[%get3A_694, %get3A_695] : memref<512x1024xf32, #tpu.memory_space<vmem>>, vector<24x1024xf32>
    %mul3A_697 = arith.mulf %broadcast_in_dim3A_693, %get3A_696 : vector<24x1024xf32>
    %add3A_698 = arith.addf %add3A_690, %mul3A_697 : vector<24x1024xf32>
    %slice3A_699 = vector.extract_strided_slice %select_n3A_82 {offsets = [196, 0], sizes = [1, 1024], strides = [1, 1]} : vector<256x1024xf32> to vector<1x1024xf32>
    %broadcast_in_dim3A_700 = vector.shape_cast %slice3A_699 : vector<1x1024xf32> to vector<1x1024xf32>
    %broadcast_in_dim3A_701 = vector.broadcast %broadcast_in_dim3A_700 : vector<1x1024xf32> to vector<24x1024xf32>
    %get3A_702 = arith.constant 384 : index
    %get3A_703 = arith.constant 0 : index
    %get3A_704 = vector.load %arg2[%get3A_702, %get3A_703] : memref<512x1024xf32, #tpu.memory_space<vmem>>, vector<24x1024xf32>
    %mul3A_705 = arith.mulf %broadcast_in_dim3A_701, %get3A_704 : vector<24x1024xf32>
    %add3A_706 = arith.addf %add3A_698, %mul3A_705 : vector<24x1024xf32>
    %slice3A_707 = vector.extract_strided_slice %select_n3A_82 {offsets = [212, 0], sizes = [1, 1024], strides = [1, 1]} : vector<256x1024xf32> to vector<1x1024xf32>
    %broadcast_in_dim3A_708 = vector.shape_cast %slice3A_707 : vector<1x1024xf32> to vector<1x1024xf32>
    %broadcast_in_dim3A_709 = vector.broadcast %broadcast_in_dim3A_708 : vector<1x1024xf32> to vector<24x1024xf32>
    %get3A_710 = arith.constant 416 : index
    %get3A_711 = arith.constant 0 : index
    %get3A_712 = vector.load %arg2[%get3A_710, %get3A_711] : memref<512x1024xf32, #tpu.memory_space<vmem>>, vector<24x1024xf32>
    %mul3A_713 = arith.mulf %broadcast_in_dim3A_709, %get3A_712 : vector<24x1024xf32>
    %add3A_714 = arith.addf %add3A_706, %mul3A_713 : vector<24x1024xf32>
    %slice3A_715 = vector.extract_strided_slice %select_n3A_82 {offsets = [228, 0], sizes = [1, 1024], strides = [1, 1]} : vector<256x1024xf32> to vector<1x1024xf32>
    %broadcast_in_dim3A_716 = vector.shape_cast %slice3A_715 : vector<1x1024xf32> to vector<1x1024xf32>
    %broadcast_in_dim3A_717 = vector.broadcast %broadcast_in_dim3A_716 : vector<1x1024xf32> to vector<24x1024xf32>
    %get3A_718 = arith.constant 448 : index
    %get3A_719 = arith.constant 0 : index
    %get3A_720 = vector.load %arg2[%get3A_718, %get3A_719] : memref<512x1024xf32, #tpu.memory_space<vmem>>, vector<24x1024xf32>
    %mul3A_721 = arith.mulf %broadcast_in_dim3A_717, %get3A_720 : vector<24x1024xf32>
    %add3A_722 = arith.addf %add3A_714, %mul3A_721 : vector<24x1024xf32>
    %slice3A_723 = vector.extract_strided_slice %select_n3A_82 {offsets = [244, 0], sizes = [1, 1024], strides = [1, 1]} : vector<256x1024xf32> to vector<1x1024xf32>
    %broadcast_in_dim3A_724 = vector.shape_cast %slice3A_723 : vector<1x1024xf32> to vector<1x1024xf32>
    %broadcast_in_dim3A_725 = vector.broadcast %broadcast_in_dim3A_724 : vector<1x1024xf32> to vector<24x1024xf32>
    %get3A_726 = arith.constant 480 : index
    %get3A_727 = arith.constant 0 : index
    %get3A_728 = vector.load %arg2[%get3A_726, %get3A_727] : memref<512x1024xf32, #tpu.memory_space<vmem>>, vector<24x1024xf32>
    %mul3A_729 = arith.mulf %broadcast_in_dim3A_725, %get3A_728 : vector<24x1024xf32>
    %add3A_730 = arith.addf %add3A_722, %mul3A_729 : vector<24x1024xf32>
    %broadcast_in_dim3A_731 = arith.constant 0.000000e+00 : f32
    %broadcast_in_dim3A_732 = vector.broadcast %broadcast_in_dim3A_731 : f32 to vector<24x1024xf32>
    %slice3A_733 = vector.extract_strided_slice %select_n3A_82 {offsets = [5, 0], sizes = [1, 1024], strides = [1, 1]} : vector<256x1024xf32> to vector<1x1024xf32>
    %broadcast_in_dim3A_734 = vector.shape_cast %slice3A_733 : vector<1x1024xf32> to vector<1x1024xf32>
    %broadcast_in_dim3A_735 = vector.broadcast %broadcast_in_dim3A_734 : vector<1x1024xf32> to vector<24x1024xf32>
    %get3A_736 = arith.constant 0 : index
    %get3A_737 = arith.constant 0 : index
    %get3A_738 = vector.load %arg2[%get3A_736, %get3A_737] : memref<512x1024xf32, #tpu.memory_space<vmem>>, vector<24x1024xf32>
    %mul3A_739 = arith.mulf %broadcast_in_dim3A_735, %get3A_738 : vector<24x1024xf32>
    %add3A_740 = arith.addf %broadcast_in_dim3A_732, %mul3A_739 : vector<24x1024xf32>
    %slice3A_741 = vector.extract_strided_slice %select_n3A_82 {offsets = [21, 0], sizes = [1, 1024], strides = [1, 1]} : vector<256x1024xf32> to vector<1x1024xf32>
    %broadcast_in_dim3A_742 = vector.shape_cast %slice3A_741 : vector<1x1024xf32> to vector<1x1024xf32>
    %broadcast_in_dim3A_743 = vector.broadcast %broadcast_in_dim3A_742 : vector<1x1024xf32> to vector<24x1024xf32>
    %get3A_744 = arith.constant 32 : index
    %get3A_745 = arith.constant 0 : index
    %get3A_746 = vector.load %arg2[%get3A_744, %get3A_745] : memref<512x1024xf32, #tpu.memory_space<vmem>>, vector<24x1024xf32>
    %mul3A_747 = arith.mulf %broadcast_in_dim3A_743, %get3A_746 : vector<24x1024xf32>
    %add3A_748 = arith.addf %add3A_740, %mul3A_747 : vector<24x1024xf32>
    %slice3A_749 = vector.extract_strided_slice %select_n3A_82 {offsets = [37, 0], sizes = [1, 1024], strides = [1, 1]} : vector<256x1024xf32> to vector<1x1024xf32>
    %broadcast_in_dim3A_750 = vector.shape_cast %slice3A_749 : vector<1x1024xf32> to vector<1x1024xf32>
    %broadcast_in_dim3A_751 = vector.broadcast %broadcast_in_dim3A_750 : vector<1x1024xf32> to vector<24x1024xf32>
    %get3A_752 = arith.constant 64 : index
    %get3A_753 = arith.constant 0 : index
    %get3A_754 = vector.load %arg2[%get3A_752, %get3A_753] : memref<512x1024xf32, #tpu.memory_space<vmem>>, vector<24x1024xf32>
    %mul3A_755 = arith.mulf %broadcast_in_dim3A_751, %get3A_754 : vector<24x1024xf32>
    %add3A_756 = arith.addf %add3A_748, %mul3A_755 : vector<24x1024xf32>
    %slice3A_757 = vector.extract_strided_slice %select_n3A_82 {offsets = [53, 0], sizes = [1, 1024], strides = [1, 1]} : vector<256x1024xf32> to vector<1x1024xf32>
    %broadcast_in_dim3A_758 = vector.shape_cast %slice3A_757 : vector<1x1024xf32> to vector<1x1024xf32>
    %broadcast_in_dim3A_759 = vector.broadcast %broadcast_in_dim3A_758 : vector<1x1024xf32> to vector<24x1024xf32>
    %get3A_760 = arith.constant 96 : index
    %get3A_761 = arith.constant 0 : index
    %get3A_762 = vector.load %arg2[%get3A_760, %get3A_761] : memref<512x1024xf32, #tpu.memory_space<vmem>>, vector<24x1024xf32>
    %mul3A_763 = arith.mulf %broadcast_in_dim3A_759, %get3A_762 : vector<24x1024xf32>
    %add3A_764 = arith.addf %add3A_756, %mul3A_763 : vector<24x1024xf32>
    %slice3A_765 = vector.extract_strided_slice %select_n3A_82 {offsets = [69, 0], sizes = [1, 1024], strides = [1, 1]} : vector<256x1024xf32> to vector<1x1024xf32>
    %broadcast_in_dim3A_766 = vector.shape_cast %slice3A_765 : vector<1x1024xf32> to vector<1x1024xf32>
    %broadcast_in_dim3A_767 = vector.broadcast %broadcast_in_dim3A_766 : vector<1x1024xf32> to vector<24x1024xf32>
    %get3A_768 = arith.constant 128 : index
    %get3A_769 = arith.constant 0 : index
    %get3A_770 = vector.load %arg2[%get3A_768, %get3A_769] : memref<512x1024xf32, #tpu.memory_space<vmem>>, vector<24x1024xf32>
    %mul3A_771 = arith.mulf %broadcast_in_dim3A_767, %get3A_770 : vector<24x1024xf32>
    %add3A_772 = arith.addf %add3A_764, %mul3A_771 : vector<24x1024xf32>
    %slice3A_773 = vector.extract_strided_slice %select_n3A_82 {offsets = [85, 0], sizes = [1, 1024], strides = [1, 1]} : vector<256x1024xf32> to vector<1x1024xf32>
    %broadcast_in_dim3A_774 = vector.shape_cast %slice3A_773 : vector<1x1024xf32> to vector<1x1024xf32>
    %broadcast_in_dim3A_775 = vector.broadcast %broadcast_in_dim3A_774 : vector<1x1024xf32> to vector<24x1024xf32>
    %get3A_776 = arith.constant 160 : index
    %get3A_777 = arith.constant 0 : index
    %get3A_778 = vector.load %arg2[%get3A_776, %get3A_777] : memref<512x1024xf32, #tpu.memory_space<vmem>>, vector<24x1024xf32>
    %mul3A_779 = arith.mulf %broadcast_in_dim3A_775, %get3A_778 : vector<24x1024xf32>
    %add3A_780 = arith.addf %add3A_772, %mul3A_779 : vector<24x1024xf32>
    %slice3A_781 = vector.extract_strided_slice %select_n3A_82 {offsets = [101, 0], sizes = [1, 1024], strides = [1, 1]} : vector<256x1024xf32> to vector<1x1024xf32>
    %broadcast_in_dim3A_782 = vector.shape_cast %slice3A_781 : vector<1x1024xf32> to vector<1x1024xf32>
    %broadcast_in_dim3A_783 = vector.broadcast %broadcast_in_dim3A_782 : vector<1x1024xf32> to vector<24x1024xf32>
    %get3A_784 = arith.constant 192 : index
    %get3A_785 = arith.constant 0 : index
    %get3A_786 = vector.load %arg2[%get3A_784, %get3A_785] : memref<512x1024xf32, #tpu.memory_space<vmem>>, vector<24x1024xf32>
    %mul3A_787 = arith.mulf %broadcast_in_dim3A_783, %get3A_786 : vector<24x1024xf32>
    %add3A_788 = arith.addf %add3A_780, %mul3A_787 : vector<24x1024xf32>
    %slice3A_789 = vector.extract_strided_slice %select_n3A_82 {offsets = [117, 0], sizes = [1, 1024], strides = [1, 1]} : vector<256x1024xf32> to vector<1x1024xf32>
    %broadcast_in_dim3A_790 = vector.shape_cast %slice3A_789 : vector<1x1024xf32> to vector<1x1024xf32>
    %broadcast_in_dim3A_791 = vector.broadcast %broadcast_in_dim3A_790 : vector<1x1024xf32> to vector<24x1024xf32>
    %get3A_792 = arith.constant 224 : index
    %get3A_793 = arith.constant 0 : index
    %get3A_794 = vector.load %arg2[%get3A_792, %get3A_793] : memref<512x1024xf32, #tpu.memory_space<vmem>>, vector<24x1024xf32>
    %mul3A_795 = arith.mulf %broadcast_in_dim3A_791, %get3A_794 : vector<24x1024xf32>
    %add3A_796 = arith.addf %add3A_788, %mul3A_795 : vector<24x1024xf32>
    %slice3A_797 = vector.extract_strided_slice %select_n3A_82 {offsets = [133, 0], sizes = [1, 1024], strides = [1, 1]} : vector<256x1024xf32> to vector<1x1024xf32>
    %broadcast_in_dim3A_798 = vector.shape_cast %slice3A_797 : vector<1x1024xf32> to vector<1x1024xf32>
    %broadcast_in_dim3A_799 = vector.broadcast %broadcast_in_dim3A_798 : vector<1x1024xf32> to vector<24x1024xf32>
    %get3A_800 = arith.constant 256 : index
    %get3A_801 = arith.constant 0 : index
    %get3A_802 = vector.load %arg2[%get3A_800, %get3A_801] : memref<512x1024xf32, #tpu.memory_space<vmem>>, vector<24x1024xf32>
    %mul3A_803 = arith.mulf %broadcast_in_dim3A_799, %get3A_802 : vector<24x1024xf32>
    %add3A_804 = arith.addf %add3A_796, %mul3A_803 : vector<24x1024xf32>
    %slice3A_805 = vector.extract_strided_slice %select_n3A_82 {offsets = [149, 0], sizes = [1, 1024], strides = [1, 1]} : vector<256x1024xf32> to vector<1x1024xf32>
    %broadcast_in_dim3A_806 = vector.shape_cast %slice3A_805 : vector<1x1024xf32> to vector<1x1024xf32>
    %broadcast_in_dim3A_807 = vector.broadcast %broadcast_in_dim3A_806 : vector<1x1024xf32> to vector<24x1024xf32>
    %get3A_808 = arith.constant 288 : index
    %get3A_809 = arith.constant 0 : index
    %get3A_810 = vector.load %arg2[%get3A_808, %get3A_809] : memref<512x1024xf32, #tpu.memory_space<vmem>>, vector<24x1024xf32>
    %mul3A_811 = arith.mulf %broadcast_in_dim3A_807, %get3A_810 : vector<24x1024xf32>
    %add3A_812 = arith.addf %add3A_804, %mul3A_811 : vector<24x1024xf32>
    %slice3A_813 = vector.extract_strided_slice %select_n3A_82 {offsets = [165, 0], sizes = [1, 1024], strides = [1, 1]} : vector<256x1024xf32> to vector<1x1024xf32>
    %broadcast_in_dim3A_814 = vector.shape_cast %slice3A_813 : vector<1x1024xf32> to vector<1x1024xf32>
    %broadcast_in_dim3A_815 = vector.broadcast %broadcast_in_dim3A_814 : vector<1x1024xf32> to vector<24x1024xf32>
    %get3A_816 = arith.constant 320 : index
    %get3A_817 = arith.constant 0 : index
    %get3A_818 = vector.load %arg2[%get3A_816, %get3A_817] : memref<512x1024xf32, #tpu.memory_space<vmem>>, vector<24x1024xf32>
    %mul3A_819 = arith.mulf %broadcast_in_dim3A_815, %get3A_818 : vector<24x1024xf32>
    %add3A_820 = arith.addf %add3A_812, %mul3A_819 : vector<24x1024xf32>
    %slice3A_821 = vector.extract_strided_slice %select_n3A_82 {offsets = [181, 0], sizes = [1, 1024], strides = [1, 1]} : vector<256x1024xf32> to vector<1x1024xf32>
    %broadcast_in_dim3A_822 = vector.shape_cast %slice3A_821 : vector<1x1024xf32> to vector<1x1024xf32>
    %broadcast_in_dim3A_823 = vector.broadcast %broadcast_in_dim3A_822 : vector<1x1024xf32> to vector<24x1024xf32>
    %get3A_824 = arith.constant 352 : index
    %get3A_825 = arith.constant 0 : index
    %get3A_826 = vector.load %arg2[%get3A_824, %get3A_825] : memref<512x1024xf32, #tpu.memory_space<vmem>>, vector<24x1024xf32>
    %mul3A_827 = arith.mulf %broadcast_in_dim3A_823, %get3A_826 : vector<24x1024xf32>
    %add3A_828 = arith.addf %add3A_820, %mul3A_827 : vector<24x1024xf32>
    %slice3A_829 = vector.extract_strided_slice %select_n3A_82 {offsets = [197, 0], sizes = [1, 1024], strides = [1, 1]} : vector<256x1024xf32> to vector<1x1024xf32>
    %broadcast_in_dim3A_830 = vector.shape_cast %slice3A_829 : vector<1x1024xf32> to vector<1x1024xf32>
    %broadcast_in_dim3A_831 = vector.broadcast %broadcast_in_dim3A_830 : vector<1x1024xf32> to vector<24x1024xf32>
    %get3A_832 = arith.constant 384 : index
    %get3A_833 = arith.constant 0 : index
    %get3A_834 = vector.load %arg2[%get3A_832, %get3A_833] : memref<512x1024xf32, #tpu.memory_space<vmem>>, vector<24x1024xf32>
    %mul3A_835 = arith.mulf %broadcast_in_dim3A_831, %get3A_834 : vector<24x1024xf32>
    %add3A_836 = arith.addf %add3A_828, %mul3A_835 : vector<24x1024xf32>
    %slice3A_837 = vector.extract_strided_slice %select_n3A_82 {offsets = [213, 0], sizes = [1, 1024], strides = [1, 1]} : vector<256x1024xf32> to vector<1x1024xf32>
    %broadcast_in_dim3A_838 = vector.shape_cast %slice3A_837 : vector<1x1024xf32> to vector<1x1024xf32>
    %broadcast_in_dim3A_839 = vector.broadcast %broadcast_in_dim3A_838 : vector<1x1024xf32> to vector<24x1024xf32>
    %get3A_840 = arith.constant 416 : index
    %get3A_841 = arith.constant 0 : index
    %get3A_842 = vector.load %arg2[%get3A_840, %get3A_841] : memref<512x1024xf32, #tpu.memory_space<vmem>>, vector<24x1024xf32>
    %mul3A_843 = arith.mulf %broadcast_in_dim3A_839, %get3A_842 : vector<24x1024xf32>
    %add3A_844 = arith.addf %add3A_836, %mul3A_843 : vector<24x1024xf32>
    %slice3A_845 = vector.extract_strided_slice %select_n3A_82 {offsets = [229, 0], sizes = [1, 1024], strides = [1, 1]} : vector<256x1024xf32> to vector<1x1024xf32>
    %broadcast_in_dim3A_846 = vector.shape_cast %slice3A_845 : vector<1x1024xf32> to vector<1x1024xf32>
    %broadcast_in_dim3A_847 = vector.broadcast %broadcast_in_dim3A_846 : vector<1x1024xf32> to vector<24x1024xf32>
    %get3A_848 = arith.constant 448 : index
    %get3A_849 = arith.constant 0 : index
    %get3A_850 = vector.load %arg2[%get3A_848, %get3A_849] : memref<512x1024xf32, #tpu.memory_space<vmem>>, vector<24x1024xf32>
    %mul3A_851 = arith.mulf %broadcast_in_dim3A_847, %get3A_850 : vector<24x1024xf32>
    %add3A_852 = arith.addf %add3A_844, %mul3A_851 : vector<24x1024xf32>
    %slice3A_853 = vector.extract_strided_slice %select_n3A_82 {offsets = [245, 0], sizes = [1, 1024], strides = [1, 1]} : vector<256x1024xf32> to vector<1x1024xf32>
    %broadcast_in_dim3A_854 = vector.shape_cast %slice3A_853 : vector<1x1024xf32> to vector<1x1024xf32>
    %broadcast_in_dim3A_855 = vector.broadcast %broadcast_in_dim3A_854 : vector<1x1024xf32> to vector<24x1024xf32>
    %get3A_856 = arith.constant 480 : index
    %get3A_857 = arith.constant 0 : index
    %get3A_858 = vector.load %arg2[%get3A_856, %get3A_857] : memref<512x1024xf32, #tpu.memory_space<vmem>>, vector<24x1024xf32>
    %mul3A_859 = arith.mulf %broadcast_in_dim3A_855, %get3A_858 : vector<24x1024xf32>
    %add3A_860 = arith.addf %add3A_852, %mul3A_859 : vector<24x1024xf32>
    %broadcast_in_dim3A_861 = arith.constant 0.000000e+00 : f32
    %broadcast_in_dim3A_862 = vector.broadcast %broadcast_in_dim3A_861 : f32 to vector<24x1024xf32>
    %slice3A_863 = vector.extract_strided_slice %select_n3A_82 {offsets = [6, 0], sizes = [1, 1024], strides = [1, 1]} : vector<256x1024xf32> to vector<1x1024xf32>
    %broadcast_in_dim3A_864 = vector.shape_cast %slice3A_863 : vector<1x1024xf32> to vector<1x1024xf32>
    %broadcast_in_dim3A_865 = vector.broadcast %broadcast_in_dim3A_864 : vector<1x1024xf32> to vector<24x1024xf32>
    %get3A_866 = arith.constant 0 : index
    %get3A_867 = arith.constant 0 : index
    %get3A_868 = vector.load %arg2[%get3A_866, %get3A_867] : memref<512x1024xf32, #tpu.memory_space<vmem>>, vector<24x1024xf32>
    %mul3A_869 = arith.mulf %broadcast_in_dim3A_865, %get3A_868 : vector<24x1024xf32>
    %add3A_870 = arith.addf %broadcast_in_dim3A_862, %mul3A_869 : vector<24x1024xf32>
    %slice3A_871 = vector.extract_strided_slice %select_n3A_82 {offsets = [22, 0], sizes = [1, 1024], strides = [1, 1]} : vector<256x1024xf32> to vector<1x1024xf32>
    %broadcast_in_dim3A_872 = vector.shape_cast %slice3A_871 : vector<1x1024xf32> to vector<1x1024xf32>
    %broadcast_in_dim3A_873 = vector.broadcast %broadcast_in_dim3A_872 : vector<1x1024xf32> to vector<24x1024xf32>
    %get3A_874 = arith.constant 32 : index
    %get3A_875 = arith.constant 0 : index
    %get3A_876 = vector.load %arg2[%get3A_874, %get3A_875] : memref<512x1024xf32, #tpu.memory_space<vmem>>, vector<24x1024xf32>
    %mul3A_877 = arith.mulf %broadcast_in_dim3A_873, %get3A_876 : vector<24x1024xf32>
    %add3A_878 = arith.addf %add3A_870, %mul3A_877 : vector<24x1024xf32>
    %slice3A_879 = vector.extract_strided_slice %select_n3A_82 {offsets = [38, 0], sizes = [1, 1024], strides = [1, 1]} : vector<256x1024xf32> to vector<1x1024xf32>
    %broadcast_in_dim3A_880 = vector.shape_cast %slice3A_879 : vector<1x1024xf32> to vector<1x1024xf32>
    %broadcast_in_dim3A_881 = vector.broadcast %broadcast_in_dim3A_880 : vector<1x1024xf32> to vector<24x1024xf32>
    %get3A_882 = arith.constant 64 : index
    %get3A_883 = arith.constant 0 : index
    %get3A_884 = vector.load %arg2[%get3A_882, %get3A_883] : memref<512x1024xf32, #tpu.memory_space<vmem>>, vector<24x1024xf32>
    %mul3A_885 = arith.mulf %broadcast_in_dim3A_881, %get3A_884 : vector<24x1024xf32>
    %add3A_886 = arith.addf %add3A_878, %mul3A_885 : vector<24x1024xf32>
    %slice3A_887 = vector.extract_strided_slice %select_n3A_82 {offsets = [54, 0], sizes = [1, 1024], strides = [1, 1]} : vector<256x1024xf32> to vector<1x1024xf32>
    %broadcast_in_dim3A_888 = vector.shape_cast %slice3A_887 : vector<1x1024xf32> to vector<1x1024xf32>
    %broadcast_in_dim3A_889 = vector.broadcast %broadcast_in_dim3A_888 : vector<1x1024xf32> to vector<24x1024xf32>
    %get3A_890 = arith.constant 96 : index
    %get3A_891 = arith.constant 0 : index
    %get3A_892 = vector.load %arg2[%get3A_890, %get3A_891] : memref<512x1024xf32, #tpu.memory_space<vmem>>, vector<24x1024xf32>
    %mul3A_893 = arith.mulf %broadcast_in_dim3A_889, %get3A_892 : vector<24x1024xf32>
    %add3A_894 = arith.addf %add3A_886, %mul3A_893 : vector<24x1024xf32>
    %slice3A_895 = vector.extract_strided_slice %select_n3A_82 {offsets = [70, 0], sizes = [1, 1024], strides = [1, 1]} : vector<256x1024xf32> to vector<1x1024xf32>
    %broadcast_in_dim3A_896 = vector.shape_cast %slice3A_895 : vector<1x1024xf32> to vector<1x1024xf32>
    %broadcast_in_dim3A_897 = vector.broadcast %broadcast_in_dim3A_896 : vector<1x1024xf32> to vector<24x1024xf32>
    %get3A_898 = arith.constant 128 : index
    %get3A_899 = arith.constant 0 : index
    %get3A_900 = vector.load %arg2[%get3A_898, %get3A_899] : memref<512x1024xf32, #tpu.memory_space<vmem>>, vector<24x1024xf32>
    %mul3A_901 = arith.mulf %broadcast_in_dim3A_897, %get3A_900 : vector<24x1024xf32>
    %add3A_902 = arith.addf %add3A_894, %mul3A_901 : vector<24x1024xf32>
    %slice3A_903 = vector.extract_strided_slice %select_n3A_82 {offsets = [86, 0], sizes = [1, 1024], strides = [1, 1]} : vector<256x1024xf32> to vector<1x1024xf32>
    %broadcast_in_dim3A_904 = vector.shape_cast %slice3A_903 : vector<1x1024xf32> to vector<1x1024xf32>
    %broadcast_in_dim3A_905 = vector.broadcast %broadcast_in_dim3A_904 : vector<1x1024xf32> to vector<24x1024xf32>
    %get3A_906 = arith.constant 160 : index
    %get3A_907 = arith.constant 0 : index
    %get3A_908 = vector.load %arg2[%get3A_906, %get3A_907] : memref<512x1024xf32, #tpu.memory_space<vmem>>, vector<24x1024xf32>
    %mul3A_909 = arith.mulf %broadcast_in_dim3A_905, %get3A_908 : vector<24x1024xf32>
    %add3A_910 = arith.addf %add3A_902, %mul3A_909 : vector<24x1024xf32>
    %slice3A_911 = vector.extract_strided_slice %select_n3A_82 {offsets = [102, 0], sizes = [1, 1024], strides = [1, 1]} : vector<256x1024xf32> to vector<1x1024xf32>
    %broadcast_in_dim3A_912 = vector.shape_cast %slice3A_911 : vector<1x1024xf32> to vector<1x1024xf32>
    %broadcast_in_dim3A_913 = vector.broadcast %broadcast_in_dim3A_912 : vector<1x1024xf32> to vector<24x1024xf32>
    %get3A_914 = arith.constant 192 : index
    %get3A_915 = arith.constant 0 : index
    %get3A_916 = vector.load %arg2[%get3A_914, %get3A_915] : memref<512x1024xf32, #tpu.memory_space<vmem>>, vector<24x1024xf32>
    %mul3A_917 = arith.mulf %broadcast_in_dim3A_913, %get3A_916 : vector<24x1024xf32>
    %add3A_918 = arith.addf %add3A_910, %mul3A_917 : vector<24x1024xf32>
    %slice3A_919 = vector.extract_strided_slice %select_n3A_82 {offsets = [118, 0], sizes = [1, 1024], strides = [1, 1]} : vector<256x1024xf32> to vector<1x1024xf32>
    %broadcast_in_dim3A_920 = vector.shape_cast %slice3A_919 : vector<1x1024xf32> to vector<1x1024xf32>
    %broadcast_in_dim3A_921 = vector.broadcast %broadcast_in_dim3A_920 : vector<1x1024xf32> to vector<24x1024xf32>
    %get3A_922 = arith.constant 224 : index
    %get3A_923 = arith.constant 0 : index
    %get3A_924 = vector.load %arg2[%get3A_922, %get3A_923] : memref<512x1024xf32, #tpu.memory_space<vmem>>, vector<24x1024xf32>
    %mul3A_925 = arith.mulf %broadcast_in_dim3A_921, %get3A_924 : vector<24x1024xf32>
    %add3A_926 = arith.addf %add3A_918, %mul3A_925 : vector<24x1024xf32>
    %slice3A_927 = vector.extract_strided_slice %select_n3A_82 {offsets = [134, 0], sizes = [1, 1024], strides = [1, 1]} : vector<256x1024xf32> to vector<1x1024xf32>
    %broadcast_in_dim3A_928 = vector.shape_cast %slice3A_927 : vector<1x1024xf32> to vector<1x1024xf32>
    %broadcast_in_dim3A_929 = vector.broadcast %broadcast_in_dim3A_928 : vector<1x1024xf32> to vector<24x1024xf32>
    %get3A_930 = arith.constant 256 : index
    %get3A_931 = arith.constant 0 : index
    %get3A_932 = vector.load %arg2[%get3A_930, %get3A_931] : memref<512x1024xf32, #tpu.memory_space<vmem>>, vector<24x1024xf32>
    %mul3A_933 = arith.mulf %broadcast_in_dim3A_929, %get3A_932 : vector<24x1024xf32>
    %add3A_934 = arith.addf %add3A_926, %mul3A_933 : vector<24x1024xf32>
    %slice3A_935 = vector.extract_strided_slice %select_n3A_82 {offsets = [150, 0], sizes = [1, 1024], strides = [1, 1]} : vector<256x1024xf32> to vector<1x1024xf32>
    %broadcast_in_dim3A_936 = vector.shape_cast %slice3A_935 : vector<1x1024xf32> to vector<1x1024xf32>
    %broadcast_in_dim3A_937 = vector.broadcast %broadcast_in_dim3A_936 : vector<1x1024xf32> to vector<24x1024xf32>
    %get3A_938 = arith.constant 288 : index
    %get3A_939 = arith.constant 0 : index
    %get3A_940 = vector.load %arg2[%get3A_938, %get3A_939] : memref<512x1024xf32, #tpu.memory_space<vmem>>, vector<24x1024xf32>
    %mul3A_941 = arith.mulf %broadcast_in_dim3A_937, %get3A_940 : vector<24x1024xf32>
    %add3A_942 = arith.addf %add3A_934, %mul3A_941 : vector<24x1024xf32>
    %slice3A_943 = vector.extract_strided_slice %select_n3A_82 {offsets = [166, 0], sizes = [1, 1024], strides = [1, 1]} : vector<256x1024xf32> to vector<1x1024xf32>
    %broadcast_in_dim3A_944 = vector.shape_cast %slice3A_943 : vector<1x1024xf32> to vector<1x1024xf32>
    %broadcast_in_dim3A_945 = vector.broadcast %broadcast_in_dim3A_944 : vector<1x1024xf32> to vector<24x1024xf32>
    %get3A_946 = arith.constant 320 : index
    %get3A_947 = arith.constant 0 : index
    %get3A_948 = vector.load %arg2[%get3A_946, %get3A_947] : memref<512x1024xf32, #tpu.memory_space<vmem>>, vector<24x1024xf32>
    %mul3A_949 = arith.mulf %broadcast_in_dim3A_945, %get3A_948 : vector<24x1024xf32>
    %add3A_950 = arith.addf %add3A_942, %mul3A_949 : vector<24x1024xf32>
    %slice3A_951 = vector.extract_strided_slice %select_n3A_82 {offsets = [182, 0], sizes = [1, 1024], strides = [1, 1]} : vector<256x1024xf32> to vector<1x1024xf32>
    %broadcast_in_dim3A_952 = vector.shape_cast %slice3A_951 : vector<1x1024xf32> to vector<1x1024xf32>
    %broadcast_in_dim3A_953 = vector.broadcast %broadcast_in_dim3A_952 : vector<1x1024xf32> to vector<24x1024xf32>
    %get3A_954 = arith.constant 352 : index
    %get3A_955 = arith.constant 0 : index
    %get3A_956 = vector.load %arg2[%get3A_954, %get3A_955] : memref<512x1024xf32, #tpu.memory_space<vmem>>, vector<24x1024xf32>
    %mul3A_957 = arith.mulf %broadcast_in_dim3A_953, %get3A_956 : vector<24x1024xf32>
    %add3A_958 = arith.addf %add3A_950, %mul3A_957 : vector<24x1024xf32>
    %slice3A_959 = vector.extract_strided_slice %select_n3A_82 {offsets = [198, 0], sizes = [1, 1024], strides = [1, 1]} : vector<256x1024xf32> to vector<1x1024xf32>
    %broadcast_in_dim3A_960 = vector.shape_cast %slice3A_959 : vector<1x1024xf32> to vector<1x1024xf32>
    %broadcast_in_dim3A_961 = vector.broadcast %broadcast_in_dim3A_960 : vector<1x1024xf32> to vector<24x1024xf32>
    %get3A_962 = arith.constant 384 : index
    %get3A_963 = arith.constant 0 : index
    %get3A_964 = vector.load %arg2[%get3A_962, %get3A_963] : memref<512x1024xf32, #tpu.memory_space<vmem>>, vector<24x1024xf32>
    %mul3A_965 = arith.mulf %broadcast_in_dim3A_961, %get3A_964 : vector<24x1024xf32>
    %add3A_966 = arith.addf %add3A_958, %mul3A_965 : vector<24x1024xf32>
    %slice3A_967 = vector.extract_strided_slice %select_n3A_82 {offsets = [214, 0], sizes = [1, 1024], strides = [1, 1]} : vector<256x1024xf32> to vector<1x1024xf32>
    %broadcast_in_dim3A_968 = vector.shape_cast %slice3A_967 : vector<1x1024xf32> to vector<1x1024xf32>
    %broadcast_in_dim3A_969 = vector.broadcast %broadcast_in_dim3A_968 : vector<1x1024xf32> to vector<24x1024xf32>
    %get3A_970 = arith.constant 416 : index
    %get3A_971 = arith.constant 0 : index
    %get3A_972 = vector.load %arg2[%get3A_970, %get3A_971] : memref<512x1024xf32, #tpu.memory_space<vmem>>, vector<24x1024xf32>
    %mul3A_973 = arith.mulf %broadcast_in_dim3A_969, %get3A_972 : vector<24x1024xf32>
    %add3A_974 = arith.addf %add3A_966, %mul3A_973 : vector<24x1024xf32>
    %slice3A_975 = vector.extract_strided_slice %select_n3A_82 {offsets = [230, 0], sizes = [1, 1024], strides = [1, 1]} : vector<256x1024xf32> to vector<1x1024xf32>
    %broadcast_in_dim3A_976 = vector.shape_cast %slice3A_975 : vector<1x1024xf32> to vector<1x1024xf32>
    %broadcast_in_dim3A_977 = vector.broadcast %broadcast_in_dim3A_976 : vector<1x1024xf32> to vector<24x1024xf32>
    %get3A_978 = arith.constant 448 : index
    %get3A_979 = arith.constant 0 : index
    %get3A_980 = vector.load %arg2[%get3A_978, %get3A_979] : memref<512x1024xf32, #tpu.memory_space<vmem>>, vector<24x1024xf32>
    %mul3A_981 = arith.mulf %broadcast_in_dim3A_977, %get3A_980 : vector<24x1024xf32>
    %add3A_982 = arith.addf %add3A_974, %mul3A_981 : vector<24x1024xf32>
    %slice3A_983 = vector.extract_strided_slice %select_n3A_82 {offsets = [246, 0], sizes = [1, 1024], strides = [1, 1]} : vector<256x1024xf32> to vector<1x1024xf32>
    %broadcast_in_dim3A_984 = vector.shape_cast %slice3A_983 : vector<1x1024xf32> to vector<1x1024xf32>
    %broadcast_in_dim3A_985 = vector.broadcast %broadcast_in_dim3A_984 : vector<1x1024xf32> to vector<24x1024xf32>
    %get3A_986 = arith.constant 480 : index
    %get3A_987 = arith.constant 0 : index
    %get3A_988 = vector.load %arg2[%get3A_986, %get3A_987] : memref<512x1024xf32, #tpu.memory_space<vmem>>, vector<24x1024xf32>
    %mul3A_989 = arith.mulf %broadcast_in_dim3A_985, %get3A_988 : vector<24x1024xf32>
    %add3A_990 = arith.addf %add3A_982, %mul3A_989 : vector<24x1024xf32>
    %broadcast_in_dim3A_991 = arith.constant 0.000000e+00 : f32
    %broadcast_in_dim3A_992 = vector.broadcast %broadcast_in_dim3A_991 : f32 to vector<24x1024xf32>
    %slice3A_993 = vector.extract_strided_slice %select_n3A_82 {offsets = [7, 0], sizes = [1, 1024], strides = [1, 1]} : vector<256x1024xf32> to vector<1x1024xf32>
    %broadcast_in_dim3A_994 = vector.shape_cast %slice3A_993 : vector<1x1024xf32> to vector<1x1024xf32>
    %broadcast_in_dim3A_995 = vector.broadcast %broadcast_in_dim3A_994 : vector<1x1024xf32> to vector<24x1024xf32>
    %get3A_996 = arith.constant 0 : index
    %get3A_997 = arith.constant 0 : index
    %get3A_998 = vector.load %arg2[%get3A_996, %get3A_997] : memref<512x1024xf32, #tpu.memory_space<vmem>>, vector<24x1024xf32>
    %mul3A_999 = arith.mulf %broadcast_in_dim3A_995, %get3A_998 : vector<24x1024xf32>
    %add3A_1000 = arith.addf %broadcast_in_dim3A_992, %mul3A_999 : vector<24x1024xf32>
    %slice3A_1001 = vector.extract_strided_slice %select_n3A_82 {offsets = [23, 0], sizes = [1, 1024], strides = [1, 1]} : vector<256x1024xf32> to vector<1x1024xf32>
    %broadcast_in_dim3A_1002 = vector.shape_cast %slice3A_1001 : vector<1x1024xf32> to vector<1x1024xf32>
    %broadcast_in_dim3A_1003 = vector.broadcast %broadcast_in_dim3A_1002 : vector<1x1024xf32> to vector<24x1024xf32>
    %get3A_1004 = arith.constant 32 : index
    %get3A_1005 = arith.constant 0 : index
    %get3A_1006 = vector.load %arg2[%get3A_1004, %get3A_1005] : memref<512x1024xf32, #tpu.memory_space<vmem>>, vector<24x1024xf32>
    %mul3A_1007 = arith.mulf %broadcast_in_dim3A_1003, %get3A_1006 : vector<24x1024xf32>
    %add3A_1008 = arith.addf %add3A_1000, %mul3A_1007 : vector<24x1024xf32>
    %slice3A_1009 = vector.extract_strided_slice %select_n3A_82 {offsets = [39, 0], sizes = [1, 1024], strides = [1, 1]} : vector<256x1024xf32> to vector<1x1024xf32>
    %broadcast_in_dim3A_1010 = vector.shape_cast %slice3A_1009 : vector<1x1024xf32> to vector<1x1024xf32>
    %broadcast_in_dim3A_1011 = vector.broadcast %broadcast_in_dim3A_1010 : vector<1x1024xf32> to vector<24x1024xf32>
    %get3A_1012 = arith.constant 64 : index
    %get3A_1013 = arith.constant 0 : index
    %get3A_1014 = vector.load %arg2[%get3A_1012, %get3A_1013] : memref<512x1024xf32, #tpu.memory_space<vmem>>, vector<24x1024xf32>
    %mul3A_1015 = arith.mulf %broadcast_in_dim3A_1011, %get3A_1014 : vector<24x1024xf32>
    %add3A_1016 = arith.addf %add3A_1008, %mul3A_1015 : vector<24x1024xf32>
    %slice3A_1017 = vector.extract_strided_slice %select_n3A_82 {offsets = [55, 0], sizes = [1, 1024], strides = [1, 1]} : vector<256x1024xf32> to vector<1x1024xf32>
    %broadcast_in_dim3A_1018 = vector.shape_cast %slice3A_1017 : vector<1x1024xf32> to vector<1x1024xf32>
    %broadcast_in_dim3A_1019 = vector.broadcast %broadcast_in_dim3A_1018 : vector<1x1024xf32> to vector<24x1024xf32>
    %get3A_1020 = arith.constant 96 : index
    %get3A_1021 = arith.constant 0 : index
    %get3A_1022 = vector.load %arg2[%get3A_1020, %get3A_1021] : memref<512x1024xf32, #tpu.memory_space<vmem>>, vector<24x1024xf32>
    %mul3A_1023 = arith.mulf %broadcast_in_dim3A_1019, %get3A_1022 : vector<24x1024xf32>
    %add3A_1024 = arith.addf %add3A_1016, %mul3A_1023 : vector<24x1024xf32>
    %slice3A_1025 = vector.extract_strided_slice %select_n3A_82 {offsets = [71, 0], sizes = [1, 1024], strides = [1, 1]} : vector<256x1024xf32> to vector<1x1024xf32>
    %broadcast_in_dim3A_1026 = vector.shape_cast %slice3A_1025 : vector<1x1024xf32> to vector<1x1024xf32>
    %broadcast_in_dim3A_1027 = vector.broadcast %broadcast_in_dim3A_1026 : vector<1x1024xf32> to vector<24x1024xf32>
    %get3A_1028 = arith.constant 128 : index
    %get3A_1029 = arith.constant 0 : index
    %get3A_1030 = vector.load %arg2[%get3A_1028, %get3A_1029] : memref<512x1024xf32, #tpu.memory_space<vmem>>, vector<24x1024xf32>
    %mul3A_1031 = arith.mulf %broadcast_in_dim3A_1027, %get3A_1030 : vector<24x1024xf32>
    %add3A_1032 = arith.addf %add3A_1024, %mul3A_1031 : vector<24x1024xf32>
    %slice3A_1033 = vector.extract_strided_slice %select_n3A_82 {offsets = [87, 0], sizes = [1, 1024], strides = [1, 1]} : vector<256x1024xf32> to vector<1x1024xf32>
    %broadcast_in_dim3A_1034 = vector.shape_cast %slice3A_1033 : vector<1x1024xf32> to vector<1x1024xf32>
    %broadcast_in_dim3A_1035 = vector.broadcast %broadcast_in_dim3A_1034 : vector<1x1024xf32> to vector<24x1024xf32>
    %get3A_1036 = arith.constant 160 : index
    %get3A_1037 = arith.constant 0 : index
    %get3A_1038 = vector.load %arg2[%get3A_1036, %get3A_1037] : memref<512x1024xf32, #tpu.memory_space<vmem>>, vector<24x1024xf32>
    %mul3A_1039 = arith.mulf %broadcast_in_dim3A_1035, %get3A_1038 : vector<24x1024xf32>
    %add3A_1040 = arith.addf %add3A_1032, %mul3A_1039 : vector<24x1024xf32>
    %slice3A_1041 = vector.extract_strided_slice %select_n3A_82 {offsets = [103, 0], sizes = [1, 1024], strides = [1, 1]} : vector<256x1024xf32> to vector<1x1024xf32>
    %broadcast_in_dim3A_1042 = vector.shape_cast %slice3A_1041 : vector<1x1024xf32> to vector<1x1024xf32>
    %broadcast_in_dim3A_1043 = vector.broadcast %broadcast_in_dim3A_1042 : vector<1x1024xf32> to vector<24x1024xf32>
    %get3A_1044 = arith.constant 192 : index
    %get3A_1045 = arith.constant 0 : index
    %get3A_1046 = vector.load %arg2[%get3A_1044, %get3A_1045] : memref<512x1024xf32, #tpu.memory_space<vmem>>, vector<24x1024xf32>
    %mul3A_1047 = arith.mulf %broadcast_in_dim3A_1043, %get3A_1046 : vector<24x1024xf32>
    %add3A_1048 = arith.addf %add3A_1040, %mul3A_1047 : vector<24x1024xf32>
    %slice3A_1049 = vector.extract_strided_slice %select_n3A_82 {offsets = [119, 0], sizes = [1, 1024], strides = [1, 1]} : vector<256x1024xf32> to vector<1x1024xf32>
    %broadcast_in_dim3A_1050 = vector.shape_cast %slice3A_1049 : vector<1x1024xf32> to vector<1x1024xf32>
    %broadcast_in_dim3A_1051 = vector.broadcast %broadcast_in_dim3A_1050 : vector<1x1024xf32> to vector<24x1024xf32>
    %get3A_1052 = arith.constant 224 : index
    %get3A_1053 = arith.constant 0 : index
    %get3A_1054 = vector.load %arg2[%get3A_1052, %get3A_1053] : memref<512x1024xf32, #tpu.memory_space<vmem>>, vector<24x1024xf32>
    %mul3A_1055 = arith.mulf %broadcast_in_dim3A_1051, %get3A_1054 : vector<24x1024xf32>
    %add3A_1056 = arith.addf %add3A_1048, %mul3A_1055 : vector<24x1024xf32>
    %slice3A_1057 = vector.extract_strided_slice %select_n3A_82 {offsets = [135, 0], sizes = [1, 1024], strides = [1, 1]} : vector<256x1024xf32> to vector<1x1024xf32>
    %broadcast_in_dim3A_1058 = vector.shape_cast %slice3A_1057 : vector<1x1024xf32> to vector<1x1024xf32>
    %broadcast_in_dim3A_1059 = vector.broadcast %broadcast_in_dim3A_1058 : vector<1x1024xf32> to vector<24x1024xf32>
    %get3A_1060 = arith.constant 256 : index
    %get3A_1061 = arith.constant 0 : index
    %get3A_1062 = vector.load %arg2[%get3A_1060, %get3A_1061] : memref<512x1024xf32, #tpu.memory_space<vmem>>, vector<24x1024xf32>
    %mul3A_1063 = arith.mulf %broadcast_in_dim3A_1059, %get3A_1062 : vector<24x1024xf32>
    %add3A_1064 = arith.addf %add3A_1056, %mul3A_1063 : vector<24x1024xf32>
    %slice3A_1065 = vector.extract_strided_slice %select_n3A_82 {offsets = [151, 0], sizes = [1, 1024], strides = [1, 1]} : vector<256x1024xf32> to vector<1x1024xf32>
    %broadcast_in_dim3A_1066 = vector.shape_cast %slice3A_1065 : vector<1x1024xf32> to vector<1x1024xf32>
    %broadcast_in_dim3A_1067 = vector.broadcast %broadcast_in_dim3A_1066 : vector<1x1024xf32> to vector<24x1024xf32>
    %get3A_1068 = arith.constant 288 : index
    %get3A_1069 = arith.constant 0 : index
    %get3A_1070 = vector.load %arg2[%get3A_1068, %get3A_1069] : memref<512x1024xf32, #tpu.memory_space<vmem>>, vector<24x1024xf32>
    %mul3A_1071 = arith.mulf %broadcast_in_dim3A_1067, %get3A_1070 : vector<24x1024xf32>
    %add3A_1072 = arith.addf %add3A_1064, %mul3A_1071 : vector<24x1024xf32>
    %slice3A_1073 = vector.extract_strided_slice %select_n3A_82 {offsets = [167, 0], sizes = [1, 1024], strides = [1, 1]} : vector<256x1024xf32> to vector<1x1024xf32>
    %broadcast_in_dim3A_1074 = vector.shape_cast %slice3A_1073 : vector<1x1024xf32> to vector<1x1024xf32>
    %broadcast_in_dim3A_1075 = vector.broadcast %broadcast_in_dim3A_1074 : vector<1x1024xf32> to vector<24x1024xf32>
    %get3A_1076 = arith.constant 320 : index
    %get3A_1077 = arith.constant 0 : index
    %get3A_1078 = vector.load %arg2[%get3A_1076, %get3A_1077] : memref<512x1024xf32, #tpu.memory_space<vmem>>, vector<24x1024xf32>
    %mul3A_1079 = arith.mulf %broadcast_in_dim3A_1075, %get3A_1078 : vector<24x1024xf32>
    %add3A_1080 = arith.addf %add3A_1072, %mul3A_1079 : vector<24x1024xf32>
    %slice3A_1081 = vector.extract_strided_slice %select_n3A_82 {offsets = [183, 0], sizes = [1, 1024], strides = [1, 1]} : vector<256x1024xf32> to vector<1x1024xf32>
    %broadcast_in_dim3A_1082 = vector.shape_cast %slice3A_1081 : vector<1x1024xf32> to vector<1x1024xf32>
    %broadcast_in_dim3A_1083 = vector.broadcast %broadcast_in_dim3A_1082 : vector<1x1024xf32> to vector<24x1024xf32>
    %get3A_1084 = arith.constant 352 : index
    %get3A_1085 = arith.constant 0 : index
    %get3A_1086 = vector.load %arg2[%get3A_1084, %get3A_1085] : memref<512x1024xf32, #tpu.memory_space<vmem>>, vector<24x1024xf32>
    %mul3A_1087 = arith.mulf %broadcast_in_dim3A_1083, %get3A_1086 : vector<24x1024xf32>
    %add3A_1088 = arith.addf %add3A_1080, %mul3A_1087 : vector<24x1024xf32>
    %slice3A_1089 = vector.extract_strided_slice %select_n3A_82 {offsets = [199, 0], sizes = [1, 1024], strides = [1, 1]} : vector<256x1024xf32> to vector<1x1024xf32>
    %broadcast_in_dim3A_1090 = vector.shape_cast %slice3A_1089 : vector<1x1024xf32> to vector<1x1024xf32>
    %broadcast_in_dim3A_1091 = vector.broadcast %broadcast_in_dim3A_1090 : vector<1x1024xf32> to vector<24x1024xf32>
    %get3A_1092 = arith.constant 384 : index
    %get3A_1093 = arith.constant 0 : index
    %get3A_1094 = vector.load %arg2[%get3A_1092, %get3A_1093] : memref<512x1024xf32, #tpu.memory_space<vmem>>, vector<24x1024xf32>
    %mul3A_1095 = arith.mulf %broadcast_in_dim3A_1091, %get3A_1094 : vector<24x1024xf32>
    %add3A_1096 = arith.addf %add3A_1088, %mul3A_1095 : vector<24x1024xf32>
    %slice3A_1097 = vector.extract_strided_slice %select_n3A_82 {offsets = [215, 0], sizes = [1, 1024], strides = [1, 1]} : vector<256x1024xf32> to vector<1x1024xf32>
    %broadcast_in_dim3A_1098 = vector.shape_cast %slice3A_1097 : vector<1x1024xf32> to vector<1x1024xf32>
    %broadcast_in_dim3A_1099 = vector.broadcast %broadcast_in_dim3A_1098 : vector<1x1024xf32> to vector<24x1024xf32>
    %get3A_1100 = arith.constant 416 : index
    %get3A_1101 = arith.constant 0 : index
    %get3A_1102 = vector.load %arg2[%get3A_1100, %get3A_1101] : memref<512x1024xf32, #tpu.memory_space<vmem>>, vector<24x1024xf32>
    %mul3A_1103 = arith.mulf %broadcast_in_dim3A_1099, %get3A_1102 : vector<24x1024xf32>
    %add3A_1104 = arith.addf %add3A_1096, %mul3A_1103 : vector<24x1024xf32>
    %slice3A_1105 = vector.extract_strided_slice %select_n3A_82 {offsets = [231, 0], sizes = [1, 1024], strides = [1, 1]} : vector<256x1024xf32> to vector<1x1024xf32>
    %broadcast_in_dim3A_1106 = vector.shape_cast %slice3A_1105 : vector<1x1024xf32> to vector<1x1024xf32>
    %broadcast_in_dim3A_1107 = vector.broadcast %broadcast_in_dim3A_1106 : vector<1x1024xf32> to vector<24x1024xf32>
    %get3A_1108 = arith.constant 448 : index
    %get3A_1109 = arith.constant 0 : index
    %get3A_1110 = vector.load %arg2[%get3A_1108, %get3A_1109] : memref<512x1024xf32, #tpu.memory_space<vmem>>, vector<24x1024xf32>
    %mul3A_1111 = arith.mulf %broadcast_in_dim3A_1107, %get3A_1110 : vector<24x1024xf32>
    %add3A_1112 = arith.addf %add3A_1104, %mul3A_1111 : vector<24x1024xf32>
    %slice3A_1113 = vector.extract_strided_slice %select_n3A_82 {offsets = [247, 0], sizes = [1, 1024], strides = [1, 1]} : vector<256x1024xf32> to vector<1x1024xf32>
    %broadcast_in_dim3A_1114 = vector.shape_cast %slice3A_1113 : vector<1x1024xf32> to vector<1x1024xf32>
    %broadcast_in_dim3A_1115 = vector.broadcast %broadcast_in_dim3A_1114 : vector<1x1024xf32> to vector<24x1024xf32>
    %get3A_1116 = arith.constant 480 : index
    %get3A_1117 = arith.constant 0 : index
    %get3A_1118 = vector.load %arg2[%get3A_1116, %get3A_1117] : memref<512x1024xf32, #tpu.memory_space<vmem>>, vector<24x1024xf32>
    %mul3A_1119 = arith.mulf %broadcast_in_dim3A_1115, %get3A_1118 : vector<24x1024xf32>
    %add3A_1120 = arith.addf %add3A_1112, %mul3A_1119 : vector<24x1024xf32>
    %broadcast_in_dim3A_1121 = arith.constant 0.000000e+00 : f32
    %broadcast_in_dim3A_1122 = vector.broadcast %broadcast_in_dim3A_1121 : f32 to vector<24x1024xf32>
    %slice3A_1123 = vector.extract_strided_slice %select_n3A_82 {offsets = [8, 0], sizes = [1, 1024], strides = [1, 1]} : vector<256x1024xf32> to vector<1x1024xf32>
    %broadcast_in_dim3A_1124 = vector.shape_cast %slice3A_1123 : vector<1x1024xf32> to vector<1x1024xf32>
    %broadcast_in_dim3A_1125 = vector.broadcast %broadcast_in_dim3A_1124 : vector<1x1024xf32> to vector<24x1024xf32>
    %get3A_1126 = arith.constant 0 : index
    %get3A_1127 = arith.constant 0 : index
    %get3A_1128 = vector.load %arg2[%get3A_1126, %get3A_1127] : memref<512x1024xf32, #tpu.memory_space<vmem>>, vector<24x1024xf32>
    %mul3A_1129 = arith.mulf %broadcast_in_dim3A_1125, %get3A_1128 : vector<24x1024xf32>
    %add3A_1130 = arith.addf %broadcast_in_dim3A_1122, %mul3A_1129 : vector<24x1024xf32>
    %slice3A_1131 = vector.extract_strided_slice %select_n3A_82 {offsets = [24, 0], sizes = [1, 1024], strides = [1, 1]} : vector<256x1024xf32> to vector<1x1024xf32>
    %broadcast_in_dim3A_1132 = vector.shape_cast %slice3A_1131 : vector<1x1024xf32> to vector<1x1024xf32>
    %broadcast_in_dim3A_1133 = vector.broadcast %broadcast_in_dim3A_1132 : vector<1x1024xf32> to vector<24x1024xf32>
    %get3A_1134 = arith.constant 32 : index
    %get3A_1135 = arith.constant 0 : index
    %get3A_1136 = vector.load %arg2[%get3A_1134, %get3A_1135] : memref<512x1024xf32, #tpu.memory_space<vmem>>, vector<24x1024xf32>
    %mul3A_1137 = arith.mulf %broadcast_in_dim3A_1133, %get3A_1136 : vector<24x1024xf32>
    %add3A_1138 = arith.addf %add3A_1130, %mul3A_1137 : vector<24x1024xf32>
    %slice3A_1139 = vector.extract_strided_slice %select_n3A_82 {offsets = [40, 0], sizes = [1, 1024], strides = [1, 1]} : vector<256x1024xf32> to vector<1x1024xf32>
    %broadcast_in_dim3A_1140 = vector.shape_cast %slice3A_1139 : vector<1x1024xf32> to vector<1x1024xf32>
    %broadcast_in_dim3A_1141 = vector.broadcast %broadcast_in_dim3A_1140 : vector<1x1024xf32> to vector<24x1024xf32>
    %get3A_1142 = arith.constant 64 : index
    %get3A_1143 = arith.constant 0 : index
    %get3A_1144 = vector.load %arg2[%get3A_1142, %get3A_1143] : memref<512x1024xf32, #tpu.memory_space<vmem>>, vector<24x1024xf32>
    %mul3A_1145 = arith.mulf %broadcast_in_dim3A_1141, %get3A_1144 : vector<24x1024xf32>
    %add3A_1146 = arith.addf %add3A_1138, %mul3A_1145 : vector<24x1024xf32>
    %slice3A_1147 = vector.extract_strided_slice %select_n3A_82 {offsets = [56, 0], sizes = [1, 1024], strides = [1, 1]} : vector<256x1024xf32> to vector<1x1024xf32>
    %broadcast_in_dim3A_1148 = vector.shape_cast %slice3A_1147 : vector<1x1024xf32> to vector<1x1024xf32>
    %broadcast_in_dim3A_1149 = vector.broadcast %broadcast_in_dim3A_1148 : vector<1x1024xf32> to vector<24x1024xf32>
    %get3A_1150 = arith.constant 96 : index
    %get3A_1151 = arith.constant 0 : index
    %get3A_1152 = vector.load %arg2[%get3A_1150, %get3A_1151] : memref<512x1024xf32, #tpu.memory_space<vmem>>, vector<24x1024xf32>
    %mul3A_1153 = arith.mulf %broadcast_in_dim3A_1149, %get3A_1152 : vector<24x1024xf32>
    %add3A_1154 = arith.addf %add3A_1146, %mul3A_1153 : vector<24x1024xf32>
    %slice3A_1155 = vector.extract_strided_slice %select_n3A_82 {offsets = [72, 0], sizes = [1, 1024], strides = [1, 1]} : vector<256x1024xf32> to vector<1x1024xf32>
    %broadcast_in_dim3A_1156 = vector.shape_cast %slice3A_1155 : vector<1x1024xf32> to vector<1x1024xf32>
    %broadcast_in_dim3A_1157 = vector.broadcast %broadcast_in_dim3A_1156 : vector<1x1024xf32> to vector<24x1024xf32>
    %get3A_1158 = arith.constant 128 : index
    %get3A_1159 = arith.constant 0 : index
    %get3A_1160 = vector.load %arg2[%get3A_1158, %get3A_1159] : memref<512x1024xf32, #tpu.memory_space<vmem>>, vector<24x1024xf32>
    %mul3A_1161 = arith.mulf %broadcast_in_dim3A_1157, %get3A_1160 : vector<24x1024xf32>
    %add3A_1162 = arith.addf %add3A_1154, %mul3A_1161 : vector<24x1024xf32>
    %slice3A_1163 = vector.extract_strided_slice %select_n3A_82 {offsets = [88, 0], sizes = [1, 1024], strides = [1, 1]} : vector<256x1024xf32> to vector<1x1024xf32>
    %broadcast_in_dim3A_1164 = vector.shape_cast %slice3A_1163 : vector<1x1024xf32> to vector<1x1024xf32>
    %broadcast_in_dim3A_1165 = vector.broadcast %broadcast_in_dim3A_1164 : vector<1x1024xf32> to vector<24x1024xf32>
    %get3A_1166 = arith.constant 160 : index
    %get3A_1167 = arith.constant 0 : index
    %get3A_1168 = vector.load %arg2[%get3A_1166, %get3A_1167] : memref<512x1024xf32, #tpu.memory_space<vmem>>, vector<24x1024xf32>
    %mul3A_1169 = arith.mulf %broadcast_in_dim3A_1165, %get3A_1168 : vector<24x1024xf32>
    %add3A_1170 = arith.addf %add3A_1162, %mul3A_1169 : vector<24x1024xf32>
    %slice3A_1171 = vector.extract_strided_slice %select_n3A_82 {offsets = [104, 0], sizes = [1, 1024], strides = [1, 1]} : vector<256x1024xf32> to vector<1x1024xf32>
    %broadcast_in_dim3A_1172 = vector.shape_cast %slice3A_1171 : vector<1x1024xf32> to vector<1x1024xf32>
    %broadcast_in_dim3A_1173 = vector.broadcast %broadcast_in_dim3A_1172 : vector<1x1024xf32> to vector<24x1024xf32>
    %get3A_1174 = arith.constant 192 : index
    %get3A_1175 = arith.constant 0 : index
    %get3A_1176 = vector.load %arg2[%get3A_1174, %get3A_1175] : memref<512x1024xf32, #tpu.memory_space<vmem>>, vector<24x1024xf32>
    %mul3A_1177 = arith.mulf %broadcast_in_dim3A_1173, %get3A_1176 : vector<24x1024xf32>
    %add3A_1178 = arith.addf %add3A_1170, %mul3A_1177 : vector<24x1024xf32>
    %slice3A_1179 = vector.extract_strided_slice %select_n3A_82 {offsets = [120, 0], sizes = [1, 1024], strides = [1, 1]} : vector<256x1024xf32> to vector<1x1024xf32>
    %broadcast_in_dim3A_1180 = vector.shape_cast %slice3A_1179 : vector<1x1024xf32> to vector<1x1024xf32>
    %broadcast_in_dim3A_1181 = vector.broadcast %broadcast_in_dim3A_1180 : vector<1x1024xf32> to vector<24x1024xf32>
    %get3A_1182 = arith.constant 224 : index
    %get3A_1183 = arith.constant 0 : index
    %get3A_1184 = vector.load %arg2[%get3A_1182, %get3A_1183] : memref<512x1024xf32, #tpu.memory_space<vmem>>, vector<24x1024xf32>
    %mul3A_1185 = arith.mulf %broadcast_in_dim3A_1181, %get3A_1184 : vector<24x1024xf32>
    %add3A_1186 = arith.addf %add3A_1178, %mul3A_1185 : vector<24x1024xf32>
    %slice3A_1187 = vector.extract_strided_slice %select_n3A_82 {offsets = [136, 0], sizes = [1, 1024], strides = [1, 1]} : vector<256x1024xf32> to vector<1x1024xf32>
    %broadcast_in_dim3A_1188 = vector.shape_cast %slice3A_1187 : vector<1x1024xf32> to vector<1x1024xf32>
    %broadcast_in_dim3A_1189 = vector.broadcast %broadcast_in_dim3A_1188 : vector<1x1024xf32> to vector<24x1024xf32>
    %get3A_1190 = arith.constant 256 : index
    %get3A_1191 = arith.constant 0 : index
    %get3A_1192 = vector.load %arg2[%get3A_1190, %get3A_1191] : memref<512x1024xf32, #tpu.memory_space<vmem>>, vector<24x1024xf32>
    %mul3A_1193 = arith.mulf %broadcast_in_dim3A_1189, %get3A_1192 : vector<24x1024xf32>
    %add3A_1194 = arith.addf %add3A_1186, %mul3A_1193 : vector<24x1024xf32>
    %slice3A_1195 = vector.extract_strided_slice %select_n3A_82 {offsets = [152, 0], sizes = [1, 1024], strides = [1, 1]} : vector<256x1024xf32> to vector<1x1024xf32>
    %broadcast_in_dim3A_1196 = vector.shape_cast %slice3A_1195 : vector<1x1024xf32> to vector<1x1024xf32>
    %broadcast_in_dim3A_1197 = vector.broadcast %broadcast_in_dim3A_1196 : vector<1x1024xf32> to vector<24x1024xf32>
    %get3A_1198 = arith.constant 288 : index
    %get3A_1199 = arith.constant 0 : index
    %get3A_1200 = vector.load %arg2[%get3A_1198, %get3A_1199] : memref<512x1024xf32, #tpu.memory_space<vmem>>, vector<24x1024xf32>
    %mul3A_1201 = arith.mulf %broadcast_in_dim3A_1197, %get3A_1200 : vector<24x1024xf32>
    %add3A_1202 = arith.addf %add3A_1194, %mul3A_1201 : vector<24x1024xf32>
    %slice3A_1203 = vector.extract_strided_slice %select_n3A_82 {offsets = [168, 0], sizes = [1, 1024], strides = [1, 1]} : vector<256x1024xf32> to vector<1x1024xf32>
    %broadcast_in_dim3A_1204 = vector.shape_cast %slice3A_1203 : vector<1x1024xf32> to vector<1x1024xf32>
    %broadcast_in_dim3A_1205 = vector.broadcast %broadcast_in_dim3A_1204 : vector<1x1024xf32> to vector<24x1024xf32>
    %get3A_1206 = arith.constant 320 : index
    %get3A_1207 = arith.constant 0 : index
    %get3A_1208 = vector.load %arg2[%get3A_1206, %get3A_1207] : memref<512x1024xf32, #tpu.memory_space<vmem>>, vector<24x1024xf32>
    %mul3A_1209 = arith.mulf %broadcast_in_dim3A_1205, %get3A_1208 : vector<24x1024xf32>
    %add3A_1210 = arith.addf %add3A_1202, %mul3A_1209 : vector<24x1024xf32>
    %slice3A_1211 = vector.extract_strided_slice %select_n3A_82 {offsets = [184, 0], sizes = [1, 1024], strides = [1, 1]} : vector<256x1024xf32> to vector<1x1024xf32>
    %broadcast_in_dim3A_1212 = vector.shape_cast %slice3A_1211 : vector<1x1024xf32> to vector<1x1024xf32>
    %broadcast_in_dim3A_1213 = vector.broadcast %broadcast_in_dim3A_1212 : vector<1x1024xf32> to vector<24x1024xf32>
    %get3A_1214 = arith.constant 352 : index
    %get3A_1215 = arith.constant 0 : index
    %get3A_1216 = vector.load %arg2[%get3A_1214, %get3A_1215] : memref<512x1024xf32, #tpu.memory_space<vmem>>, vector<24x1024xf32>
    %mul3A_1217 = arith.mulf %broadcast_in_dim3A_1213, %get3A_1216 : vector<24x1024xf32>
    %add3A_1218 = arith.addf %add3A_1210, %mul3A_1217 : vector<24x1024xf32>
    %slice3A_1219 = vector.extract_strided_slice %select_n3A_82 {offsets = [200, 0], sizes = [1, 1024], strides = [1, 1]} : vector<256x1024xf32> to vector<1x1024xf32>
    %broadcast_in_dim3A_1220 = vector.shape_cast %slice3A_1219 : vector<1x1024xf32> to vector<1x1024xf32>
    %broadcast_in_dim3A_1221 = vector.broadcast %broadcast_in_dim3A_1220 : vector<1x1024xf32> to vector<24x1024xf32>
    %get3A_1222 = arith.constant 384 : index
    %get3A_1223 = arith.constant 0 : index
    %get3A_1224 = vector.load %arg2[%get3A_1222, %get3A_1223] : memref<512x1024xf32, #tpu.memory_space<vmem>>, vector<24x1024xf32>
    %mul3A_1225 = arith.mulf %broadcast_in_dim3A_1221, %get3A_1224 : vector<24x1024xf32>
    %add3A_1226 = arith.addf %add3A_1218, %mul3A_1225 : vector<24x1024xf32>
    %slice3A_1227 = vector.extract_strided_slice %select_n3A_82 {offsets = [216, 0], sizes = [1, 1024], strides = [1, 1]} : vector<256x1024xf32> to vector<1x1024xf32>
    %broadcast_in_dim3A_1228 = vector.shape_cast %slice3A_1227 : vector<1x1024xf32> to vector<1x1024xf32>
    %broadcast_in_dim3A_1229 = vector.broadcast %broadcast_in_dim3A_1228 : vector<1x1024xf32> to vector<24x1024xf32>
    %get3A_1230 = arith.constant 416 : index
    %get3A_1231 = arith.constant 0 : index
    %get3A_1232 = vector.load %arg2[%get3A_1230, %get3A_1231] : memref<512x1024xf32, #tpu.memory_space<vmem>>, vector<24x1024xf32>
    %mul3A_1233 = arith.mulf %broadcast_in_dim3A_1229, %get3A_1232 : vector<24x1024xf32>
    %add3A_1234 = arith.addf %add3A_1226, %mul3A_1233 : vector<24x1024xf32>
    %slice3A_1235 = vector.extract_strided_slice %select_n3A_82 {offsets = [232, 0], sizes = [1, 1024], strides = [1, 1]} : vector<256x1024xf32> to vector<1x1024xf32>
    %broadcast_in_dim3A_1236 = vector.shape_cast %slice3A_1235 : vector<1x1024xf32> to vector<1x1024xf32>
    %broadcast_in_dim3A_1237 = vector.broadcast %broadcast_in_dim3A_1236 : vector<1x1024xf32> to vector<24x1024xf32>
    %get3A_1238 = arith.constant 448 : index
    %get3A_1239 = arith.constant 0 : index
    %get3A_1240 = vector.load %arg2[%get3A_1238, %get3A_1239] : memref<512x1024xf32, #tpu.memory_space<vmem>>, vector<24x1024xf32>
    %mul3A_1241 = arith.mulf %broadcast_in_dim3A_1237, %get3A_1240 : vector<24x1024xf32>
    %add3A_1242 = arith.addf %add3A_1234, %mul3A_1241 : vector<24x1024xf32>
    %slice3A_1243 = vector.extract_strided_slice %select_n3A_82 {offsets = [248, 0], sizes = [1, 1024], strides = [1, 1]} : vector<256x1024xf32> to vector<1x1024xf32>
    %broadcast_in_dim3A_1244 = vector.shape_cast %slice3A_1243 : vector<1x1024xf32> to vector<1x1024xf32>
    %broadcast_in_dim3A_1245 = vector.broadcast %broadcast_in_dim3A_1244 : vector<1x1024xf32> to vector<24x1024xf32>
    %get3A_1246 = arith.constant 480 : index
    %get3A_1247 = arith.constant 0 : index
    %get3A_1248 = vector.load %arg2[%get3A_1246, %get3A_1247] : memref<512x1024xf32, #tpu.memory_space<vmem>>, vector<24x1024xf32>
    %mul3A_1249 = arith.mulf %broadcast_in_dim3A_1245, %get3A_1248 : vector<24x1024xf32>
    %add3A_1250 = arith.addf %add3A_1242, %mul3A_1249 : vector<24x1024xf32>
    %broadcast_in_dim3A_1251 = arith.constant 0.000000e+00 : f32
    %broadcast_in_dim3A_1252 = vector.broadcast %broadcast_in_dim3A_1251 : f32 to vector<24x1024xf32>
    %slice3A_1253 = vector.extract_strided_slice %select_n3A_82 {offsets = [9, 0], sizes = [1, 1024], strides = [1, 1]} : vector<256x1024xf32> to vector<1x1024xf32>
    %broadcast_in_dim3A_1254 = vector.shape_cast %slice3A_1253 : vector<1x1024xf32> to vector<1x1024xf32>
    %broadcast_in_dim3A_1255 = vector.broadcast %broadcast_in_dim3A_1254 : vector<1x1024xf32> to vector<24x1024xf32>
    %get3A_1256 = arith.constant 0 : index
    %get3A_1257 = arith.constant 0 : index
    %get3A_1258 = vector.load %arg2[%get3A_1256, %get3A_1257] : memref<512x1024xf32, #tpu.memory_space<vmem>>, vector<24x1024xf32>
    %mul3A_1259 = arith.mulf %broadcast_in_dim3A_1255, %get3A_1258 : vector<24x1024xf32>
    %add3A_1260 = arith.addf %broadcast_in_dim3A_1252, %mul3A_1259 : vector<24x1024xf32>
    %slice3A_1261 = vector.extract_strided_slice %select_n3A_82 {offsets = [25, 0], sizes = [1, 1024], strides = [1, 1]} : vector<256x1024xf32> to vector<1x1024xf32>
    %broadcast_in_dim3A_1262 = vector.shape_cast %slice3A_1261 : vector<1x1024xf32> to vector<1x1024xf32>
    %broadcast_in_dim3A_1263 = vector.broadcast %broadcast_in_dim3A_1262 : vector<1x1024xf32> to vector<24x1024xf32>
    %get3A_1264 = arith.constant 32 : index
    %get3A_1265 = arith.constant 0 : index
    %get3A_1266 = vector.load %arg2[%get3A_1264, %get3A_1265] : memref<512x1024xf32, #tpu.memory_space<vmem>>, vector<24x1024xf32>
    %mul3A_1267 = arith.mulf %broadcast_in_dim3A_1263, %get3A_1266 : vector<24x1024xf32>
    %add3A_1268 = arith.addf %add3A_1260, %mul3A_1267 : vector<24x1024xf32>
    %slice3A_1269 = vector.extract_strided_slice %select_n3A_82 {offsets = [41, 0], sizes = [1, 1024], strides = [1, 1]} : vector<256x1024xf32> to vector<1x1024xf32>
    %broadcast_in_dim3A_1270 = vector.shape_cast %slice3A_1269 : vector<1x1024xf32> to vector<1x1024xf32>
    %broadcast_in_dim3A_1271 = vector.broadcast %broadcast_in_dim3A_1270 : vector<1x1024xf32> to vector<24x1024xf32>
    %get3A_1272 = arith.constant 64 : index
    %get3A_1273 = arith.constant 0 : index
    %get3A_1274 = vector.load %arg2[%get3A_1272, %get3A_1273] : memref<512x1024xf32, #tpu.memory_space<vmem>>, vector<24x1024xf32>
    %mul3A_1275 = arith.mulf %broadcast_in_dim3A_1271, %get3A_1274 : vector<24x1024xf32>
    %add3A_1276 = arith.addf %add3A_1268, %mul3A_1275 : vector<24x1024xf32>
    %slice3A_1277 = vector.extract_strided_slice %select_n3A_82 {offsets = [57, 0], sizes = [1, 1024], strides = [1, 1]} : vector<256x1024xf32> to vector<1x1024xf32>
    %broadcast_in_dim3A_1278 = vector.shape_cast %slice3A_1277 : vector<1x1024xf32> to vector<1x1024xf32>
    %broadcast_in_dim3A_1279 = vector.broadcast %broadcast_in_dim3A_1278 : vector<1x1024xf32> to vector<24x1024xf32>
    %get3A_1280 = arith.constant 96 : index
    %get3A_1281 = arith.constant 0 : index
    %get3A_1282 = vector.load %arg2[%get3A_1280, %get3A_1281] : memref<512x1024xf32, #tpu.memory_space<vmem>>, vector<24x1024xf32>
    %mul3A_1283 = arith.mulf %broadcast_in_dim3A_1279, %get3A_1282 : vector<24x1024xf32>
    %add3A_1284 = arith.addf %add3A_1276, %mul3A_1283 : vector<24x1024xf32>
    %slice3A_1285 = vector.extract_strided_slice %select_n3A_82 {offsets = [73, 0], sizes = [1, 1024], strides = [1, 1]} : vector<256x1024xf32> to vector<1x1024xf32>
    %broadcast_in_dim3A_1286 = vector.shape_cast %slice3A_1285 : vector<1x1024xf32> to vector<1x1024xf32>
    %broadcast_in_dim3A_1287 = vector.broadcast %broadcast_in_dim3A_1286 : vector<1x1024xf32> to vector<24x1024xf32>
    %get3A_1288 = arith.constant 128 : index
    %get3A_1289 = arith.constant 0 : index
    %get3A_1290 = vector.load %arg2[%get3A_1288, %get3A_1289] : memref<512x1024xf32, #tpu.memory_space<vmem>>, vector<24x1024xf32>
    %mul3A_1291 = arith.mulf %broadcast_in_dim3A_1287, %get3A_1290 : vector<24x1024xf32>
    %add3A_1292 = arith.addf %add3A_1284, %mul3A_1291 : vector<24x1024xf32>
    %slice3A_1293 = vector.extract_strided_slice %select_n3A_82 {offsets = [89, 0], sizes = [1, 1024], strides = [1, 1]} : vector<256x1024xf32> to vector<1x1024xf32>
    %broadcast_in_dim3A_1294 = vector.shape_cast %slice3A_1293 : vector<1x1024xf32> to vector<1x1024xf32>
    %broadcast_in_dim3A_1295 = vector.broadcast %broadcast_in_dim3A_1294 : vector<1x1024xf32> to vector<24x1024xf32>
    %get3A_1296 = arith.constant 160 : index
    %get3A_1297 = arith.constant 0 : index
    %get3A_1298 = vector.load %arg2[%get3A_1296, %get3A_1297] : memref<512x1024xf32, #tpu.memory_space<vmem>>, vector<24x1024xf32>
    %mul3A_1299 = arith.mulf %broadcast_in_dim3A_1295, %get3A_1298 : vector<24x1024xf32>
    %add3A_1300 = arith.addf %add3A_1292, %mul3A_1299 : vector<24x1024xf32>
    %slice3A_1301 = vector.extract_strided_slice %select_n3A_82 {offsets = [105, 0], sizes = [1, 1024], strides = [1, 1]} : vector<256x1024xf32> to vector<1x1024xf32>
    %broadcast_in_dim3A_1302 = vector.shape_cast %slice3A_1301 : vector<1x1024xf32> to vector<1x1024xf32>
    %broadcast_in_dim3A_1303 = vector.broadcast %broadcast_in_dim3A_1302 : vector<1x1024xf32> to vector<24x1024xf32>
    %get3A_1304 = arith.constant 192 : index
    %get3A_1305 = arith.constant 0 : index
    %get3A_1306 = vector.load %arg2[%get3A_1304, %get3A_1305] : memref<512x1024xf32, #tpu.memory_space<vmem>>, vector<24x1024xf32>
    %mul3A_1307 = arith.mulf %broadcast_in_dim3A_1303, %get3A_1306 : vector<24x1024xf32>
    %add3A_1308 = arith.addf %add3A_1300, %mul3A_1307 : vector<24x1024xf32>
    %slice3A_1309 = vector.extract_strided_slice %select_n3A_82 {offsets = [121, 0], sizes = [1, 1024], strides = [1, 1]} : vector<256x1024xf32> to vector<1x1024xf32>
    %broadcast_in_dim3A_1310 = vector.shape_cast %slice3A_1309 : vector<1x1024xf32> to vector<1x1024xf32>
    %broadcast_in_dim3A_1311 = vector.broadcast %broadcast_in_dim3A_1310 : vector<1x1024xf32> to vector<24x1024xf32>
    %get3A_1312 = arith.constant 224 : index
    %get3A_1313 = arith.constant 0 : index
    %get3A_1314 = vector.load %arg2[%get3A_1312, %get3A_1313] : memref<512x1024xf32, #tpu.memory_space<vmem>>, vector<24x1024xf32>
    %mul3A_1315 = arith.mulf %broadcast_in_dim3A_1311, %get3A_1314 : vector<24x1024xf32>
    %add3A_1316 = arith.addf %add3A_1308, %mul3A_1315 : vector<24x1024xf32>
    %slice3A_1317 = vector.extract_strided_slice %select_n3A_82 {offsets = [137, 0], sizes = [1, 1024], strides = [1, 1]} : vector<256x1024xf32> to vector<1x1024xf32>
    %broadcast_in_dim3A_1318 = vector.shape_cast %slice3A_1317 : vector<1x1024xf32> to vector<1x1024xf32>
    %broadcast_in_dim3A_1319 = vector.broadcast %broadcast_in_dim3A_1318 : vector<1x1024xf32> to vector<24x1024xf32>
    %get3A_1320 = arith.constant 256 : index
    %get3A_1321 = arith.constant 0 : index
    %get3A_1322 = vector.load %arg2[%get3A_1320, %get3A_1321] : memref<512x1024xf32, #tpu.memory_space<vmem>>, vector<24x1024xf32>
    %mul3A_1323 = arith.mulf %broadcast_in_dim3A_1319, %get3A_1322 : vector<24x1024xf32>
    %add3A_1324 = arith.addf %add3A_1316, %mul3A_1323 : vector<24x1024xf32>
    %slice3A_1325 = vector.extract_strided_slice %select_n3A_82 {offsets = [153, 0], sizes = [1, 1024], strides = [1, 1]} : vector<256x1024xf32> to vector<1x1024xf32>
    %broadcast_in_dim3A_1326 = vector.shape_cast %slice3A_1325 : vector<1x1024xf32> to vector<1x1024xf32>
    %broadcast_in_dim3A_1327 = vector.broadcast %broadcast_in_dim3A_1326 : vector<1x1024xf32> to vector<24x1024xf32>
    %get3A_1328 = arith.constant 288 : index
    %get3A_1329 = arith.constant 0 : index
    %get3A_1330 = vector.load %arg2[%get3A_1328, %get3A_1329] : memref<512x1024xf32, #tpu.memory_space<vmem>>, vector<24x1024xf32>
    %mul3A_1331 = arith.mulf %broadcast_in_dim3A_1327, %get3A_1330 : vector<24x1024xf32>
    %add3A_1332 = arith.addf %add3A_1324, %mul3A_1331 : vector<24x1024xf32>
    %slice3A_1333 = vector.extract_strided_slice %select_n3A_82 {offsets = [169, 0], sizes = [1, 1024], strides = [1, 1]} : vector<256x1024xf32> to vector<1x1024xf32>
    %broadcast_in_dim3A_1334 = vector.shape_cast %slice3A_1333 : vector<1x1024xf32> to vector<1x1024xf32>
    %broadcast_in_dim3A_1335 = vector.broadcast %broadcast_in_dim3A_1334 : vector<1x1024xf32> to vector<24x1024xf32>
    %get3A_1336 = arith.constant 320 : index
    %get3A_1337 = arith.constant 0 : index
    %get3A_1338 = vector.load %arg2[%get3A_1336, %get3A_1337] : memref<512x1024xf32, #tpu.memory_space<vmem>>, vector<24x1024xf32>
    %mul3A_1339 = arith.mulf %broadcast_in_dim3A_1335, %get3A_1338 : vector<24x1024xf32>
    %add3A_1340 = arith.addf %add3A_1332, %mul3A_1339 : vector<24x1024xf32>
    %slice3A_1341 = vector.extract_strided_slice %select_n3A_82 {offsets = [185, 0], sizes = [1, 1024], strides = [1, 1]} : vector<256x1024xf32> to vector<1x1024xf32>
    %broadcast_in_dim3A_1342 = vector.shape_cast %slice3A_1341 : vector<1x1024xf32> to vector<1x1024xf32>
    %broadcast_in_dim3A_1343 = vector.broadcast %broadcast_in_dim3A_1342 : vector<1x1024xf32> to vector<24x1024xf32>
    %get3A_1344 = arith.constant 352 : index
    %get3A_1345 = arith.constant 0 : index
    %get3A_1346 = vector.load %arg2[%get3A_1344, %get3A_1345] : memref<512x1024xf32, #tpu.memory_space<vmem>>, vector<24x1024xf32>
    %mul3A_1347 = arith.mulf %broadcast_in_dim3A_1343, %get3A_1346 : vector<24x1024xf32>
    %add3A_1348 = arith.addf %add3A_1340, %mul3A_1347 : vector<24x1024xf32>
    %slice3A_1349 = vector.extract_strided_slice %select_n3A_82 {offsets = [201, 0], sizes = [1, 1024], strides = [1, 1]} : vector<256x1024xf32> to vector<1x1024xf32>
    %broadcast_in_dim3A_1350 = vector.shape_cast %slice3A_1349 : vector<1x1024xf32> to vector<1x1024xf32>
    %broadcast_in_dim3A_1351 = vector.broadcast %broadcast_in_dim3A_1350 : vector<1x1024xf32> to vector<24x1024xf32>
    %get3A_1352 = arith.constant 384 : index
    %get3A_1353 = arith.constant 0 : index
    %get3A_1354 = vector.load %arg2[%get3A_1352, %get3A_1353] : memref<512x1024xf32, #tpu.memory_space<vmem>>, vector<24x1024xf32>
    %mul3A_1355 = arith.mulf %broadcast_in_dim3A_1351, %get3A_1354 : vector<24x1024xf32>
    %add3A_1356 = arith.addf %add3A_1348, %mul3A_1355 : vector<24x1024xf32>
    %slice3A_1357 = vector.extract_strided_slice %select_n3A_82 {offsets = [217, 0], sizes = [1, 1024], strides = [1, 1]} : vector<256x1024xf32> to vector<1x1024xf32>
    %broadcast_in_dim3A_1358 = vector.shape_cast %slice3A_1357 : vector<1x1024xf32> to vector<1x1024xf32>
    %broadcast_in_dim3A_1359 = vector.broadcast %broadcast_in_dim3A_1358 : vector<1x1024xf32> to vector<24x1024xf32>
    %get3A_1360 = arith.constant 416 : index
    %get3A_1361 = arith.constant 0 : index
    %get3A_1362 = vector.load %arg2[%get3A_1360, %get3A_1361] : memref<512x1024xf32, #tpu.memory_space<vmem>>, vector<24x1024xf32>
    %mul3A_1363 = arith.mulf %broadcast_in_dim3A_1359, %get3A_1362 : vector<24x1024xf32>
    %add3A_1364 = arith.addf %add3A_1356, %mul3A_1363 : vector<24x1024xf32>
    %slice3A_1365 = vector.extract_strided_slice %select_n3A_82 {offsets = [233, 0], sizes = [1, 1024], strides = [1, 1]} : vector<256x1024xf32> to vector<1x1024xf32>
    %broadcast_in_dim3A_1366 = vector.shape_cast %slice3A_1365 : vector<1x1024xf32> to vector<1x1024xf32>
    %broadcast_in_dim3A_1367 = vector.broadcast %broadcast_in_dim3A_1366 : vector<1x1024xf32> to vector<24x1024xf32>
    %get3A_1368 = arith.constant 448 : index
    %get3A_1369 = arith.constant 0 : index
    %get3A_1370 = vector.load %arg2[%get3A_1368, %get3A_1369] : memref<512x1024xf32, #tpu.memory_space<vmem>>, vector<24x1024xf32>
    %mul3A_1371 = arith.mulf %broadcast_in_dim3A_1367, %get3A_1370 : vector<24x1024xf32>
    %add3A_1372 = arith.addf %add3A_1364, %mul3A_1371 : vector<24x1024xf32>
    %slice3A_1373 = vector.extract_strided_slice %select_n3A_82 {offsets = [249, 0], sizes = [1, 1024], strides = [1, 1]} : vector<256x1024xf32> to vector<1x1024xf32>
    %broadcast_in_dim3A_1374 = vector.shape_cast %slice3A_1373 : vector<1x1024xf32> to vector<1x1024xf32>
    %broadcast_in_dim3A_1375 = vector.broadcast %broadcast_in_dim3A_1374 : vector<1x1024xf32> to vector<24x1024xf32>
    %get3A_1376 = arith.constant 480 : index
    %get3A_1377 = arith.constant 0 : index
    %get3A_1378 = vector.load %arg2[%get3A_1376, %get3A_1377] : memref<512x1024xf32, #tpu.memory_space<vmem>>, vector<24x1024xf32>
    %mul3A_1379 = arith.mulf %broadcast_in_dim3A_1375, %get3A_1378 : vector<24x1024xf32>
    %add3A_1380 = arith.addf %add3A_1372, %mul3A_1379 : vector<24x1024xf32>
    %broadcast_in_dim3A_1381 = arith.constant 0.000000e+00 : f32
    %broadcast_in_dim3A_1382 = vector.broadcast %broadcast_in_dim3A_1381 : f32 to vector<24x1024xf32>
    %slice3A_1383 = vector.extract_strided_slice %select_n3A_82 {offsets = [10, 0], sizes = [1, 1024], strides = [1, 1]} : vector<256x1024xf32> to vector<1x1024xf32>
    %broadcast_in_dim3A_1384 = vector.shape_cast %slice3A_1383 : vector<1x1024xf32> to vector<1x1024xf32>
    %broadcast_in_dim3A_1385 = vector.broadcast %broadcast_in_dim3A_1384 : vector<1x1024xf32> to vector<24x1024xf32>
    %get3A_1386 = arith.constant 0 : index
    %get3A_1387 = arith.constant 0 : index
    %get3A_1388 = vector.load %arg2[%get3A_1386, %get3A_1387] : memref<512x1024xf32, #tpu.memory_space<vmem>>, vector<24x1024xf32>
    %mul3A_1389 = arith.mulf %broadcast_in_dim3A_1385, %get3A_1388 : vector<24x1024xf32>
    %add3A_1390 = arith.addf %broadcast_in_dim3A_1382, %mul3A_1389 : vector<24x1024xf32>
    %slice3A_1391 = vector.extract_strided_slice %select_n3A_82 {offsets = [26, 0], sizes = [1, 1024], strides = [1, 1]} : vector<256x1024xf32> to vector<1x1024xf32>
    %broadcast_in_dim3A_1392 = vector.shape_cast %slice3A_1391 : vector<1x1024xf32> to vector<1x1024xf32>
    %broadcast_in_dim3A_1393 = vector.broadcast %broadcast_in_dim3A_1392 : vector<1x1024xf32> to vector<24x1024xf32>
    %get3A_1394 = arith.constant 32 : index
    %get3A_1395 = arith.constant 0 : index
    %get3A_1396 = vector.load %arg2[%get3A_1394, %get3A_1395] : memref<512x1024xf32, #tpu.memory_space<vmem>>, vector<24x1024xf32>
    %mul3A_1397 = arith.mulf %broadcast_in_dim3A_1393, %get3A_1396 : vector<24x1024xf32>
    %add3A_1398 = arith.addf %add3A_1390, %mul3A_1397 : vector<24x1024xf32>
    %slice3A_1399 = vector.extract_strided_slice %select_n3A_82 {offsets = [42, 0], sizes = [1, 1024], strides = [1, 1]} : vector<256x1024xf32> to vector<1x1024xf32>
    %broadcast_in_dim3A_1400 = vector.shape_cast %slice3A_1399 : vector<1x1024xf32> to vector<1x1024xf32>
    %broadcast_in_dim3A_1401 = vector.broadcast %broadcast_in_dim3A_1400 : vector<1x1024xf32> to vector<24x1024xf32>
    %get3A_1402 = arith.constant 64 : index
    %get3A_1403 = arith.constant 0 : index
    %get3A_1404 = vector.load %arg2[%get3A_1402, %get3A_1403] : memref<512x1024xf32, #tpu.memory_space<vmem>>, vector<24x1024xf32>
    %mul3A_1405 = arith.mulf %broadcast_in_dim3A_1401, %get3A_1404 : vector<24x1024xf32>
    %add3A_1406 = arith.addf %add3A_1398, %mul3A_1405 : vector<24x1024xf32>
    %slice3A_1407 = vector.extract_strided_slice %select_n3A_82 {offsets = [58, 0], sizes = [1, 1024], strides = [1, 1]} : vector<256x1024xf32> to vector<1x1024xf32>
    %broadcast_in_dim3A_1408 = vector.shape_cast %slice3A_1407 : vector<1x1024xf32> to vector<1x1024xf32>
    %broadcast_in_dim3A_1409 = vector.broadcast %broadcast_in_dim3A_1408 : vector<1x1024xf32> to vector<24x1024xf32>
    %get3A_1410 = arith.constant 96 : index
    %get3A_1411 = arith.constant 0 : index
    %get3A_1412 = vector.load %arg2[%get3A_1410, %get3A_1411] : memref<512x1024xf32, #tpu.memory_space<vmem>>, vector<24x1024xf32>
    %mul3A_1413 = arith.mulf %broadcast_in_dim3A_1409, %get3A_1412 : vector<24x1024xf32>
    %add3A_1414 = arith.addf %add3A_1406, %mul3A_1413 : vector<24x1024xf32>
    %slice3A_1415 = vector.extract_strided_slice %select_n3A_82 {offsets = [74, 0], sizes = [1, 1024], strides = [1, 1]} : vector<256x1024xf32> to vector<1x1024xf32>
    %broadcast_in_dim3A_1416 = vector.shape_cast %slice3A_1415 : vector<1x1024xf32> to vector<1x1024xf32>
    %broadcast_in_dim3A_1417 = vector.broadcast %broadcast_in_dim3A_1416 : vector<1x1024xf32> to vector<24x1024xf32>
    %get3A_1418 = arith.constant 128 : index
    %get3A_1419 = arith.constant 0 : index
    %get3A_1420 = vector.load %arg2[%get3A_1418, %get3A_1419] : memref<512x1024xf32, #tpu.memory_space<vmem>>, vector<24x1024xf32>
    %mul3A_1421 = arith.mulf %broadcast_in_dim3A_1417, %get3A_1420 : vector<24x1024xf32>
    %add3A_1422 = arith.addf %add3A_1414, %mul3A_1421 : vector<24x1024xf32>
    %slice3A_1423 = vector.extract_strided_slice %select_n3A_82 {offsets = [90, 0], sizes = [1, 1024], strides = [1, 1]} : vector<256x1024xf32> to vector<1x1024xf32>
    %broadcast_in_dim3A_1424 = vector.shape_cast %slice3A_1423 : vector<1x1024xf32> to vector<1x1024xf32>
    %broadcast_in_dim3A_1425 = vector.broadcast %broadcast_in_dim3A_1424 : vector<1x1024xf32> to vector<24x1024xf32>
    %get3A_1426 = arith.constant 160 : index
    %get3A_1427 = arith.constant 0 : index
    %get3A_1428 = vector.load %arg2[%get3A_1426, %get3A_1427] : memref<512x1024xf32, #tpu.memory_space<vmem>>, vector<24x1024xf32>
    %mul3A_1429 = arith.mulf %broadcast_in_dim3A_1425, %get3A_1428 : vector<24x1024xf32>
    %add3A_1430 = arith.addf %add3A_1422, %mul3A_1429 : vector<24x1024xf32>
    %slice3A_1431 = vector.extract_strided_slice %select_n3A_82 {offsets = [106, 0], sizes = [1, 1024], strides = [1, 1]} : vector<256x1024xf32> to vector<1x1024xf32>
    %broadcast_in_dim3A_1432 = vector.shape_cast %slice3A_1431 : vector<1x1024xf32> to vector<1x1024xf32>
    %broadcast_in_dim3A_1433 = vector.broadcast %broadcast_in_dim3A_1432 : vector<1x1024xf32> to vector<24x1024xf32>
    %get3A_1434 = arith.constant 192 : index
    %get3A_1435 = arith.constant 0 : index
    %get3A_1436 = vector.load %arg2[%get3A_1434, %get3A_1435] : memref<512x1024xf32, #tpu.memory_space<vmem>>, vector<24x1024xf32>
    %mul3A_1437 = arith.mulf %broadcast_in_dim3A_1433, %get3A_1436 : vector<24x1024xf32>
    %add3A_1438 = arith.addf %add3A_1430, %mul3A_1437 : vector<24x1024xf32>
    %slice3A_1439 = vector.extract_strided_slice %select_n3A_82 {offsets = [122, 0], sizes = [1, 1024], strides = [1, 1]} : vector<256x1024xf32> to vector<1x1024xf32>
    %broadcast_in_dim3A_1440 = vector.shape_cast %slice3A_1439 : vector<1x1024xf32> to vector<1x1024xf32>
    %broadcast_in_dim3A_1441 = vector.broadcast %broadcast_in_dim3A_1440 : vector<1x1024xf32> to vector<24x1024xf32>
    %get3A_1442 = arith.constant 224 : index
    %get3A_1443 = arith.constant 0 : index
    %get3A_1444 = vector.load %arg2[%get3A_1442, %get3A_1443] : memref<512x1024xf32, #tpu.memory_space<vmem>>, vector<24x1024xf32>
    %mul3A_1445 = arith.mulf %broadcast_in_dim3A_1441, %get3A_1444 : vector<24x1024xf32>
    %add3A_1446 = arith.addf %add3A_1438, %mul3A_1445 : vector<24x1024xf32>
    %slice3A_1447 = vector.extract_strided_slice %select_n3A_82 {offsets = [138, 0], sizes = [1, 1024], strides = [1, 1]} : vector<256x1024xf32> to vector<1x1024xf32>
    %broadcast_in_dim3A_1448 = vector.shape_cast %slice3A_1447 : vector<1x1024xf32> to vector<1x1024xf32>
    %broadcast_in_dim3A_1449 = vector.broadcast %broadcast_in_dim3A_1448 : vector<1x1024xf32> to vector<24x1024xf32>
    %get3A_1450 = arith.constant 256 : index
    %get3A_1451 = arith.constant 0 : index
    %get3A_1452 = vector.load %arg2[%get3A_1450, %get3A_1451] : memref<512x1024xf32, #tpu.memory_space<vmem>>, vector<24x1024xf32>
    %mul3A_1453 = arith.mulf %broadcast_in_dim3A_1449, %get3A_1452 : vector<24x1024xf32>
    %add3A_1454 = arith.addf %add3A_1446, %mul3A_1453 : vector<24x1024xf32>
    %slice3A_1455 = vector.extract_strided_slice %select_n3A_82 {offsets = [154, 0], sizes = [1, 1024], strides = [1, 1]} : vector<256x1024xf32> to vector<1x1024xf32>
    %broadcast_in_dim3A_1456 = vector.shape_cast %slice3A_1455 : vector<1x1024xf32> to vector<1x1024xf32>
    %broadcast_in_dim3A_1457 = vector.broadcast %broadcast_in_dim3A_1456 : vector<1x1024xf32> to vector<24x1024xf32>
    %get3A_1458 = arith.constant 288 : index
    %get3A_1459 = arith.constant 0 : index
    %get3A_1460 = vector.load %arg2[%get3A_1458, %get3A_1459] : memref<512x1024xf32, #tpu.memory_space<vmem>>, vector<24x1024xf32>
    %mul3A_1461 = arith.mulf %broadcast_in_dim3A_1457, %get3A_1460 : vector<24x1024xf32>
    %add3A_1462 = arith.addf %add3A_1454, %mul3A_1461 : vector<24x1024xf32>
    %slice3A_1463 = vector.extract_strided_slice %select_n3A_82 {offsets = [170, 0], sizes = [1, 1024], strides = [1, 1]} : vector<256x1024xf32> to vector<1x1024xf32>
    %broadcast_in_dim3A_1464 = vector.shape_cast %slice3A_1463 : vector<1x1024xf32> to vector<1x1024xf32>
    %broadcast_in_dim3A_1465 = vector.broadcast %broadcast_in_dim3A_1464 : vector<1x1024xf32> to vector<24x1024xf32>
    %get3A_1466 = arith.constant 320 : index
    %get3A_1467 = arith.constant 0 : index
    %get3A_1468 = vector.load %arg2[%get3A_1466, %get3A_1467] : memref<512x1024xf32, #tpu.memory_space<vmem>>, vector<24x1024xf32>
    %mul3A_1469 = arith.mulf %broadcast_in_dim3A_1465, %get3A_1468 : vector<24x1024xf32>
    %add3A_1470 = arith.addf %add3A_1462, %mul3A_1469 : vector<24x1024xf32>
    %slice3A_1471 = vector.extract_strided_slice %select_n3A_82 {offsets = [186, 0], sizes = [1, 1024], strides = [1, 1]} : vector<256x1024xf32> to vector<1x1024xf32>
    %broadcast_in_dim3A_1472 = vector.shape_cast %slice3A_1471 : vector<1x1024xf32> to vector<1x1024xf32>
    %broadcast_in_dim3A_1473 = vector.broadcast %broadcast_in_dim3A_1472 : vector<1x1024xf32> to vector<24x1024xf32>
    %get3A_1474 = arith.constant 352 : index
    %get3A_1475 = arith.constant 0 : index
    %get3A_1476 = vector.load %arg2[%get3A_1474, %get3A_1475] : memref<512x1024xf32, #tpu.memory_space<vmem>>, vector<24x1024xf32>
    %mul3A_1477 = arith.mulf %broadcast_in_dim3A_1473, %get3A_1476 : vector<24x1024xf32>
    %add3A_1478 = arith.addf %add3A_1470, %mul3A_1477 : vector<24x1024xf32>
    %slice3A_1479 = vector.extract_strided_slice %select_n3A_82 {offsets = [202, 0], sizes = [1, 1024], strides = [1, 1]} : vector<256x1024xf32> to vector<1x1024xf32>
    %broadcast_in_dim3A_1480 = vector.shape_cast %slice3A_1479 : vector<1x1024xf32> to vector<1x1024xf32>
    %broadcast_in_dim3A_1481 = vector.broadcast %broadcast_in_dim3A_1480 : vector<1x1024xf32> to vector<24x1024xf32>
    %get3A_1482 = arith.constant 384 : index
    %get3A_1483 = arith.constant 0 : index
    %get3A_1484 = vector.load %arg2[%get3A_1482, %get3A_1483] : memref<512x1024xf32, #tpu.memory_space<vmem>>, vector<24x1024xf32>
    %mul3A_1485 = arith.mulf %broadcast_in_dim3A_1481, %get3A_1484 : vector<24x1024xf32>
    %add3A_1486 = arith.addf %add3A_1478, %mul3A_1485 : vector<24x1024xf32>
    %slice3A_1487 = vector.extract_strided_slice %select_n3A_82 {offsets = [218, 0], sizes = [1, 1024], strides = [1, 1]} : vector<256x1024xf32> to vector<1x1024xf32>
    %broadcast_in_dim3A_1488 = vector.shape_cast %slice3A_1487 : vector<1x1024xf32> to vector<1x1024xf32>
    %broadcast_in_dim3A_1489 = vector.broadcast %broadcast_in_dim3A_1488 : vector<1x1024xf32> to vector<24x1024xf32>
    %get3A_1490 = arith.constant 416 : index
    %get3A_1491 = arith.constant 0 : index
    %get3A_1492 = vector.load %arg2[%get3A_1490, %get3A_1491] : memref<512x1024xf32, #tpu.memory_space<vmem>>, vector<24x1024xf32>
    %mul3A_1493 = arith.mulf %broadcast_in_dim3A_1489, %get3A_1492 : vector<24x1024xf32>
    %add3A_1494 = arith.addf %add3A_1486, %mul3A_1493 : vector<24x1024xf32>
    %slice3A_1495 = vector.extract_strided_slice %select_n3A_82 {offsets = [234, 0], sizes = [1, 1024], strides = [1, 1]} : vector<256x1024xf32> to vector<1x1024xf32>
    %broadcast_in_dim3A_1496 = vector.shape_cast %slice3A_1495 : vector<1x1024xf32> to vector<1x1024xf32>
    %broadcast_in_dim3A_1497 = vector.broadcast %broadcast_in_dim3A_1496 : vector<1x1024xf32> to vector<24x1024xf32>
    %get3A_1498 = arith.constant 448 : index
    %get3A_1499 = arith.constant 0 : index
    %get3A_1500 = vector.load %arg2[%get3A_1498, %get3A_1499] : memref<512x1024xf32, #tpu.memory_space<vmem>>, vector<24x1024xf32>
    %mul3A_1501 = arith.mulf %broadcast_in_dim3A_1497, %get3A_1500 : vector<24x1024xf32>
    %add3A_1502 = arith.addf %add3A_1494, %mul3A_1501 : vector<24x1024xf32>
    %slice3A_1503 = vector.extract_strided_slice %select_n3A_82 {offsets = [250, 0], sizes = [1, 1024], strides = [1, 1]} : vector<256x1024xf32> to vector<1x1024xf32>
    %broadcast_in_dim3A_1504 = vector.shape_cast %slice3A_1503 : vector<1x1024xf32> to vector<1x1024xf32>
    %broadcast_in_dim3A_1505 = vector.broadcast %broadcast_in_dim3A_1504 : vector<1x1024xf32> to vector<24x1024xf32>
    %get3A_1506 = arith.constant 480 : index
    %get3A_1507 = arith.constant 0 : index
    %get3A_1508 = vector.load %arg2[%get3A_1506, %get3A_1507] : memref<512x1024xf32, #tpu.memory_space<vmem>>, vector<24x1024xf32>
    %mul3A_1509 = arith.mulf %broadcast_in_dim3A_1505, %get3A_1508 : vector<24x1024xf32>
    %add3A_1510 = arith.addf %add3A_1502, %mul3A_1509 : vector<24x1024xf32>
    %broadcast_in_dim3A_1511 = arith.constant 0.000000e+00 : f32
    %broadcast_in_dim3A_1512 = vector.broadcast %broadcast_in_dim3A_1511 : f32 to vector<24x1024xf32>
    %slice3A_1513 = vector.extract_strided_slice %select_n3A_82 {offsets = [11, 0], sizes = [1, 1024], strides = [1, 1]} : vector<256x1024xf32> to vector<1x1024xf32>
    %broadcast_in_dim3A_1514 = vector.shape_cast %slice3A_1513 : vector<1x1024xf32> to vector<1x1024xf32>
    %broadcast_in_dim3A_1515 = vector.broadcast %broadcast_in_dim3A_1514 : vector<1x1024xf32> to vector<24x1024xf32>
    %get3A_1516 = arith.constant 0 : index
    %get3A_1517 = arith.constant 0 : index
    %get3A_1518 = vector.load %arg2[%get3A_1516, %get3A_1517] : memref<512x1024xf32, #tpu.memory_space<vmem>>, vector<24x1024xf32>
    %mul3A_1519 = arith.mulf %broadcast_in_dim3A_1515, %get3A_1518 : vector<24x1024xf32>
    %add3A_1520 = arith.addf %broadcast_in_dim3A_1512, %mul3A_1519 : vector<24x1024xf32>
    %slice3A_1521 = vector.extract_strided_slice %select_n3A_82 {offsets = [27, 0], sizes = [1, 1024], strides = [1, 1]} : vector<256x1024xf32> to vector<1x1024xf32>
    %broadcast_in_dim3A_1522 = vector.shape_cast %slice3A_1521 : vector<1x1024xf32> to vector<1x1024xf32>
    %broadcast_in_dim3A_1523 = vector.broadcast %broadcast_in_dim3A_1522 : vector<1x1024xf32> to vector<24x1024xf32>
    %get3A_1524 = arith.constant 32 : index
    %get3A_1525 = arith.constant 0 : index
    %get3A_1526 = vector.load %arg2[%get3A_1524, %get3A_1525] : memref<512x1024xf32, #tpu.memory_space<vmem>>, vector<24x1024xf32>
    %mul3A_1527 = arith.mulf %broadcast_in_dim3A_1523, %get3A_1526 : vector<24x1024xf32>
    %add3A_1528 = arith.addf %add3A_1520, %mul3A_1527 : vector<24x1024xf32>
    %slice3A_1529 = vector.extract_strided_slice %select_n3A_82 {offsets = [43, 0], sizes = [1, 1024], strides = [1, 1]} : vector<256x1024xf32> to vector<1x1024xf32>
    %broadcast_in_dim3A_1530 = vector.shape_cast %slice3A_1529 : vector<1x1024xf32> to vector<1x1024xf32>
    %broadcast_in_dim3A_1531 = vector.broadcast %broadcast_in_dim3A_1530 : vector<1x1024xf32> to vector<24x1024xf32>
    %get3A_1532 = arith.constant 64 : index
    %get3A_1533 = arith.constant 0 : index
    %get3A_1534 = vector.load %arg2[%get3A_1532, %get3A_1533] : memref<512x1024xf32, #tpu.memory_space<vmem>>, vector<24x1024xf32>
    %mul3A_1535 = arith.mulf %broadcast_in_dim3A_1531, %get3A_1534 : vector<24x1024xf32>
    %add3A_1536 = arith.addf %add3A_1528, %mul3A_1535 : vector<24x1024xf32>
    %slice3A_1537 = vector.extract_strided_slice %select_n3A_82 {offsets = [59, 0], sizes = [1, 1024], strides = [1, 1]} : vector<256x1024xf32> to vector<1x1024xf32>
    %broadcast_in_dim3A_1538 = vector.shape_cast %slice3A_1537 : vector<1x1024xf32> to vector<1x1024xf32>
    %broadcast_in_dim3A_1539 = vector.broadcast %broadcast_in_dim3A_1538 : vector<1x1024xf32> to vector<24x1024xf32>
    %get3A_1540 = arith.constant 96 : index
    %get3A_1541 = arith.constant 0 : index
    %get3A_1542 = vector.load %arg2[%get3A_1540, %get3A_1541] : memref<512x1024xf32, #tpu.memory_space<vmem>>, vector<24x1024xf32>
    %mul3A_1543 = arith.mulf %broadcast_in_dim3A_1539, %get3A_1542 : vector<24x1024xf32>
    %add3A_1544 = arith.addf %add3A_1536, %mul3A_1543 : vector<24x1024xf32>
    %slice3A_1545 = vector.extract_strided_slice %select_n3A_82 {offsets = [75, 0], sizes = [1, 1024], strides = [1, 1]} : vector<256x1024xf32> to vector<1x1024xf32>
    %broadcast_in_dim3A_1546 = vector.shape_cast %slice3A_1545 : vector<1x1024xf32> to vector<1x1024xf32>
    %broadcast_in_dim3A_1547 = vector.broadcast %broadcast_in_dim3A_1546 : vector<1x1024xf32> to vector<24x1024xf32>
    %get3A_1548 = arith.constant 128 : index
    %get3A_1549 = arith.constant 0 : index
    %get3A_1550 = vector.load %arg2[%get3A_1548, %get3A_1549] : memref<512x1024xf32, #tpu.memory_space<vmem>>, vector<24x1024xf32>
    %mul3A_1551 = arith.mulf %broadcast_in_dim3A_1547, %get3A_1550 : vector<24x1024xf32>
    %add3A_1552 = arith.addf %add3A_1544, %mul3A_1551 : vector<24x1024xf32>
    %slice3A_1553 = vector.extract_strided_slice %select_n3A_82 {offsets = [91, 0], sizes = [1, 1024], strides = [1, 1]} : vector<256x1024xf32> to vector<1x1024xf32>
    %broadcast_in_dim3A_1554 = vector.shape_cast %slice3A_1553 : vector<1x1024xf32> to vector<1x1024xf32>
    %broadcast_in_dim3A_1555 = vector.broadcast %broadcast_in_dim3A_1554 : vector<1x1024xf32> to vector<24x1024xf32>
    %get3A_1556 = arith.constant 160 : index
    %get3A_1557 = arith.constant 0 : index
    %get3A_1558 = vector.load %arg2[%get3A_1556, %get3A_1557] : memref<512x1024xf32, #tpu.memory_space<vmem>>, vector<24x1024xf32>
    %mul3A_1559 = arith.mulf %broadcast_in_dim3A_1555, %get3A_1558 : vector<24x1024xf32>
    %add3A_1560 = arith.addf %add3A_1552, %mul3A_1559 : vector<24x1024xf32>
    %slice3A_1561 = vector.extract_strided_slice %select_n3A_82 {offsets = [107, 0], sizes = [1, 1024], strides = [1, 1]} : vector<256x1024xf32> to vector<1x1024xf32>
    %broadcast_in_dim3A_1562 = vector.shape_cast %slice3A_1561 : vector<1x1024xf32> to vector<1x1024xf32>
    %broadcast_in_dim3A_1563 = vector.broadcast %broadcast_in_dim3A_1562 : vector<1x1024xf32> to vector<24x1024xf32>
    %get3A_1564 = arith.constant 192 : index
    %get3A_1565 = arith.constant 0 : index
    %get3A_1566 = vector.load %arg2[%get3A_1564, %get3A_1565] : memref<512x1024xf32, #tpu.memory_space<vmem>>, vector<24x1024xf32>
    %mul3A_1567 = arith.mulf %broadcast_in_dim3A_1563, %get3A_1566 : vector<24x1024xf32>
    %add3A_1568 = arith.addf %add3A_1560, %mul3A_1567 : vector<24x1024xf32>
    %slice3A_1569 = vector.extract_strided_slice %select_n3A_82 {offsets = [123, 0], sizes = [1, 1024], strides = [1, 1]} : vector<256x1024xf32> to vector<1x1024xf32>
    %broadcast_in_dim3A_1570 = vector.shape_cast %slice3A_1569 : vector<1x1024xf32> to vector<1x1024xf32>
    %broadcast_in_dim3A_1571 = vector.broadcast %broadcast_in_dim3A_1570 : vector<1x1024xf32> to vector<24x1024xf32>
    %get3A_1572 = arith.constant 224 : index
    %get3A_1573 = arith.constant 0 : index
    %get3A_1574 = vector.load %arg2[%get3A_1572, %get3A_1573] : memref<512x1024xf32, #tpu.memory_space<vmem>>, vector<24x1024xf32>
    %mul3A_1575 = arith.mulf %broadcast_in_dim3A_1571, %get3A_1574 : vector<24x1024xf32>
    %add3A_1576 = arith.addf %add3A_1568, %mul3A_1575 : vector<24x1024xf32>
    %slice3A_1577 = vector.extract_strided_slice %select_n3A_82 {offsets = [139, 0], sizes = [1, 1024], strides = [1, 1]} : vector<256x1024xf32> to vector<1x1024xf32>
    %broadcast_in_dim3A_1578 = vector.shape_cast %slice3A_1577 : vector<1x1024xf32> to vector<1x1024xf32>
    %broadcast_in_dim3A_1579 = vector.broadcast %broadcast_in_dim3A_1578 : vector<1x1024xf32> to vector<24x1024xf32>
    %get3A_1580 = arith.constant 256 : index
    %get3A_1581 = arith.constant 0 : index
    %get3A_1582 = vector.load %arg2[%get3A_1580, %get3A_1581] : memref<512x1024xf32, #tpu.memory_space<vmem>>, vector<24x1024xf32>
    %mul3A_1583 = arith.mulf %broadcast_in_dim3A_1579, %get3A_1582 : vector<24x1024xf32>
    %add3A_1584 = arith.addf %add3A_1576, %mul3A_1583 : vector<24x1024xf32>
    %slice3A_1585 = vector.extract_strided_slice %select_n3A_82 {offsets = [155, 0], sizes = [1, 1024], strides = [1, 1]} : vector<256x1024xf32> to vector<1x1024xf32>
    %broadcast_in_dim3A_1586 = vector.shape_cast %slice3A_1585 : vector<1x1024xf32> to vector<1x1024xf32>
    %broadcast_in_dim3A_1587 = vector.broadcast %broadcast_in_dim3A_1586 : vector<1x1024xf32> to vector<24x1024xf32>
    %get3A_1588 = arith.constant 288 : index
    %get3A_1589 = arith.constant 0 : index
    %get3A_1590 = vector.load %arg2[%get3A_1588, %get3A_1589] : memref<512x1024xf32, #tpu.memory_space<vmem>>, vector<24x1024xf32>
    %mul3A_1591 = arith.mulf %broadcast_in_dim3A_1587, %get3A_1590 : vector<24x1024xf32>
    %add3A_1592 = arith.addf %add3A_1584, %mul3A_1591 : vector<24x1024xf32>
    %slice3A_1593 = vector.extract_strided_slice %select_n3A_82 {offsets = [171, 0], sizes = [1, 1024], strides = [1, 1]} : vector<256x1024xf32> to vector<1x1024xf32>
    %broadcast_in_dim3A_1594 = vector.shape_cast %slice3A_1593 : vector<1x1024xf32> to vector<1x1024xf32>
    %broadcast_in_dim3A_1595 = vector.broadcast %broadcast_in_dim3A_1594 : vector<1x1024xf32> to vector<24x1024xf32>
    %get3A_1596 = arith.constant 320 : index
    %get3A_1597 = arith.constant 0 : index
    %get3A_1598 = vector.load %arg2[%get3A_1596, %get3A_1597] : memref<512x1024xf32, #tpu.memory_space<vmem>>, vector<24x1024xf32>
    %mul3A_1599 = arith.mulf %broadcast_in_dim3A_1595, %get3A_1598 : vector<24x1024xf32>
    %add3A_1600 = arith.addf %add3A_1592, %mul3A_1599 : vector<24x1024xf32>
    %slice3A_1601 = vector.extract_strided_slice %select_n3A_82 {offsets = [187, 0], sizes = [1, 1024], strides = [1, 1]} : vector<256x1024xf32> to vector<1x1024xf32>
    %broadcast_in_dim3A_1602 = vector.shape_cast %slice3A_1601 : vector<1x1024xf32> to vector<1x1024xf32>
    %broadcast_in_dim3A_1603 = vector.broadcast %broadcast_in_dim3A_1602 : vector<1x1024xf32> to vector<24x1024xf32>
    %get3A_1604 = arith.constant 352 : index
    %get3A_1605 = arith.constant 0 : index
    %get3A_1606 = vector.load %arg2[%get3A_1604, %get3A_1605] : memref<512x1024xf32, #tpu.memory_space<vmem>>, vector<24x1024xf32>
    %mul3A_1607 = arith.mulf %broadcast_in_dim3A_1603, %get3A_1606 : vector<24x1024xf32>
    %add3A_1608 = arith.addf %add3A_1600, %mul3A_1607 : vector<24x1024xf32>
    %slice3A_1609 = vector.extract_strided_slice %select_n3A_82 {offsets = [203, 0], sizes = [1, 1024], strides = [1, 1]} : vector<256x1024xf32> to vector<1x1024xf32>
    %broadcast_in_dim3A_1610 = vector.shape_cast %slice3A_1609 : vector<1x1024xf32> to vector<1x1024xf32>
    %broadcast_in_dim3A_1611 = vector.broadcast %broadcast_in_dim3A_1610 : vector<1x1024xf32> to vector<24x1024xf32>
    %get3A_1612 = arith.constant 384 : index
    %get3A_1613 = arith.constant 0 : index
    %get3A_1614 = vector.load %arg2[%get3A_1612, %get3A_1613] : memref<512x1024xf32, #tpu.memory_space<vmem>>, vector<24x1024xf32>
    %mul3A_1615 = arith.mulf %broadcast_in_dim3A_1611, %get3A_1614 : vector<24x1024xf32>
    %add3A_1616 = arith.addf %add3A_1608, %mul3A_1615 : vector<24x1024xf32>
    %slice3A_1617 = vector.extract_strided_slice %select_n3A_82 {offsets = [219, 0], sizes = [1, 1024], strides = [1, 1]} : vector<256x1024xf32> to vector<1x1024xf32>
    %broadcast_in_dim3A_1618 = vector.shape_cast %slice3A_1617 : vector<1x1024xf32> to vector<1x1024xf32>
    %broadcast_in_dim3A_1619 = vector.broadcast %broadcast_in_dim3A_1618 : vector<1x1024xf32> to vector<24x1024xf32>
    %get3A_1620 = arith.constant 416 : index
    %get3A_1621 = arith.constant 0 : index
    %get3A_1622 = vector.load %arg2[%get3A_1620, %get3A_1621] : memref<512x1024xf32, #tpu.memory_space<vmem>>, vector<24x1024xf32>
    %mul3A_1623 = arith.mulf %broadcast_in_dim3A_1619, %get3A_1622 : vector<24x1024xf32>
    %add3A_1624 = arith.addf %add3A_1616, %mul3A_1623 : vector<24x1024xf32>
    %slice3A_1625 = vector.extract_strided_slice %select_n3A_82 {offsets = [235, 0], sizes = [1, 1024], strides = [1, 1]} : vector<256x1024xf32> to vector<1x1024xf32>
    %broadcast_in_dim3A_1626 = vector.shape_cast %slice3A_1625 : vector<1x1024xf32> to vector<1x1024xf32>
    %broadcast_in_dim3A_1627 = vector.broadcast %broadcast_in_dim3A_1626 : vector<1x1024xf32> to vector<24x1024xf32>
    %get3A_1628 = arith.constant 448 : index
    %get3A_1629 = arith.constant 0 : index
    %get3A_1630 = vector.load %arg2[%get3A_1628, %get3A_1629] : memref<512x1024xf32, #tpu.memory_space<vmem>>, vector<24x1024xf32>
    %mul3A_1631 = arith.mulf %broadcast_in_dim3A_1627, %get3A_1630 : vector<24x1024xf32>
    %add3A_1632 = arith.addf %add3A_1624, %mul3A_1631 : vector<24x1024xf32>
    %slice3A_1633 = vector.extract_strided_slice %select_n3A_82 {offsets = [251, 0], sizes = [1, 1024], strides = [1, 1]} : vector<256x1024xf32> to vector<1x1024xf32>
    %broadcast_in_dim3A_1634 = vector.shape_cast %slice3A_1633 : vector<1x1024xf32> to vector<1x1024xf32>
    %broadcast_in_dim3A_1635 = vector.broadcast %broadcast_in_dim3A_1634 : vector<1x1024xf32> to vector<24x1024xf32>
    %get3A_1636 = arith.constant 480 : index
    %get3A_1637 = arith.constant 0 : index
    %get3A_1638 = vector.load %arg2[%get3A_1636, %get3A_1637] : memref<512x1024xf32, #tpu.memory_space<vmem>>, vector<24x1024xf32>
    %mul3A_1639 = arith.mulf %broadcast_in_dim3A_1635, %get3A_1638 : vector<24x1024xf32>
    %add3A_1640 = arith.addf %add3A_1632, %mul3A_1639 : vector<24x1024xf32>
    %broadcast_in_dim3A_1641 = arith.constant 0.000000e+00 : f32
    %broadcast_in_dim3A_1642 = vector.broadcast %broadcast_in_dim3A_1641 : f32 to vector<24x1024xf32>
    %slice3A_1643 = vector.extract_strided_slice %select_n3A_82 {offsets = [12, 0], sizes = [1, 1024], strides = [1, 1]} : vector<256x1024xf32> to vector<1x1024xf32>
    %broadcast_in_dim3A_1644 = vector.shape_cast %slice3A_1643 : vector<1x1024xf32> to vector<1x1024xf32>
    %broadcast_in_dim3A_1645 = vector.broadcast %broadcast_in_dim3A_1644 : vector<1x1024xf32> to vector<24x1024xf32>
    %get3A_1646 = arith.constant 0 : index
    %get3A_1647 = arith.constant 0 : index
    %get3A_1648 = vector.load %arg2[%get3A_1646, %get3A_1647] : memref<512x1024xf32, #tpu.memory_space<vmem>>, vector<24x1024xf32>
    %mul3A_1649 = arith.mulf %broadcast_in_dim3A_1645, %get3A_1648 : vector<24x1024xf32>
    %add3A_1650 = arith.addf %broadcast_in_dim3A_1642, %mul3A_1649 : vector<24x1024xf32>
    %slice3A_1651 = vector.extract_strided_slice %select_n3A_82 {offsets = [28, 0], sizes = [1, 1024], strides = [1, 1]} : vector<256x1024xf32> to vector<1x1024xf32>
    %broadcast_in_dim3A_1652 = vector.shape_cast %slice3A_1651 : vector<1x1024xf32> to vector<1x1024xf32>
    %broadcast_in_dim3A_1653 = vector.broadcast %broadcast_in_dim3A_1652 : vector<1x1024xf32> to vector<24x1024xf32>
    %get3A_1654 = arith.constant 32 : index
    %get3A_1655 = arith.constant 0 : index
    %get3A_1656 = vector.load %arg2[%get3A_1654, %get3A_1655] : memref<512x1024xf32, #tpu.memory_space<vmem>>, vector<24x1024xf32>
    %mul3A_1657 = arith.mulf %broadcast_in_dim3A_1653, %get3A_1656 : vector<24x1024xf32>
    %add3A_1658 = arith.addf %add3A_1650, %mul3A_1657 : vector<24x1024xf32>
    %slice3A_1659 = vector.extract_strided_slice %select_n3A_82 {offsets = [44, 0], sizes = [1, 1024], strides = [1, 1]} : vector<256x1024xf32> to vector<1x1024xf32>
    %broadcast_in_dim3A_1660 = vector.shape_cast %slice3A_1659 : vector<1x1024xf32> to vector<1x1024xf32>
    %broadcast_in_dim3A_1661 = vector.broadcast %broadcast_in_dim3A_1660 : vector<1x1024xf32> to vector<24x1024xf32>
    %get3A_1662 = arith.constant 64 : index
    %get3A_1663 = arith.constant 0 : index
    %get3A_1664 = vector.load %arg2[%get3A_1662, %get3A_1663] : memref<512x1024xf32, #tpu.memory_space<vmem>>, vector<24x1024xf32>
    %mul3A_1665 = arith.mulf %broadcast_in_dim3A_1661, %get3A_1664 : vector<24x1024xf32>
    %add3A_1666 = arith.addf %add3A_1658, %mul3A_1665 : vector<24x1024xf32>
    %slice3A_1667 = vector.extract_strided_slice %select_n3A_82 {offsets = [60, 0], sizes = [1, 1024], strides = [1, 1]} : vector<256x1024xf32> to vector<1x1024xf32>
    %broadcast_in_dim3A_1668 = vector.shape_cast %slice3A_1667 : vector<1x1024xf32> to vector<1x1024xf32>
    %broadcast_in_dim3A_1669 = vector.broadcast %broadcast_in_dim3A_1668 : vector<1x1024xf32> to vector<24x1024xf32>
    %get3A_1670 = arith.constant 96 : index
    %get3A_1671 = arith.constant 0 : index
    %get3A_1672 = vector.load %arg2[%get3A_1670, %get3A_1671] : memref<512x1024xf32, #tpu.memory_space<vmem>>, vector<24x1024xf32>
    %mul3A_1673 = arith.mulf %broadcast_in_dim3A_1669, %get3A_1672 : vector<24x1024xf32>
    %add3A_1674 = arith.addf %add3A_1666, %mul3A_1673 : vector<24x1024xf32>
    %slice3A_1675 = vector.extract_strided_slice %select_n3A_82 {offsets = [76, 0], sizes = [1, 1024], strides = [1, 1]} : vector<256x1024xf32> to vector<1x1024xf32>
    %broadcast_in_dim3A_1676 = vector.shape_cast %slice3A_1675 : vector<1x1024xf32> to vector<1x1024xf32>
    %broadcast_in_dim3A_1677 = vector.broadcast %broadcast_in_dim3A_1676 : vector<1x1024xf32> to vector<24x1024xf32>
    %get3A_1678 = arith.constant 128 : index
    %get3A_1679 = arith.constant 0 : index
    %get3A_1680 = vector.load %arg2[%get3A_1678, %get3A_1679] : memref<512x1024xf32, #tpu.memory_space<vmem>>, vector<24x1024xf32>
    %mul3A_1681 = arith.mulf %broadcast_in_dim3A_1677, %get3A_1680 : vector<24x1024xf32>
    %add3A_1682 = arith.addf %add3A_1674, %mul3A_1681 : vector<24x1024xf32>
    %slice3A_1683 = vector.extract_strided_slice %select_n3A_82 {offsets = [92, 0], sizes = [1, 1024], strides = [1, 1]} : vector<256x1024xf32> to vector<1x1024xf32>
    %broadcast_in_dim3A_1684 = vector.shape_cast %slice3A_1683 : vector<1x1024xf32> to vector<1x1024xf32>
    %broadcast_in_dim3A_1685 = vector.broadcast %broadcast_in_dim3A_1684 : vector<1x1024xf32> to vector<24x1024xf32>
    %get3A_1686 = arith.constant 160 : index
    %get3A_1687 = arith.constant 0 : index
    %get3A_1688 = vector.load %arg2[%get3A_1686, %get3A_1687] : memref<512x1024xf32, #tpu.memory_space<vmem>>, vector<24x1024xf32>
    %mul3A_1689 = arith.mulf %broadcast_in_dim3A_1685, %get3A_1688 : vector<24x1024xf32>
    %add3A_1690 = arith.addf %add3A_1682, %mul3A_1689 : vector<24x1024xf32>
    %slice3A_1691 = vector.extract_strided_slice %select_n3A_82 {offsets = [108, 0], sizes = [1, 1024], strides = [1, 1]} : vector<256x1024xf32> to vector<1x1024xf32>
    %broadcast_in_dim3A_1692 = vector.shape_cast %slice3A_1691 : vector<1x1024xf32> to vector<1x1024xf32>
    %broadcast_in_dim3A_1693 = vector.broadcast %broadcast_in_dim3A_1692 : vector<1x1024xf32> to vector<24x1024xf32>
    %get3A_1694 = arith.constant 192 : index
    %get3A_1695 = arith.constant 0 : index
    %get3A_1696 = vector.load %arg2[%get3A_1694, %get3A_1695] : memref<512x1024xf32, #tpu.memory_space<vmem>>, vector<24x1024xf32>
    %mul3A_1697 = arith.mulf %broadcast_in_dim3A_1693, %get3A_1696 : vector<24x1024xf32>
    %add3A_1698 = arith.addf %add3A_1690, %mul3A_1697 : vector<24x1024xf32>
    %slice3A_1699 = vector.extract_strided_slice %select_n3A_82 {offsets = [124, 0], sizes = [1, 1024], strides = [1, 1]} : vector<256x1024xf32> to vector<1x1024xf32>
    %broadcast_in_dim3A_1700 = vector.shape_cast %slice3A_1699 : vector<1x1024xf32> to vector<1x1024xf32>
    %broadcast_in_dim3A_1701 = vector.broadcast %broadcast_in_dim3A_1700 : vector<1x1024xf32> to vector<24x1024xf32>
    %get3A_1702 = arith.constant 224 : index
    %get3A_1703 = arith.constant 0 : index
    %get3A_1704 = vector.load %arg2[%get3A_1702, %get3A_1703] : memref<512x1024xf32, #tpu.memory_space<vmem>>, vector<24x1024xf32>
    %mul3A_1705 = arith.mulf %broadcast_in_dim3A_1701, %get3A_1704 : vector<24x1024xf32>
    %add3A_1706 = arith.addf %add3A_1698, %mul3A_1705 : vector<24x1024xf32>
    %slice3A_1707 = vector.extract_strided_slice %select_n3A_82 {offsets = [140, 0], sizes = [1, 1024], strides = [1, 1]} : vector<256x1024xf32> to vector<1x1024xf32>
    %broadcast_in_dim3A_1708 = vector.shape_cast %slice3A_1707 : vector<1x1024xf32> to vector<1x1024xf32>
    %broadcast_in_dim3A_1709 = vector.broadcast %broadcast_in_dim3A_1708 : vector<1x1024xf32> to vector<24x1024xf32>
    %get3A_1710 = arith.constant 256 : index
    %get3A_1711 = arith.constant 0 : index
    %get3A_1712 = vector.load %arg2[%get3A_1710, %get3A_1711] : memref<512x1024xf32, #tpu.memory_space<vmem>>, vector<24x1024xf32>
    %mul3A_1713 = arith.mulf %broadcast_in_dim3A_1709, %get3A_1712 : vector<24x1024xf32>
    %add3A_1714 = arith.addf %add3A_1706, %mul3A_1713 : vector<24x1024xf32>
    %slice3A_1715 = vector.extract_strided_slice %select_n3A_82 {offsets = [156, 0], sizes = [1, 1024], strides = [1, 1]} : vector<256x1024xf32> to vector<1x1024xf32>
    %broadcast_in_dim3A_1716 = vector.shape_cast %slice3A_1715 : vector<1x1024xf32> to vector<1x1024xf32>
    %broadcast_in_dim3A_1717 = vector.broadcast %broadcast_in_dim3A_1716 : vector<1x1024xf32> to vector<24x1024xf32>
    %get3A_1718 = arith.constant 288 : index
    %get3A_1719 = arith.constant 0 : index
    %get3A_1720 = vector.load %arg2[%get3A_1718, %get3A_1719] : memref<512x1024xf32, #tpu.memory_space<vmem>>, vector<24x1024xf32>
    %mul3A_1721 = arith.mulf %broadcast_in_dim3A_1717, %get3A_1720 : vector<24x1024xf32>
    %add3A_1722 = arith.addf %add3A_1714, %mul3A_1721 : vector<24x1024xf32>
    %slice3A_1723 = vector.extract_strided_slice %select_n3A_82 {offsets = [172, 0], sizes = [1, 1024], strides = [1, 1]} : vector<256x1024xf32> to vector<1x1024xf32>
    %broadcast_in_dim3A_1724 = vector.shape_cast %slice3A_1723 : vector<1x1024xf32> to vector<1x1024xf32>
    %broadcast_in_dim3A_1725 = vector.broadcast %broadcast_in_dim3A_1724 : vector<1x1024xf32> to vector<24x1024xf32>
    %get3A_1726 = arith.constant 320 : index
    %get3A_1727 = arith.constant 0 : index
    %get3A_1728 = vector.load %arg2[%get3A_1726, %get3A_1727] : memref<512x1024xf32, #tpu.memory_space<vmem>>, vector<24x1024xf32>
    %mul3A_1729 = arith.mulf %broadcast_in_dim3A_1725, %get3A_1728 : vector<24x1024xf32>
    %add3A_1730 = arith.addf %add3A_1722, %mul3A_1729 : vector<24x1024xf32>
    %slice3A_1731 = vector.extract_strided_slice %select_n3A_82 {offsets = [188, 0], sizes = [1, 1024], strides = [1, 1]} : vector<256x1024xf32> to vector<1x1024xf32>
    %broadcast_in_dim3A_1732 = vector.shape_cast %slice3A_1731 : vector<1x1024xf32> to vector<1x1024xf32>
    %broadcast_in_dim3A_1733 = vector.broadcast %broadcast_in_dim3A_1732 : vector<1x1024xf32> to vector<24x1024xf32>
    %get3A_1734 = arith.constant 352 : index
    %get3A_1735 = arith.constant 0 : index
    %get3A_1736 = vector.load %arg2[%get3A_1734, %get3A_1735] : memref<512x1024xf32, #tpu.memory_space<vmem>>, vector<24x1024xf32>
    %mul3A_1737 = arith.mulf %broadcast_in_dim3A_1733, %get3A_1736 : vector<24x1024xf32>
    %add3A_1738 = arith.addf %add3A_1730, %mul3A_1737 : vector<24x1024xf32>
    %slice3A_1739 = vector.extract_strided_slice %select_n3A_82 {offsets = [204, 0], sizes = [1, 1024], strides = [1, 1]} : vector<256x1024xf32> to vector<1x1024xf32>
    %broadcast_in_dim3A_1740 = vector.shape_cast %slice3A_1739 : vector<1x1024xf32> to vector<1x1024xf32>
    %broadcast_in_dim3A_1741 = vector.broadcast %broadcast_in_dim3A_1740 : vector<1x1024xf32> to vector<24x1024xf32>
    %get3A_1742 = arith.constant 384 : index
    %get3A_1743 = arith.constant 0 : index
    %get3A_1744 = vector.load %arg2[%get3A_1742, %get3A_1743] : memref<512x1024xf32, #tpu.memory_space<vmem>>, vector<24x1024xf32>
    %mul3A_1745 = arith.mulf %broadcast_in_dim3A_1741, %get3A_1744 : vector<24x1024xf32>
    %add3A_1746 = arith.addf %add3A_1738, %mul3A_1745 : vector<24x1024xf32>
    %slice3A_1747 = vector.extract_strided_slice %select_n3A_82 {offsets = [220, 0], sizes = [1, 1024], strides = [1, 1]} : vector<256x1024xf32> to vector<1x1024xf32>
    %broadcast_in_dim3A_1748 = vector.shape_cast %slice3A_1747 : vector<1x1024xf32> to vector<1x1024xf32>
    %broadcast_in_dim3A_1749 = vector.broadcast %broadcast_in_dim3A_1748 : vector<1x1024xf32> to vector<24x1024xf32>
    %get3A_1750 = arith.constant 416 : index
    %get3A_1751 = arith.constant 0 : index
    %get3A_1752 = vector.load %arg2[%get3A_1750, %get3A_1751] : memref<512x1024xf32, #tpu.memory_space<vmem>>, vector<24x1024xf32>
    %mul3A_1753 = arith.mulf %broadcast_in_dim3A_1749, %get3A_1752 : vector<24x1024xf32>
    %add3A_1754 = arith.addf %add3A_1746, %mul3A_1753 : vector<24x1024xf32>
    %slice3A_1755 = vector.extract_strided_slice %select_n3A_82 {offsets = [236, 0], sizes = [1, 1024], strides = [1, 1]} : vector<256x1024xf32> to vector<1x1024xf32>
    %broadcast_in_dim3A_1756 = vector.shape_cast %slice3A_1755 : vector<1x1024xf32> to vector<1x1024xf32>
    %broadcast_in_dim3A_1757 = vector.broadcast %broadcast_in_dim3A_1756 : vector<1x1024xf32> to vector<24x1024xf32>
    %get3A_1758 = arith.constant 448 : index
    %get3A_1759 = arith.constant 0 : index
    %get3A_1760 = vector.load %arg2[%get3A_1758, %get3A_1759] : memref<512x1024xf32, #tpu.memory_space<vmem>>, vector<24x1024xf32>
    %mul3A_1761 = arith.mulf %broadcast_in_dim3A_1757, %get3A_1760 : vector<24x1024xf32>
    %add3A_1762 = arith.addf %add3A_1754, %mul3A_1761 : vector<24x1024xf32>
    %slice3A_1763 = vector.extract_strided_slice %select_n3A_82 {offsets = [252, 0], sizes = [1, 1024], strides = [1, 1]} : vector<256x1024xf32> to vector<1x1024xf32>
    %broadcast_in_dim3A_1764 = vector.shape_cast %slice3A_1763 : vector<1x1024xf32> to vector<1x1024xf32>
    %broadcast_in_dim3A_1765 = vector.broadcast %broadcast_in_dim3A_1764 : vector<1x1024xf32> to vector<24x1024xf32>
    %get3A_1766 = arith.constant 480 : index
    %get3A_1767 = arith.constant 0 : index
    %get3A_1768 = vector.load %arg2[%get3A_1766, %get3A_1767] : memref<512x1024xf32, #tpu.memory_space<vmem>>, vector<24x1024xf32>
    %mul3A_1769 = arith.mulf %broadcast_in_dim3A_1765, %get3A_1768 : vector<24x1024xf32>
    %add3A_1770 = arith.addf %add3A_1762, %mul3A_1769 : vector<24x1024xf32>
    %broadcast_in_dim3A_1771 = arith.constant 0.000000e+00 : f32
    %broadcast_in_dim3A_1772 = vector.broadcast %broadcast_in_dim3A_1771 : f32 to vector<24x1024xf32>
    %slice3A_1773 = vector.extract_strided_slice %select_n3A_82 {offsets = [13, 0], sizes = [1, 1024], strides = [1, 1]} : vector<256x1024xf32> to vector<1x1024xf32>
    %broadcast_in_dim3A_1774 = vector.shape_cast %slice3A_1773 : vector<1x1024xf32> to vector<1x1024xf32>
    %broadcast_in_dim3A_1775 = vector.broadcast %broadcast_in_dim3A_1774 : vector<1x1024xf32> to vector<24x1024xf32>
    %get3A_1776 = arith.constant 0 : index
    %get3A_1777 = arith.constant 0 : index
    %get3A_1778 = vector.load %arg2[%get3A_1776, %get3A_1777] : memref<512x1024xf32, #tpu.memory_space<vmem>>, vector<24x1024xf32>
    %mul3A_1779 = arith.mulf %broadcast_in_dim3A_1775, %get3A_1778 : vector<24x1024xf32>
    %add3A_1780 = arith.addf %broadcast_in_dim3A_1772, %mul3A_1779 : vector<24x1024xf32>
    %slice3A_1781 = vector.extract_strided_slice %select_n3A_82 {offsets = [29, 0], sizes = [1, 1024], strides = [1, 1]} : vector<256x1024xf32> to vector<1x1024xf32>
    %broadcast_in_dim3A_1782 = vector.shape_cast %slice3A_1781 : vector<1x1024xf32> to vector<1x1024xf32>
    %broadcast_in_dim3A_1783 = vector.broadcast %broadcast_in_dim3A_1782 : vector<1x1024xf32> to vector<24x1024xf32>
    %get3A_1784 = arith.constant 32 : index
    %get3A_1785 = arith.constant 0 : index
    %get3A_1786 = vector.load %arg2[%get3A_1784, %get3A_1785] : memref<512x1024xf32, #tpu.memory_space<vmem>>, vector<24x1024xf32>
    %mul3A_1787 = arith.mulf %broadcast_in_dim3A_1783, %get3A_1786 : vector<24x1024xf32>
    %add3A_1788 = arith.addf %add3A_1780, %mul3A_1787 : vector<24x1024xf32>
    %slice3A_1789 = vector.extract_strided_slice %select_n3A_82 {offsets = [45, 0], sizes = [1, 1024], strides = [1, 1]} : vector<256x1024xf32> to vector<1x1024xf32>
    %broadcast_in_dim3A_1790 = vector.shape_cast %slice3A_1789 : vector<1x1024xf32> to vector<1x1024xf32>
    %broadcast_in_dim3A_1791 = vector.broadcast %broadcast_in_dim3A_1790 : vector<1x1024xf32> to vector<24x1024xf32>
    %get3A_1792 = arith.constant 64 : index
    %get3A_1793 = arith.constant 0 : index
    %get3A_1794 = vector.load %arg2[%get3A_1792, %get3A_1793] : memref<512x1024xf32, #tpu.memory_space<vmem>>, vector<24x1024xf32>
    %mul3A_1795 = arith.mulf %broadcast_in_dim3A_1791, %get3A_1794 : vector<24x1024xf32>
    %add3A_1796 = arith.addf %add3A_1788, %mul3A_1795 : vector<24x1024xf32>
    %slice3A_1797 = vector.extract_strided_slice %select_n3A_82 {offsets = [61, 0], sizes = [1, 1024], strides = [1, 1]} : vector<256x1024xf32> to vector<1x1024xf32>
    %broadcast_in_dim3A_1798 = vector.shape_cast %slice3A_1797 : vector<1x1024xf32> to vector<1x1024xf32>
    %broadcast_in_dim3A_1799 = vector.broadcast %broadcast_in_dim3A_1798 : vector<1x1024xf32> to vector<24x1024xf32>
    %get3A_1800 = arith.constant 96 : index
    %get3A_1801 = arith.constant 0 : index
    %get3A_1802 = vector.load %arg2[%get3A_1800, %get3A_1801] : memref<512x1024xf32, #tpu.memory_space<vmem>>, vector<24x1024xf32>
    %mul3A_1803 = arith.mulf %broadcast_in_dim3A_1799, %get3A_1802 : vector<24x1024xf32>
    %add3A_1804 = arith.addf %add3A_1796, %mul3A_1803 : vector<24x1024xf32>
    %slice3A_1805 = vector.extract_strided_slice %select_n3A_82 {offsets = [77, 0], sizes = [1, 1024], strides = [1, 1]} : vector<256x1024xf32> to vector<1x1024xf32>
    %broadcast_in_dim3A_1806 = vector.shape_cast %slice3A_1805 : vector<1x1024xf32> to vector<1x1024xf32>
    %broadcast_in_dim3A_1807 = vector.broadcast %broadcast_in_dim3A_1806 : vector<1x1024xf32> to vector<24x1024xf32>
    %get3A_1808 = arith.constant 128 : index
    %get3A_1809 = arith.constant 0 : index
    %get3A_1810 = vector.load %arg2[%get3A_1808, %get3A_1809] : memref<512x1024xf32, #tpu.memory_space<vmem>>, vector<24x1024xf32>
    %mul3A_1811 = arith.mulf %broadcast_in_dim3A_1807, %get3A_1810 : vector<24x1024xf32>
    %add3A_1812 = arith.addf %add3A_1804, %mul3A_1811 : vector<24x1024xf32>
    %slice3A_1813 = vector.extract_strided_slice %select_n3A_82 {offsets = [93, 0], sizes = [1, 1024], strides = [1, 1]} : vector<256x1024xf32> to vector<1x1024xf32>
    %broadcast_in_dim3A_1814 = vector.shape_cast %slice3A_1813 : vector<1x1024xf32> to vector<1x1024xf32>
    %broadcast_in_dim3A_1815 = vector.broadcast %broadcast_in_dim3A_1814 : vector<1x1024xf32> to vector<24x1024xf32>
    %get3A_1816 = arith.constant 160 : index
    %get3A_1817 = arith.constant 0 : index
    %get3A_1818 = vector.load %arg2[%get3A_1816, %get3A_1817] : memref<512x1024xf32, #tpu.memory_space<vmem>>, vector<24x1024xf32>
    %mul3A_1819 = arith.mulf %broadcast_in_dim3A_1815, %get3A_1818 : vector<24x1024xf32>
    %add3A_1820 = arith.addf %add3A_1812, %mul3A_1819 : vector<24x1024xf32>
    %slice3A_1821 = vector.extract_strided_slice %select_n3A_82 {offsets = [109, 0], sizes = [1, 1024], strides = [1, 1]} : vector<256x1024xf32> to vector<1x1024xf32>
    %broadcast_in_dim3A_1822 = vector.shape_cast %slice3A_1821 : vector<1x1024xf32> to vector<1x1024xf32>
    %broadcast_in_dim3A_1823 = vector.broadcast %broadcast_in_dim3A_1822 : vector<1x1024xf32> to vector<24x1024xf32>
    %get3A_1824 = arith.constant 192 : index
    %get3A_1825 = arith.constant 0 : index
    %get3A_1826 = vector.load %arg2[%get3A_1824, %get3A_1825] : memref<512x1024xf32, #tpu.memory_space<vmem>>, vector<24x1024xf32>
    %mul3A_1827 = arith.mulf %broadcast_in_dim3A_1823, %get3A_1826 : vector<24x1024xf32>
    %add3A_1828 = arith.addf %add3A_1820, %mul3A_1827 : vector<24x1024xf32>
    %slice3A_1829 = vector.extract_strided_slice %select_n3A_82 {offsets = [125, 0], sizes = [1, 1024], strides = [1, 1]} : vector<256x1024xf32> to vector<1x1024xf32>
    %broadcast_in_dim3A_1830 = vector.shape_cast %slice3A_1829 : vector<1x1024xf32> to vector<1x1024xf32>
    %broadcast_in_dim3A_1831 = vector.broadcast %broadcast_in_dim3A_1830 : vector<1x1024xf32> to vector<24x1024xf32>
    %get3A_1832 = arith.constant 224 : index
    %get3A_1833 = arith.constant 0 : index
    %get3A_1834 = vector.load %arg2[%get3A_1832, %get3A_1833] : memref<512x1024xf32, #tpu.memory_space<vmem>>, vector<24x1024xf32>
    %mul3A_1835 = arith.mulf %broadcast_in_dim3A_1831, %get3A_1834 : vector<24x1024xf32>
    %add3A_1836 = arith.addf %add3A_1828, %mul3A_1835 : vector<24x1024xf32>
    %slice3A_1837 = vector.extract_strided_slice %select_n3A_82 {offsets = [141, 0], sizes = [1, 1024], strides = [1, 1]} : vector<256x1024xf32> to vector<1x1024xf32>
    %broadcast_in_dim3A_1838 = vector.shape_cast %slice3A_1837 : vector<1x1024xf32> to vector<1x1024xf32>
    %broadcast_in_dim3A_1839 = vector.broadcast %broadcast_in_dim3A_1838 : vector<1x1024xf32> to vector<24x1024xf32>
    %get3A_1840 = arith.constant 256 : index
    %get3A_1841 = arith.constant 0 : index
    %get3A_1842 = vector.load %arg2[%get3A_1840, %get3A_1841] : memref<512x1024xf32, #tpu.memory_space<vmem>>, vector<24x1024xf32>
    %mul3A_1843 = arith.mulf %broadcast_in_dim3A_1839, %get3A_1842 : vector<24x1024xf32>
    %add3A_1844 = arith.addf %add3A_1836, %mul3A_1843 : vector<24x1024xf32>
    %slice3A_1845 = vector.extract_strided_slice %select_n3A_82 {offsets = [157, 0], sizes = [1, 1024], strides = [1, 1]} : vector<256x1024xf32> to vector<1x1024xf32>
    %broadcast_in_dim3A_1846 = vector.shape_cast %slice3A_1845 : vector<1x1024xf32> to vector<1x1024xf32>
    %broadcast_in_dim3A_1847 = vector.broadcast %broadcast_in_dim3A_1846 : vector<1x1024xf32> to vector<24x1024xf32>
    %get3A_1848 = arith.constant 288 : index
    %get3A_1849 = arith.constant 0 : index
    %get3A_1850 = vector.load %arg2[%get3A_1848, %get3A_1849] : memref<512x1024xf32, #tpu.memory_space<vmem>>, vector<24x1024xf32>
    %mul3A_1851 = arith.mulf %broadcast_in_dim3A_1847, %get3A_1850 : vector<24x1024xf32>
    %add3A_1852 = arith.addf %add3A_1844, %mul3A_1851 : vector<24x1024xf32>
    %slice3A_1853 = vector.extract_strided_slice %select_n3A_82 {offsets = [173, 0], sizes = [1, 1024], strides = [1, 1]} : vector<256x1024xf32> to vector<1x1024xf32>
    %broadcast_in_dim3A_1854 = vector.shape_cast %slice3A_1853 : vector<1x1024xf32> to vector<1x1024xf32>
    %broadcast_in_dim3A_1855 = vector.broadcast %broadcast_in_dim3A_1854 : vector<1x1024xf32> to vector<24x1024xf32>
    %get3A_1856 = arith.constant 320 : index
    %get3A_1857 = arith.constant 0 : index
    %get3A_1858 = vector.load %arg2[%get3A_1856, %get3A_1857] : memref<512x1024xf32, #tpu.memory_space<vmem>>, vector<24x1024xf32>
    %mul3A_1859 = arith.mulf %broadcast_in_dim3A_1855, %get3A_1858 : vector<24x1024xf32>
    %add3A_1860 = arith.addf %add3A_1852, %mul3A_1859 : vector<24x1024xf32>
    %slice3A_1861 = vector.extract_strided_slice %select_n3A_82 {offsets = [189, 0], sizes = [1, 1024], strides = [1, 1]} : vector<256x1024xf32> to vector<1x1024xf32>
    %broadcast_in_dim3A_1862 = vector.shape_cast %slice3A_1861 : vector<1x1024xf32> to vector<1x1024xf32>
    %broadcast_in_dim3A_1863 = vector.broadcast %broadcast_in_dim3A_1862 : vector<1x1024xf32> to vector<24x1024xf32>
    %get3A_1864 = arith.constant 352 : index
    %get3A_1865 = arith.constant 0 : index
    %get3A_1866 = vector.load %arg2[%get3A_1864, %get3A_1865] : memref<512x1024xf32, #tpu.memory_space<vmem>>, vector<24x1024xf32>
    %mul3A_1867 = arith.mulf %broadcast_in_dim3A_1863, %get3A_1866 : vector<24x1024xf32>
    %add3A_1868 = arith.addf %add3A_1860, %mul3A_1867 : vector<24x1024xf32>
    %slice3A_1869 = vector.extract_strided_slice %select_n3A_82 {offsets = [205, 0], sizes = [1, 1024], strides = [1, 1]} : vector<256x1024xf32> to vector<1x1024xf32>
    %broadcast_in_dim3A_1870 = vector.shape_cast %slice3A_1869 : vector<1x1024xf32> to vector<1x1024xf32>
    %broadcast_in_dim3A_1871 = vector.broadcast %broadcast_in_dim3A_1870 : vector<1x1024xf32> to vector<24x1024xf32>
    %get3A_1872 = arith.constant 384 : index
    %get3A_1873 = arith.constant 0 : index
    %get3A_1874 = vector.load %arg2[%get3A_1872, %get3A_1873] : memref<512x1024xf32, #tpu.memory_space<vmem>>, vector<24x1024xf32>
    %mul3A_1875 = arith.mulf %broadcast_in_dim3A_1871, %get3A_1874 : vector<24x1024xf32>
    %add3A_1876 = arith.addf %add3A_1868, %mul3A_1875 : vector<24x1024xf32>
    %slice3A_1877 = vector.extract_strided_slice %select_n3A_82 {offsets = [221, 0], sizes = [1, 1024], strides = [1, 1]} : vector<256x1024xf32> to vector<1x1024xf32>
    %broadcast_in_dim3A_1878 = vector.shape_cast %slice3A_1877 : vector<1x1024xf32> to vector<1x1024xf32>
    %broadcast_in_dim3A_1879 = vector.broadcast %broadcast_in_dim3A_1878 : vector<1x1024xf32> to vector<24x1024xf32>
    %get3A_1880 = arith.constant 416 : index
    %get3A_1881 = arith.constant 0 : index
    %get3A_1882 = vector.load %arg2[%get3A_1880, %get3A_1881] : memref<512x1024xf32, #tpu.memory_space<vmem>>, vector<24x1024xf32>
    %mul3A_1883 = arith.mulf %broadcast_in_dim3A_1879, %get3A_1882 : vector<24x1024xf32>
    %add3A_1884 = arith.addf %add3A_1876, %mul3A_1883 : vector<24x1024xf32>
    %slice3A_1885 = vector.extract_strided_slice %select_n3A_82 {offsets = [237, 0], sizes = [1, 1024], strides = [1, 1]} : vector<256x1024xf32> to vector<1x1024xf32>
    %broadcast_in_dim3A_1886 = vector.shape_cast %slice3A_1885 : vector<1x1024xf32> to vector<1x1024xf32>
    %broadcast_in_dim3A_1887 = vector.broadcast %broadcast_in_dim3A_1886 : vector<1x1024xf32> to vector<24x1024xf32>
    %get3A_1888 = arith.constant 448 : index
    %get3A_1889 = arith.constant 0 : index
    %get3A_1890 = vector.load %arg2[%get3A_1888, %get3A_1889] : memref<512x1024xf32, #tpu.memory_space<vmem>>, vector<24x1024xf32>
    %mul3A_1891 = arith.mulf %broadcast_in_dim3A_1887, %get3A_1890 : vector<24x1024xf32>
    %add3A_1892 = arith.addf %add3A_1884, %mul3A_1891 : vector<24x1024xf32>
    %slice3A_1893 = vector.extract_strided_slice %select_n3A_82 {offsets = [253, 0], sizes = [1, 1024], strides = [1, 1]} : vector<256x1024xf32> to vector<1x1024xf32>
    %broadcast_in_dim3A_1894 = vector.shape_cast %slice3A_1893 : vector<1x1024xf32> to vector<1x1024xf32>
    %broadcast_in_dim3A_1895 = vector.broadcast %broadcast_in_dim3A_1894 : vector<1x1024xf32> to vector<24x1024xf32>
    %get3A_1896 = arith.constant 480 : index
    %get3A_1897 = arith.constant 0 : index
    %get3A_1898 = vector.load %arg2[%get3A_1896, %get3A_1897] : memref<512x1024xf32, #tpu.memory_space<vmem>>, vector<24x1024xf32>
    %mul3A_1899 = arith.mulf %broadcast_in_dim3A_1895, %get3A_1898 : vector<24x1024xf32>
    %add3A_1900 = arith.addf %add3A_1892, %mul3A_1899 : vector<24x1024xf32>
    %broadcast_in_dim3A_1901 = arith.constant 0.000000e+00 : f32
    %broadcast_in_dim3A_1902 = vector.broadcast %broadcast_in_dim3A_1901 : f32 to vector<24x1024xf32>
    %slice3A_1903 = vector.extract_strided_slice %select_n3A_82 {offsets = [14, 0], sizes = [1, 1024], strides = [1, 1]} : vector<256x1024xf32> to vector<1x1024xf32>
    %broadcast_in_dim3A_1904 = vector.shape_cast %slice3A_1903 : vector<1x1024xf32> to vector<1x1024xf32>
    %broadcast_in_dim3A_1905 = vector.broadcast %broadcast_in_dim3A_1904 : vector<1x1024xf32> to vector<24x1024xf32>
    %get3A_1906 = arith.constant 0 : index
    %get3A_1907 = arith.constant 0 : index
    %get3A_1908 = vector.load %arg2[%get3A_1906, %get3A_1907] : memref<512x1024xf32, #tpu.memory_space<vmem>>, vector<24x1024xf32>
    %mul3A_1909 = arith.mulf %broadcast_in_dim3A_1905, %get3A_1908 : vector<24x1024xf32>
    %add3A_1910 = arith.addf %broadcast_in_dim3A_1902, %mul3A_1909 : vector<24x1024xf32>
    %slice3A_1911 = vector.extract_strided_slice %select_n3A_82 {offsets = [30, 0], sizes = [1, 1024], strides = [1, 1]} : vector<256x1024xf32> to vector<1x1024xf32>
    %broadcast_in_dim3A_1912 = vector.shape_cast %slice3A_1911 : vector<1x1024xf32> to vector<1x1024xf32>
    %broadcast_in_dim3A_1913 = vector.broadcast %broadcast_in_dim3A_1912 : vector<1x1024xf32> to vector<24x1024xf32>
    %get3A_1914 = arith.constant 32 : index
    %get3A_1915 = arith.constant 0 : index
    %get3A_1916 = vector.load %arg2[%get3A_1914, %get3A_1915] : memref<512x1024xf32, #tpu.memory_space<vmem>>, vector<24x1024xf32>
    %mul3A_1917 = arith.mulf %broadcast_in_dim3A_1913, %get3A_1916 : vector<24x1024xf32>
    %add3A_1918 = arith.addf %add3A_1910, %mul3A_1917 : vector<24x1024xf32>
    %slice3A_1919 = vector.extract_strided_slice %select_n3A_82 {offsets = [46, 0], sizes = [1, 1024], strides = [1, 1]} : vector<256x1024xf32> to vector<1x1024xf32>
    %broadcast_in_dim3A_1920 = vector.shape_cast %slice3A_1919 : vector<1x1024xf32> to vector<1x1024xf32>
    %broadcast_in_dim3A_1921 = vector.broadcast %broadcast_in_dim3A_1920 : vector<1x1024xf32> to vector<24x1024xf32>
    %get3A_1922 = arith.constant 64 : index
    %get3A_1923 = arith.constant 0 : index
    %get3A_1924 = vector.load %arg2[%get3A_1922, %get3A_1923] : memref<512x1024xf32, #tpu.memory_space<vmem>>, vector<24x1024xf32>
    %mul3A_1925 = arith.mulf %broadcast_in_dim3A_1921, %get3A_1924 : vector<24x1024xf32>
    %add3A_1926 = arith.addf %add3A_1918, %mul3A_1925 : vector<24x1024xf32>
    %slice3A_1927 = vector.extract_strided_slice %select_n3A_82 {offsets = [62, 0], sizes = [1, 1024], strides = [1, 1]} : vector<256x1024xf32> to vector<1x1024xf32>
    %broadcast_in_dim3A_1928 = vector.shape_cast %slice3A_1927 : vector<1x1024xf32> to vector<1x1024xf32>
    %broadcast_in_dim3A_1929 = vector.broadcast %broadcast_in_dim3A_1928 : vector<1x1024xf32> to vector<24x1024xf32>
    %get3A_1930 = arith.constant 96 : index
    %get3A_1931 = arith.constant 0 : index
    %get3A_1932 = vector.load %arg2[%get3A_1930, %get3A_1931] : memref<512x1024xf32, #tpu.memory_space<vmem>>, vector<24x1024xf32>
    %mul3A_1933 = arith.mulf %broadcast_in_dim3A_1929, %get3A_1932 : vector<24x1024xf32>
    %add3A_1934 = arith.addf %add3A_1926, %mul3A_1933 : vector<24x1024xf32>
    %slice3A_1935 = vector.extract_strided_slice %select_n3A_82 {offsets = [78, 0], sizes = [1, 1024], strides = [1, 1]} : vector<256x1024xf32> to vector<1x1024xf32>
    %broadcast_in_dim3A_1936 = vector.shape_cast %slice3A_1935 : vector<1x1024xf32> to vector<1x1024xf32>
    %broadcast_in_dim3A_1937 = vector.broadcast %broadcast_in_dim3A_1936 : vector<1x1024xf32> to vector<24x1024xf32>
    %get3A_1938 = arith.constant 128 : index
    %get3A_1939 = arith.constant 0 : index
    %get3A_1940 = vector.load %arg2[%get3A_1938, %get3A_1939] : memref<512x1024xf32, #tpu.memory_space<vmem>>, vector<24x1024xf32>
    %mul3A_1941 = arith.mulf %broadcast_in_dim3A_1937, %get3A_1940 : vector<24x1024xf32>
    %add3A_1942 = arith.addf %add3A_1934, %mul3A_1941 : vector<24x1024xf32>
    %slice3A_1943 = vector.extract_strided_slice %select_n3A_82 {offsets = [94, 0], sizes = [1, 1024], strides = [1, 1]} : vector<256x1024xf32> to vector<1x1024xf32>
    %broadcast_in_dim3A_1944 = vector.shape_cast %slice3A_1943 : vector<1x1024xf32> to vector<1x1024xf32>
    %broadcast_in_dim3A_1945 = vector.broadcast %broadcast_in_dim3A_1944 : vector<1x1024xf32> to vector<24x1024xf32>
    %get3A_1946 = arith.constant 160 : index
    %get3A_1947 = arith.constant 0 : index
    %get3A_1948 = vector.load %arg2[%get3A_1946, %get3A_1947] : memref<512x1024xf32, #tpu.memory_space<vmem>>, vector<24x1024xf32>
    %mul3A_1949 = arith.mulf %broadcast_in_dim3A_1945, %get3A_1948 : vector<24x1024xf32>
    %add3A_1950 = arith.addf %add3A_1942, %mul3A_1949 : vector<24x1024xf32>
    %slice3A_1951 = vector.extract_strided_slice %select_n3A_82 {offsets = [110, 0], sizes = [1, 1024], strides = [1, 1]} : vector<256x1024xf32> to vector<1x1024xf32>
    %broadcast_in_dim3A_1952 = vector.shape_cast %slice3A_1951 : vector<1x1024xf32> to vector<1x1024xf32>
    %broadcast_in_dim3A_1953 = vector.broadcast %broadcast_in_dim3A_1952 : vector<1x1024xf32> to vector<24x1024xf32>
    %get3A_1954 = arith.constant 192 : index
    %get3A_1955 = arith.constant 0 : index
    %get3A_1956 = vector.load %arg2[%get3A_1954, %get3A_1955] : memref<512x1024xf32, #tpu.memory_space<vmem>>, vector<24x1024xf32>
    %mul3A_1957 = arith.mulf %broadcast_in_dim3A_1953, %get3A_1956 : vector<24x1024xf32>
    %add3A_1958 = arith.addf %add3A_1950, %mul3A_1957 : vector<24x1024xf32>
    %slice3A_1959 = vector.extract_strided_slice %select_n3A_82 {offsets = [126, 0], sizes = [1, 1024], strides = [1, 1]} : vector<256x1024xf32> to vector<1x1024xf32>
    %broadcast_in_dim3A_1960 = vector.shape_cast %slice3A_1959 : vector<1x1024xf32> to vector<1x1024xf32>
    %broadcast_in_dim3A_1961 = vector.broadcast %broadcast_in_dim3A_1960 : vector<1x1024xf32> to vector<24x1024xf32>
    %get3A_1962 = arith.constant 224 : index
    %get3A_1963 = arith.constant 0 : index
    %get3A_1964 = vector.load %arg2[%get3A_1962, %get3A_1963] : memref<512x1024xf32, #tpu.memory_space<vmem>>, vector<24x1024xf32>
    %mul3A_1965 = arith.mulf %broadcast_in_dim3A_1961, %get3A_1964 : vector<24x1024xf32>
    %add3A_1966 = arith.addf %add3A_1958, %mul3A_1965 : vector<24x1024xf32>
    %slice3A_1967 = vector.extract_strided_slice %select_n3A_82 {offsets = [142, 0], sizes = [1, 1024], strides = [1, 1]} : vector<256x1024xf32> to vector<1x1024xf32>
    %broadcast_in_dim3A_1968 = vector.shape_cast %slice3A_1967 : vector<1x1024xf32> to vector<1x1024xf32>
    %broadcast_in_dim3A_1969 = vector.broadcast %broadcast_in_dim3A_1968 : vector<1x1024xf32> to vector<24x1024xf32>
    %get3A_1970 = arith.constant 256 : index
    %get3A_1971 = arith.constant 0 : index
    %get3A_1972 = vector.load %arg2[%get3A_1970, %get3A_1971] : memref<512x1024xf32, #tpu.memory_space<vmem>>, vector<24x1024xf32>
    %mul3A_1973 = arith.mulf %broadcast_in_dim3A_1969, %get3A_1972 : vector<24x1024xf32>
    %add3A_1974 = arith.addf %add3A_1966, %mul3A_1973 : vector<24x1024xf32>
    %slice3A_1975 = vector.extract_strided_slice %select_n3A_82 {offsets = [158, 0], sizes = [1, 1024], strides = [1, 1]} : vector<256x1024xf32> to vector<1x1024xf32>
    %broadcast_in_dim3A_1976 = vector.shape_cast %slice3A_1975 : vector<1x1024xf32> to vector<1x1024xf32>
    %broadcast_in_dim3A_1977 = vector.broadcast %broadcast_in_dim3A_1976 : vector<1x1024xf32> to vector<24x1024xf32>
    %get3A_1978 = arith.constant 288 : index
    %get3A_1979 = arith.constant 0 : index
    %get3A_1980 = vector.load %arg2[%get3A_1978, %get3A_1979] : memref<512x1024xf32, #tpu.memory_space<vmem>>, vector<24x1024xf32>
    %mul3A_1981 = arith.mulf %broadcast_in_dim3A_1977, %get3A_1980 : vector<24x1024xf32>
    %add3A_1982 = arith.addf %add3A_1974, %mul3A_1981 : vector<24x1024xf32>
    %slice3A_1983 = vector.extract_strided_slice %select_n3A_82 {offsets = [174, 0], sizes = [1, 1024], strides = [1, 1]} : vector<256x1024xf32> to vector<1x1024xf32>
    %broadcast_in_dim3A_1984 = vector.shape_cast %slice3A_1983 : vector<1x1024xf32> to vector<1x1024xf32>
    %broadcast_in_dim3A_1985 = vector.broadcast %broadcast_in_dim3A_1984 : vector<1x1024xf32> to vector<24x1024xf32>
    %get3A_1986 = arith.constant 320 : index
    %get3A_1987 = arith.constant 0 : index
    %get3A_1988 = vector.load %arg2[%get3A_1986, %get3A_1987] : memref<512x1024xf32, #tpu.memory_space<vmem>>, vector<24x1024xf32>
    %mul3A_1989 = arith.mulf %broadcast_in_dim3A_1985, %get3A_1988 : vector<24x1024xf32>
    %add3A_1990 = arith.addf %add3A_1982, %mul3A_1989 : vector<24x1024xf32>
    %slice3A_1991 = vector.extract_strided_slice %select_n3A_82 {offsets = [190, 0], sizes = [1, 1024], strides = [1, 1]} : vector<256x1024xf32> to vector<1x1024xf32>
    %broadcast_in_dim3A_1992 = vector.shape_cast %slice3A_1991 : vector<1x1024xf32> to vector<1x1024xf32>
    %broadcast_in_dim3A_1993 = vector.broadcast %broadcast_in_dim3A_1992 : vector<1x1024xf32> to vector<24x1024xf32>
    %get3A_1994 = arith.constant 352 : index
    %get3A_1995 = arith.constant 0 : index
    %get3A_1996 = vector.load %arg2[%get3A_1994, %get3A_1995] : memref<512x1024xf32, #tpu.memory_space<vmem>>, vector<24x1024xf32>
    %mul3A_1997 = arith.mulf %broadcast_in_dim3A_1993, %get3A_1996 : vector<24x1024xf32>
    %add3A_1998 = arith.addf %add3A_1990, %mul3A_1997 : vector<24x1024xf32>
    %slice3A_1999 = vector.extract_strided_slice %select_n3A_82 {offsets = [206, 0], sizes = [1, 1024], strides = [1, 1]} : vector<256x1024xf32> to vector<1x1024xf32>
    %broadcast_in_dim3A_2000 = vector.shape_cast %slice3A_1999 : vector<1x1024xf32> to vector<1x1024xf32>
    %broadcast_in_dim3A_2001 = vector.broadcast %broadcast_in_dim3A_2000 : vector<1x1024xf32> to vector<24x1024xf32>
    %get3A_2002 = arith.constant 384 : index
    %get3A_2003 = arith.constant 0 : index
    %get3A_2004 = vector.load %arg2[%get3A_2002, %get3A_2003] : memref<512x1024xf32, #tpu.memory_space<vmem>>, vector<24x1024xf32>
    %mul3A_2005 = arith.mulf %broadcast_in_dim3A_2001, %get3A_2004 : vector<24x1024xf32>
    %add3A_2006 = arith.addf %add3A_1998, %mul3A_2005 : vector<24x1024xf32>
    %slice3A_2007 = vector.extract_strided_slice %select_n3A_82 {offsets = [222, 0], sizes = [1, 1024], strides = [1, 1]} : vector<256x1024xf32> to vector<1x1024xf32>
    %broadcast_in_dim3A_2008 = vector.shape_cast %slice3A_2007 : vector<1x1024xf32> to vector<1x1024xf32>
    %broadcast_in_dim3A_2009 = vector.broadcast %broadcast_in_dim3A_2008 : vector<1x1024xf32> to vector<24x1024xf32>
    %get3A_2010 = arith.constant 416 : index
    %get3A_2011 = arith.constant 0 : index
    %get3A_2012 = vector.load %arg2[%get3A_2010, %get3A_2011] : memref<512x1024xf32, #tpu.memory_space<vmem>>, vector<24x1024xf32>
    %mul3A_2013 = arith.mulf %broadcast_in_dim3A_2009, %get3A_2012 : vector<24x1024xf32>
    %add3A_2014 = arith.addf %add3A_2006, %mul3A_2013 : vector<24x1024xf32>
    %slice3A_2015 = vector.extract_strided_slice %select_n3A_82 {offsets = [238, 0], sizes = [1, 1024], strides = [1, 1]} : vector<256x1024xf32> to vector<1x1024xf32>
    %broadcast_in_dim3A_2016 = vector.shape_cast %slice3A_2015 : vector<1x1024xf32> to vector<1x1024xf32>
    %broadcast_in_dim3A_2017 = vector.broadcast %broadcast_in_dim3A_2016 : vector<1x1024xf32> to vector<24x1024xf32>
    %get3A_2018 = arith.constant 448 : index
    %get3A_2019 = arith.constant 0 : index
    %get3A_2020 = vector.load %arg2[%get3A_2018, %get3A_2019] : memref<512x1024xf32, #tpu.memory_space<vmem>>, vector<24x1024xf32>
    %mul3A_2021 = arith.mulf %broadcast_in_dim3A_2017, %get3A_2020 : vector<24x1024xf32>
    %add3A_2022 = arith.addf %add3A_2014, %mul3A_2021 : vector<24x1024xf32>
    %slice3A_2023 = vector.extract_strided_slice %select_n3A_82 {offsets = [254, 0], sizes = [1, 1024], strides = [1, 1]} : vector<256x1024xf32> to vector<1x1024xf32>
    %broadcast_in_dim3A_2024 = vector.shape_cast %slice3A_2023 : vector<1x1024xf32> to vector<1x1024xf32>
    %broadcast_in_dim3A_2025 = vector.broadcast %broadcast_in_dim3A_2024 : vector<1x1024xf32> to vector<24x1024xf32>
    %get3A_2026 = arith.constant 480 : index
    %get3A_2027 = arith.constant 0 : index
    %get3A_2028 = vector.load %arg2[%get3A_2026, %get3A_2027] : memref<512x1024xf32, #tpu.memory_space<vmem>>, vector<24x1024xf32>
    %mul3A_2029 = arith.mulf %broadcast_in_dim3A_2025, %get3A_2028 : vector<24x1024xf32>
    %add3A_2030 = arith.addf %add3A_2022, %mul3A_2029 : vector<24x1024xf32>
    %broadcast_in_dim3A_2031 = arith.constant 0.000000e+00 : f32
    %broadcast_in_dim3A_2032 = vector.broadcast %broadcast_in_dim3A_2031 : f32 to vector<24x1024xf32>
    %slice3A_2033 = vector.extract_strided_slice %select_n3A_82 {offsets = [15, 0], sizes = [1, 1024], strides = [1, 1]} : vector<256x1024xf32> to vector<1x1024xf32>
    %broadcast_in_dim3A_2034 = vector.shape_cast %slice3A_2033 : vector<1x1024xf32> to vector<1x1024xf32>
    %broadcast_in_dim3A_2035 = vector.broadcast %broadcast_in_dim3A_2034 : vector<1x1024xf32> to vector<24x1024xf32>
    %get3A_2036 = arith.constant 0 : index
    %get3A_2037 = arith.constant 0 : index
    %get3A_2038 = vector.load %arg2[%get3A_2036, %get3A_2037] : memref<512x1024xf32, #tpu.memory_space<vmem>>, vector<24x1024xf32>
    %mul3A_2039 = arith.mulf %broadcast_in_dim3A_2035, %get3A_2038 : vector<24x1024xf32>
    %add3A_2040 = arith.addf %broadcast_in_dim3A_2032, %mul3A_2039 : vector<24x1024xf32>
    %slice3A_2041 = vector.extract_strided_slice %select_n3A_82 {offsets = [31, 0], sizes = [1, 1024], strides = [1, 1]} : vector<256x1024xf32> to vector<1x1024xf32>
    %broadcast_in_dim3A_2042 = vector.shape_cast %slice3A_2041 : vector<1x1024xf32> to vector<1x1024xf32>
    %broadcast_in_dim3A_2043 = vector.broadcast %broadcast_in_dim3A_2042 : vector<1x1024xf32> to vector<24x1024xf32>
    %get3A_2044 = arith.constant 32 : index
    %get3A_2045 = arith.constant 0 : index
    %get3A_2046 = vector.load %arg2[%get3A_2044, %get3A_2045] : memref<512x1024xf32, #tpu.memory_space<vmem>>, vector<24x1024xf32>
    %mul3A_2047 = arith.mulf %broadcast_in_dim3A_2043, %get3A_2046 : vector<24x1024xf32>
    %add3A_2048 = arith.addf %add3A_2040, %mul3A_2047 : vector<24x1024xf32>
    %slice3A_2049 = vector.extract_strided_slice %select_n3A_82 {offsets = [47, 0], sizes = [1, 1024], strides = [1, 1]} : vector<256x1024xf32> to vector<1x1024xf32>
    %broadcast_in_dim3A_2050 = vector.shape_cast %slice3A_2049 : vector<1x1024xf32> to vector<1x1024xf32>
    %broadcast_in_dim3A_2051 = vector.broadcast %broadcast_in_dim3A_2050 : vector<1x1024xf32> to vector<24x1024xf32>
    %get3A_2052 = arith.constant 64 : index
    %get3A_2053 = arith.constant 0 : index
    %get3A_2054 = vector.load %arg2[%get3A_2052, %get3A_2053] : memref<512x1024xf32, #tpu.memory_space<vmem>>, vector<24x1024xf32>
    %mul3A_2055 = arith.mulf %broadcast_in_dim3A_2051, %get3A_2054 : vector<24x1024xf32>
    %add3A_2056 = arith.addf %add3A_2048, %mul3A_2055 : vector<24x1024xf32>
    %slice3A_2057 = vector.extract_strided_slice %select_n3A_82 {offsets = [63, 0], sizes = [1, 1024], strides = [1, 1]} : vector<256x1024xf32> to vector<1x1024xf32>
    %broadcast_in_dim3A_2058 = vector.shape_cast %slice3A_2057 : vector<1x1024xf32> to vector<1x1024xf32>
    %broadcast_in_dim3A_2059 = vector.broadcast %broadcast_in_dim3A_2058 : vector<1x1024xf32> to vector<24x1024xf32>
    %get3A_2060 = arith.constant 96 : index
    %get3A_2061 = arith.constant 0 : index
    %get3A_2062 = vector.load %arg2[%get3A_2060, %get3A_2061] : memref<512x1024xf32, #tpu.memory_space<vmem>>, vector<24x1024xf32>
    %mul3A_2063 = arith.mulf %broadcast_in_dim3A_2059, %get3A_2062 : vector<24x1024xf32>
    %add3A_2064 = arith.addf %add3A_2056, %mul3A_2063 : vector<24x1024xf32>
    %slice3A_2065 = vector.extract_strided_slice %select_n3A_82 {offsets = [79, 0], sizes = [1, 1024], strides = [1, 1]} : vector<256x1024xf32> to vector<1x1024xf32>
    %broadcast_in_dim3A_2066 = vector.shape_cast %slice3A_2065 : vector<1x1024xf32> to vector<1x1024xf32>
    %broadcast_in_dim3A_2067 = vector.broadcast %broadcast_in_dim3A_2066 : vector<1x1024xf32> to vector<24x1024xf32>
    %get3A_2068 = arith.constant 128 : index
    %get3A_2069 = arith.constant 0 : index
    %get3A_2070 = vector.load %arg2[%get3A_2068, %get3A_2069] : memref<512x1024xf32, #tpu.memory_space<vmem>>, vector<24x1024xf32>
    %mul3A_2071 = arith.mulf %broadcast_in_dim3A_2067, %get3A_2070 : vector<24x1024xf32>
    %add3A_2072 = arith.addf %add3A_2064, %mul3A_2071 : vector<24x1024xf32>
    %slice3A_2073 = vector.extract_strided_slice %select_n3A_82 {offsets = [95, 0], sizes = [1, 1024], strides = [1, 1]} : vector<256x1024xf32> to vector<1x1024xf32>
    %broadcast_in_dim3A_2074 = vector.shape_cast %slice3A_2073 : vector<1x1024xf32> to vector<1x1024xf32>
    %broadcast_in_dim3A_2075 = vector.broadcast %broadcast_in_dim3A_2074 : vector<1x1024xf32> to vector<24x1024xf32>
    %get3A_2076 = arith.constant 160 : index
    %get3A_2077 = arith.constant 0 : index
    %get3A_2078 = vector.load %arg2[%get3A_2076, %get3A_2077] : memref<512x1024xf32, #tpu.memory_space<vmem>>, vector<24x1024xf32>
    %mul3A_2079 = arith.mulf %broadcast_in_dim3A_2075, %get3A_2078 : vector<24x1024xf32>
    %add3A_2080 = arith.addf %add3A_2072, %mul3A_2079 : vector<24x1024xf32>
    %slice3A_2081 = vector.extract_strided_slice %select_n3A_82 {offsets = [111, 0], sizes = [1, 1024], strides = [1, 1]} : vector<256x1024xf32> to vector<1x1024xf32>
    %broadcast_in_dim3A_2082 = vector.shape_cast %slice3A_2081 : vector<1x1024xf32> to vector<1x1024xf32>
    %broadcast_in_dim3A_2083 = vector.broadcast %broadcast_in_dim3A_2082 : vector<1x1024xf32> to vector<24x1024xf32>
    %get3A_2084 = arith.constant 192 : index
    %get3A_2085 = arith.constant 0 : index
    %get3A_2086 = vector.load %arg2[%get3A_2084, %get3A_2085] : memref<512x1024xf32, #tpu.memory_space<vmem>>, vector<24x1024xf32>
    %mul3A_2087 = arith.mulf %broadcast_in_dim3A_2083, %get3A_2086 : vector<24x1024xf32>
    %add3A_2088 = arith.addf %add3A_2080, %mul3A_2087 : vector<24x1024xf32>
    %slice3A_2089 = vector.extract_strided_slice %select_n3A_82 {offsets = [127, 0], sizes = [1, 1024], strides = [1, 1]} : vector<256x1024xf32> to vector<1x1024xf32>
    %broadcast_in_dim3A_2090 = vector.shape_cast %slice3A_2089 : vector<1x1024xf32> to vector<1x1024xf32>
    %broadcast_in_dim3A_2091 = vector.broadcast %broadcast_in_dim3A_2090 : vector<1x1024xf32> to vector<24x1024xf32>
    %get3A_2092 = arith.constant 224 : index
    %get3A_2093 = arith.constant 0 : index
    %get3A_2094 = vector.load %arg2[%get3A_2092, %get3A_2093] : memref<512x1024xf32, #tpu.memory_space<vmem>>, vector<24x1024xf32>
    %mul3A_2095 = arith.mulf %broadcast_in_dim3A_2091, %get3A_2094 : vector<24x1024xf32>
    %add3A_2096 = arith.addf %add3A_2088, %mul3A_2095 : vector<24x1024xf32>
    %slice3A_2097 = vector.extract_strided_slice %select_n3A_82 {offsets = [143, 0], sizes = [1, 1024], strides = [1, 1]} : vector<256x1024xf32> to vector<1x1024xf32>
    %broadcast_in_dim3A_2098 = vector.shape_cast %slice3A_2097 : vector<1x1024xf32> to vector<1x1024xf32>
    %broadcast_in_dim3A_2099 = vector.broadcast %broadcast_in_dim3A_2098 : vector<1x1024xf32> to vector<24x1024xf32>
    %get3A_2100 = arith.constant 256 : index
    %get3A_2101 = arith.constant 0 : index
    %get3A_2102 = vector.load %arg2[%get3A_2100, %get3A_2101] : memref<512x1024xf32, #tpu.memory_space<vmem>>, vector<24x1024xf32>
    %mul3A_2103 = arith.mulf %broadcast_in_dim3A_2099, %get3A_2102 : vector<24x1024xf32>
    %add3A_2104 = arith.addf %add3A_2096, %mul3A_2103 : vector<24x1024xf32>
    %slice3A_2105 = vector.extract_strided_slice %select_n3A_82 {offsets = [159, 0], sizes = [1, 1024], strides = [1, 1]} : vector<256x1024xf32> to vector<1x1024xf32>
    %broadcast_in_dim3A_2106 = vector.shape_cast %slice3A_2105 : vector<1x1024xf32> to vector<1x1024xf32>
    %broadcast_in_dim3A_2107 = vector.broadcast %broadcast_in_dim3A_2106 : vector<1x1024xf32> to vector<24x1024xf32>
    %get3A_2108 = arith.constant 288 : index
    %get3A_2109 = arith.constant 0 : index
    %get3A_2110 = vector.load %arg2[%get3A_2108, %get3A_2109] : memref<512x1024xf32, #tpu.memory_space<vmem>>, vector<24x1024xf32>
    %mul3A_2111 = arith.mulf %broadcast_in_dim3A_2107, %get3A_2110 : vector<24x1024xf32>
    %add3A_2112 = arith.addf %add3A_2104, %mul3A_2111 : vector<24x1024xf32>
    %slice3A_2113 = vector.extract_strided_slice %select_n3A_82 {offsets = [175, 0], sizes = [1, 1024], strides = [1, 1]} : vector<256x1024xf32> to vector<1x1024xf32>
    %broadcast_in_dim3A_2114 = vector.shape_cast %slice3A_2113 : vector<1x1024xf32> to vector<1x1024xf32>
    %broadcast_in_dim3A_2115 = vector.broadcast %broadcast_in_dim3A_2114 : vector<1x1024xf32> to vector<24x1024xf32>
    %get3A_2116 = arith.constant 320 : index
    %get3A_2117 = arith.constant 0 : index
    %get3A_2118 = vector.load %arg2[%get3A_2116, %get3A_2117] : memref<512x1024xf32, #tpu.memory_space<vmem>>, vector<24x1024xf32>
    %mul3A_2119 = arith.mulf %broadcast_in_dim3A_2115, %get3A_2118 : vector<24x1024xf32>
    %add3A_2120 = arith.addf %add3A_2112, %mul3A_2119 : vector<24x1024xf32>
    %slice3A_2121 = vector.extract_strided_slice %select_n3A_82 {offsets = [191, 0], sizes = [1, 1024], strides = [1, 1]} : vector<256x1024xf32> to vector<1x1024xf32>
    %broadcast_in_dim3A_2122 = vector.shape_cast %slice3A_2121 : vector<1x1024xf32> to vector<1x1024xf32>
    %broadcast_in_dim3A_2123 = vector.broadcast %broadcast_in_dim3A_2122 : vector<1x1024xf32> to vector<24x1024xf32>
    %get3A_2124 = arith.constant 352 : index
    %get3A_2125 = arith.constant 0 : index
    %get3A_2126 = vector.load %arg2[%get3A_2124, %get3A_2125] : memref<512x1024xf32, #tpu.memory_space<vmem>>, vector<24x1024xf32>
    %mul3A_2127 = arith.mulf %broadcast_in_dim3A_2123, %get3A_2126 : vector<24x1024xf32>
    %add3A_2128 = arith.addf %add3A_2120, %mul3A_2127 : vector<24x1024xf32>
    %slice3A_2129 = vector.extract_strided_slice %select_n3A_82 {offsets = [207, 0], sizes = [1, 1024], strides = [1, 1]} : vector<256x1024xf32> to vector<1x1024xf32>
    %broadcast_in_dim3A_2130 = vector.shape_cast %slice3A_2129 : vector<1x1024xf32> to vector<1x1024xf32>
    %broadcast_in_dim3A_2131 = vector.broadcast %broadcast_in_dim3A_2130 : vector<1x1024xf32> to vector<24x1024xf32>
    %get3A_2132 = arith.constant 384 : index
    %get3A_2133 = arith.constant 0 : index
    %get3A_2134 = vector.load %arg2[%get3A_2132, %get3A_2133] : memref<512x1024xf32, #tpu.memory_space<vmem>>, vector<24x1024xf32>
    %mul3A_2135 = arith.mulf %broadcast_in_dim3A_2131, %get3A_2134 : vector<24x1024xf32>
    %add3A_2136 = arith.addf %add3A_2128, %mul3A_2135 : vector<24x1024xf32>
    %slice3A_2137 = vector.extract_strided_slice %select_n3A_82 {offsets = [223, 0], sizes = [1, 1024], strides = [1, 1]} : vector<256x1024xf32> to vector<1x1024xf32>
    %broadcast_in_dim3A_2138 = vector.shape_cast %slice3A_2137 : vector<1x1024xf32> to vector<1x1024xf32>
    %broadcast_in_dim3A_2139 = vector.broadcast %broadcast_in_dim3A_2138 : vector<1x1024xf32> to vector<24x1024xf32>
    %get3A_2140 = arith.constant 416 : index
    %get3A_2141 = arith.constant 0 : index
    %get3A_2142 = vector.load %arg2[%get3A_2140, %get3A_2141] : memref<512x1024xf32, #tpu.memory_space<vmem>>, vector<24x1024xf32>
    %mul3A_2143 = arith.mulf %broadcast_in_dim3A_2139, %get3A_2142 : vector<24x1024xf32>
    %add3A_2144 = arith.addf %add3A_2136, %mul3A_2143 : vector<24x1024xf32>
    %slice3A_2145 = vector.extract_strided_slice %select_n3A_82 {offsets = [239, 0], sizes = [1, 1024], strides = [1, 1]} : vector<256x1024xf32> to vector<1x1024xf32>
    %broadcast_in_dim3A_2146 = vector.shape_cast %slice3A_2145 : vector<1x1024xf32> to vector<1x1024xf32>
    %broadcast_in_dim3A_2147 = vector.broadcast %broadcast_in_dim3A_2146 : vector<1x1024xf32> to vector<24x1024xf32>
    %get3A_2148 = arith.constant 448 : index
    %get3A_2149 = arith.constant 0 : index
    %get3A_2150 = vector.load %arg2[%get3A_2148, %get3A_2149] : memref<512x1024xf32, #tpu.memory_space<vmem>>, vector<24x1024xf32>
    %mul3A_2151 = arith.mulf %broadcast_in_dim3A_2147, %get3A_2150 : vector<24x1024xf32>
    %add3A_2152 = arith.addf %add3A_2144, %mul3A_2151 : vector<24x1024xf32>
    %slice3A_2153 = vector.extract_strided_slice %select_n3A_82 {offsets = [255, 0], sizes = [1, 1024], strides = [1, 1]} : vector<256x1024xf32> to vector<1x1024xf32>
    %broadcast_in_dim3A_2154 = vector.shape_cast %slice3A_2153 : vector<1x1024xf32> to vector<1x1024xf32>
    %broadcast_in_dim3A_2155 = vector.broadcast %broadcast_in_dim3A_2154 : vector<1x1024xf32> to vector<24x1024xf32>
    %get3A_2156 = arith.constant 480 : index
    %get3A_2157 = arith.constant 0 : index
    %get3A_2158 = vector.load %arg2[%get3A_2156, %get3A_2157] : memref<512x1024xf32, #tpu.memory_space<vmem>>, vector<24x1024xf32>
    %mul3A_2159 = arith.mulf %broadcast_in_dim3A_2155, %get3A_2158 : vector<24x1024xf32>
    %add3A_2160 = arith.addf %add3A_2152, %mul3A_2159 : vector<24x1024xf32>
    %concatenate3A_2161 = tpu.concatenate %add3A_210, %add3A_340, %add3A_470, %add3A_600, %add3A_730, %add3A_860, %add3A_990, %add3A_1120, %add3A_1250, %add3A_1380, %add3A_1510, %add3A_1640, %add3A_1770, %add3A_1900, %add3A_2030, %add3A_2160 in 0 : vector<24x1024xf32>, vector<24x1024xf32>, vector<24x1024xf32>, vector<24x1024xf32>, vector<24x1024xf32>, vector<24x1024xf32>, vector<24x1024xf32>, vector<24x1024xf32>, vector<24x1024xf32>, vector<24x1024xf32>, vector<24x1024xf32>, vector<24x1024xf32>, vector<24x1024xf32>, vector<24x1024xf32>, vector<24x1024xf32>, vector<24x1024xf32> -> vector<384x1024xf32>
    %get3A_2162 = arith.constant 0 : index
    %get3A_2163 = arith.constant 0 : index
    %get3A_2164 = vector.load %arg8[%get3A_2162, %get3A_2163] : memref<64x384xbf16, #tpu.memory_space<vmem>>, vector<64x384xbf16>
    %convert_element_type3A_2165 = arith.truncf %concatenate3A_2161 : vector<384x1024xf32> to vector<384x1024xbf16>
    %dot_general3A_2166 = arith.constant dense<0.000000e+00> : vector<64x1024xf32>
    %dot_general3A_2167 = tpu.matmul %get3A_2164, %convert_element_type3A_2165, %dot_general3A_2166 {dimension_numbers = #tpu.dot_dimension_numbers<[1], [0], [0], [1], [0, 0, 1, 1], [], []>, transpose_lhs_hint = false} : vector<64x384xbf16>, vector<384x1024xbf16>, vector<64x1024xf32> -> vector<64x1024xf32>
    %get3A_2168 = arith.constant 0 : index
    %get3A_2169 = arith.constant 0 : index
    %get3A_2170 = vector.load %arg9[%get3A_2168, %get3A_2169] : memref<64x1xf32, #tpu.memory_space<vmem>>, vector<64x1xf32>
    %add3A_2171 = vector.broadcast %get3A_2170 : vector<64x1xf32> to vector<64x1024xf32>
    %add3A_2172 = arith.addf %dot_general3A_2167, %add3A_2171 : vector<64x1024xf32>
    %ge3A_2173 = arith.constant 0.000000e+00 : f32
    %ge3A_2174 = vector.broadcast %ge3A_2173 : f32 to vector<64x1024xf32>
    %ge3A_2175 = arith.cmpf oge, %add3A_2172, %ge3A_2174 : vector<64x1024xf32>
    %mul3A_2176 = arith.constant 1.000000e-01 : f32
    %mul3A_2177 = vector.broadcast %mul3A_2176 : f32 to vector<64x1024xf32>
    %mul3A_2178 = arith.mulf %mul3A_2177, %add3A_2172 : vector<64x1024xf32>
    %select_n3A_2179 = arith.select %ge3A_2175, %add3A_2172, %mul3A_2178 : vector<64x1024xi1>, vector<64x1024xf32>
    %swap3A = arith.constant 0 : index
    %swap3A_2180 = arith.constant 0 : index
    %swap3A_2181 = arith.constant 0 : index
    %swap3A_2182 = vector.load %arg10[%swap3A, %swap3A_2180, %swap3A_2181] : memref<1x64x1024xf32, #tpu.memory_space<vmem>>, vector<1x64x1024xf32>
    %swap3A_2183 = vector.shape_cast %swap3A_2182 : vector<1x64x1024xf32> to vector<64x1024xf32>
    %swap3A_2184 = vector.shape_cast %select_n3A_2179 : vector<64x1024xf32> to vector<1x64x1024xf32>
    tpu.vector_store %arg10[%swap3A, %swap3A_2180, %swap3A_2181], %swap3A_2184 {strides = array<i32>} : memref<1x64x1024xf32, #tpu.memory_space<vmem>>, vector<1x64x1024xf32>,
    return
  }
  func.func @transform_0(%arg0: i32, %arg1: i32) -> (i32, i32) {
    %mul3A = arith.constant 64 : i32
    %mul3A_0 = arith.muli %arg0, %mul3A : i32
    %add3A = arith.addi %mul3A_0, %arg1 : i32
    %c0_i32 = arith.constant 0 : i32
    %c0_i32_1 = arith.constant 0 : i32
    return %c0_i32, %add3A : i32, i32
  }
  func.func @transform_1(%arg0: i32, %arg1: i32) -> (i32, i32, i32) {
    %c0_i32 = arith.constant 0 : i32
    %c0_i32_0 = arith.constant 0 : i32
    return %arg0, %c0_i32, %arg1 : i32, i32, i32
  }
  func.func @transform_2(%arg0: i32, %arg1: i32) -> (i32, i32) {
    %c0_i32 = arith.constant 0 : i32
    %c0_i32_0 = arith.constant 0 : i32
    %c0_i32_1 = arith.constant 0 : i32
    return %c0_i32, %c0_i32_0 : i32, i32
  }
  func.func @transform_3(%arg0: i32, %arg1: i32) -> (i32, i32) {
    %c0_i32 = arith.constant 0 : i32
    %c0_i32_0 = arith.constant 0 : i32
    %c0_i32_1 = arith.constant 0 : i32
    return %c0_i32, %c0_i32_0 : i32, i32
  }
  func.func @transform_4(%arg0: i32, %arg1: i32) -> (i32, i32) {
    %c0_i32 = arith.constant 0 : i32
    %c0_i32_0 = arith.constant 0 : i32
    %c0_i32_1 = arith.constant 0 : i32
    return %c0_i32, %c0_i32_0 : i32, i32
  }
  func.func @transform_5(%arg0: i32, %arg1: i32) -> (i32, i32) {
    %c0_i32 = arith.constant 0 : i32
    %c0_i32_0 = arith.constant 0 : i32
    %c0_i32_1 = arith.constant 0 : i32
    return %c0_i32, %c0_i32_0 : i32, i32
  }
  func.func @transform_6(%arg0: i32, %arg1: i32) -> (i32, i32) {
    %c0_i32 = arith.constant 0 : i32
    %c0_i32_0 = arith.constant 0 : i32
    %c0_i32_1 = arith.constant 0 : i32
    return %c0_i32, %c0_i32_0 : i32, i32
  }
  func.func @transform_7(%arg0: i32, %arg1: i32) -> (i32, i32) {
    %c0_i32 = arith.constant 0 : i32
    %c0_i32_0 = arith.constant 0 : i32
    %c0_i32_1 = arith.constant 0 : i32
    return %c0_i32, %c0_i32_0 : i32, i32
  }
  func.func @transform_8(%arg0: i32, %arg1: i32) -> (i32, i32, i32) {
    %c0_i32 = arith.constant 0 : i32
    %c0_i32_0 = arith.constant 0 : i32
    return %arg0, %c0_i32, %arg1 : i32, i32, i32
  }
}

</mosaic_0001>

<sc_bundles>
// kernel: kernel.4.cloned.1.call-start
scs
__scs_entry_jumppad:
0x0: {  	(pc) =	sbr.rel $0x88, $3  }
0x1: {  	(tag) =	ssettag $0x0;
	lr =	simm.s32 $0x1  }
0x2: {  	[smem:$0x3F98] =	sst lr;
	_ =	strace $0xD0000000  }
0x3: {  	_ = 	snop  }
0x4: {  	_ = 	snop  }
0x5: {  	_ = 	snop  }
0x6: {  	_ = 	snop  }
0x7: {  	_ = 	snop  }
__scs_overlays_trampoline_lowered:
0x8: {  	[smem:$0x3FA7] =	sst s0  }
0x9: {  	[smem:$0x3FA8] =	sst s1  }
0xa: {  	[smem:$0x3FA9] =	sst s2  }
0xb: {  	[smem:$0x3FAA] =	sst s3  }
0xc: {  	[smem:$0x3FAB] =	sst s4  }
0xd: {  	[smem:$0x3FAC] =	sst s5  }
0xe: {  	[smem:$0x3FAD] =	sst s6  }
0xf: {  	[smem:$0x3FAE] =	sst s7  }
0x10: {  	[smem:$0x3FAF] =	sst s8  }
0x11: {  	[smem:$0x3FB0] =	sst s9;
	s0 =	simm.s32 @!p0 $0x0  }
0x12: {  	s1 =	sld [smem:$0x3F96];
	s0 =	simm.s32 @p0 $0x1  }
0x13: {  	[smem:$0x3FB1] =	sst s0;
	s0 =	simm.s32 @!p1 $0x0  }
0x14: {  	s2 =	sld [smem:$0x3F95];
	s0 =	simm.s32 @p1 $0x1  }
0x15: {  	[smem:$0x3FB2] =	sst s0;
	s0 =	simm.s32 @!p2 $0x0  }
0x16: {  	s3 =	sld [smem:$0x3FDB];
	s0 =	simm.s32 @p2 $0x1  }
0x17: {  	s4 =	simm.s32 $0x1BF5;
	[smem:$0x3FB4] =	sst s0  }
0x18: {  	s0 =	sld [smem:$0x3F97];
	_ =	swait.ge [sflag:s4], $0x0  }
0x19: {  	s7 =	sld [smem:$0x3F98]  }
0x1a: {  	s8 =	sadd.s32 $0xFFFFE003, lr  }
0x1b: {  	s9 =	sadd.s32 $0xFFFFFEF7, lr;
	s5 =	simm.s32 $0xFFFFFFFF;
	p2 =	slt.u32 s8, $0xFFFFF086  }
0x1c: {  	p1 =	slt.u32 s9, $0xF7A;
	s5 =	simm.s32 @!p2 $0x0  }
0x1d: {  	s5 =	simm.s32 @p1 $0x1;
	p0 =	seq.s32 s7, s2  }
0x1e: {  	s7 =	smul.u32 @!p0 $0xF7A, s2;
	p2 =	seq.s32 @!p0 s5, $0x0  }
0x1f: {  	s9 =	smul.u32 $0xF7A, s1;
	s8 =	simm.s32 @!p0 $0x1BF5;
	p2 =	por !p2, p0  }
0x20: {  	[sflag:s8] =	ssyncset.s32 @!p0 $0xFFFFF086;
	s6 =	sadd.s32 @!p0 s3, s7;
	s7 =	simm.s32 @!p0 $0x108  }
0x21: {  	s3 =	sadd.s32 s3, s9;
	s6 =	sadd.s32 @!p0 $0x88, s6;
	s7 =	simm.s32 @p2 $0x1082  }
0x22: {  	[simem:s7], [sflag:s8] =	dma.local @!p0 [hbm:s6], $0xF7A  }
0x23: {  	s9 =	sor.u32 $0xD0000000, s2;
	s6 =	simm.s32 $0x108;
	_ =	swait.ge @!p0 [sflag:s8], $0x0  }
0x24: {  	s3 =	sadd.s32 $0x88, s3;
	s6 =	simm.s32 @!p1 $0x1082;
	[sflag:s4] =	ssyncset.s32 $0xFFFFF086  }
0x25: {  	[simem:s6], [sflag:s4] =	dma.local [hbm:s3], $0xF7A  }
0x26: {  	[smem:$0x3F98] =	sst s1;
	(tag) =	ssettag s2;
	_ =	strace s9  }
0x27: {  	s1 =	sld [smem:$0x3FA8]  }
0x28: {  	s2 =	sld [smem:$0x3FA9]  }
0x29: {  	s4 =	sld [smem:$0x3FAB]  }
0x2a: {  	p0 =	seq.s32 s5, $0x0;
	s5 =	sld [smem:$0x3FAC]  }
0x2b: {  	s6 =	sld [smem:$0x3FAD]  }
0x2c: {  	s7 =	sld [smem:$0x3FAE]  }
0x2d: {  	s3 =	simm.s32 $0x108;
	s8 =	sld [smem:$0x3FAF]  }
0x2e: {  	s3 =	simm.s32 @!p0 $0x1082;
	s9 =	sld [smem:$0x3FB0]  }
0x2f: {  	lr =	sadd.s32 s0, s3;
	s0 =	sld [smem:$0x3FA7]  }
0x30: {  	s3 =	sld [smem:$0x3FAA]  }
0x31: {  	[smem:$0x3FB3] =	sst s10  }
0x32: {  	s10 =	sld [smem:$0x3FB1];
	_ =	sdelay $0x3  }
0x33: {  	p0 =	seq.s32 s10, $0x1;
	s10 =	sld [smem:$0x3FB3];
	_ =	sdelay $0x3  }
0x34: {  	[smem:$0x3FB3] =	sst s10  }
0x35: {  	s10 =	sld [smem:$0x3FB2];
	_ =	sdelay $0x3  }
0x36: {  	p1 =	seq.s32 s10, $0x1;
	s10 =	sld [smem:$0x3FB3];
	_ =	sdelay $0x3  }
0x37: {  	[smem:$0x3FB3] =	sst s10  }
0x38: {  	s10 =	sld [smem:$0x3FB4]  }
0x39: {  	_ = 	snop;
	(pc) =	sbr.ind lr, $3  }
0x3a: {  	_ = 	snop  }
0x3b: {  	_ = 	snop  }
0x3c: {  	p2 =	seq.s32 s10, $0x1;
	s10 =	sld [smem:$0x3FB3]  }
0x3d: {  	_ =	shalt  }
0x3e: {  	_ =	shalt  }
0x3f: {  	_ =	shalt  }
0x40: {  	_ =	shalt  }
0x41: {  	_ =	shalt  }
0x42: {  	_ =	shalt  }
0x43: {  	_ =	shalt  }
0x44: {  	_ =	shalt  }
0x45: {  	_ =	shalt  }
0x46: {  	_ =	shalt  }
0x47: {  	_ =	shalt  }
0x48: {  	_ =	shalt  }
0x49: {  	_ =	shalt  }
0x4a: {  	_ =	shalt  }
0x4b: {  	_ =	shalt  }
0x4c: {  	_ =	shalt  }
0x4d: {  	_ =	shalt  }
0x4e: {  	_ =	shalt  }
0x4f: {  	_ =	shalt  }
0x50: {  	_ =	shalt  }
0x51: {  	_ =	shalt  }
0x52: {  	_ =	shalt  }
0x53: {  	_ =	shalt  }
0x54: {  	_ =	shalt  }
0x55: {  	_ =	shalt  }
0x56: {  	_ =	shalt  }
0x57: {  	_ =	shalt  }
0x58: {  	_ =	shalt  }
0x59: {  	_ =	shalt  }
0x5a: {  	_ =	shalt  }
0x5b: {  	_ =	shalt  }
0x5c: {  	_ =	shalt  }
0x5d: {  	_ =	shalt  }
0x5e: {  	_ =	shalt  }
0x5f: {  	_ =	shalt  }
0x60: {  	_ =	shalt  }
0x61: {  	_ =	shalt  }
0x62: {  	_ =	shalt  }
0x63: {  	_ =	shalt  }
0x64: {  	_ =	shalt  }
0x65: {  	_ =	shalt  }
0x66: {  	_ =	shalt  }
0x67: {  	_ =	shalt  }
0x68: {  	_ =	shalt  }
0x69: {  	_ =	shalt  }
0x6a: {  	_ =	shalt  }
0x6b: {  	_ =	shalt  }
0x6c: {  	_ =	shalt  }
0x6d: {  	_ =	shalt  }
0x6e: {  	_ =	shalt  }
0x6f: {  	_ =	shalt  }
0x70: {  	_ =	shalt  }
0x71: {  	_ =	shalt  }
0x72: {  	_ =	shalt  }
0x73: {  	_ =	shalt  }
0x74: {  	_ =	shalt  }
0x75: {  	_ =	shalt  }
0x76: {  	_ =	shalt  }
0x77: {  	_ =	shalt  }
0x78: {  	_ =	shalt  }
0x79: {  	_ =	shalt  }
0x7a: {  	_ =	shalt  }
0x7b: {  	_ =	shalt  }
0x7c: {  	_ =	shalt  }
0x7d: {  	_ =	shalt  }
0x7e: {  	_ =	shalt  }
0x7f: {  	_ =	shalt  }
0x80: {  	_ =	shalt  }
0x81: {  	_ =	shalt  }
0x82: {  	_ =	shalt  }
0x83: {  	_ =	shalt  }
0x84: {  	_ =	shalt  }
0x85: {  	_ =	shalt  }
0x86: {  	_ =	shalt  }
0x87: {  	_ =	shalt  }
.Lfunc_end0:
.L_simem_size_0:
called_computation.1_lowered:
.L_overlay_start_0:
0x88: {  	s2 =	sld [smem:$0x3FD9]  }
0x89: {  	s3 =	sld [smem:$0x3FFE];
	_ =	sdelay $0x1  }
0x8a: {  	s1 =	srdreg.scid  }
0x8b: {  	s0 =	sand.u32 $0x1, s1  }
0x8c: {  	s17 =	sshll.u32 s0, $0xA;
	s2 =	sadd.s32 s3, s2  }
0x8d: {  	s2 =	sadd.s32 s2, s17  }
0x8e: {  	[smem:$0x3FBF] =	sst s2  }
0x8f: {  	_ = 	snop  }
0x90: {  	s2 =	sld [smem:$0x3FD0];
	(tm) =	ssettm $0x1  }
0x91: {  	s18 =	sld [smem:$0x3FFB];
	_ =	sdelay $0x3  }
0x92: {  	_ =	strace s18  }
0x93: {  	s3 =	sld [smem:$0x3FFC];
	_ =	sdelay $0x3  }
0x94: {  	_ =	strace s3  }
0x95: {  	s3 =	sld [smem:$0x3FFD];
	_ =	sdelay $0x3  }
0x96: {  	_ =	strace s3  }
0x97: {  	_ =	strace $0x8FFFFFFF  }
0x98: {  	s19 =	sld [smem:$0x3FDB];
	_ =	sdelay $0x1  }
0x99: {  	s4 =	simm.s32 $_scs_section_size  }
0x9a: {  	s5 =	simm.s32 $_size__tile_overlayer_lowered;
	s6 =	simm.s32 $_tile_overlayer_lowered  }
0x9b: {  	s22 =	simm.s32 $0x1BFF;
	s21 =	sshll.u32 s6, $0x1;
	s3 =	sadd.s32 s4, s19  }
0x9c: {  	s7 =	simm.s32 $0x0;
	s20 =	sshll.u32 s5, $0x1;
	s5 =	sadd.s32 s21, s3  }
0x9d: {  	[timem:s7], [sflag:s22] =	dma.local [hbm:s5], s20  }
0x9e: {  	_ =	swait.ge [sflag:s22], s20  }
0x9f: {  	s4 =	ssub.s32 $0x0, s20;
	[sflag:s22] =	ssyncset.done $0x0  }
0xa0: {  	[sflag:s22] =	ssyncadd.s32 s4;
	_ =	sdelay $0x1  }
0xa1: {  	s23 =	simm.s32 $0x1B8B  }
0xa2: {  	_ =	swait.ge [sflag:s23], $0x1  }
0xa3: {  	[sflag:s23] =	ssyncset.done $0x0  }
0xa4: {  	s25 =	simm.s32 $0x1B8E;
	s24 =	sld [smem:$0x3FFE];
	[sflag:s23] =	ssyncadd.s32 $0xFFFFFFFF  }
0xa5: {  	s26 =	simm.s32 $execute0_lowered;
	[smem:$0x3FD2] =	sst s25  }
0xa6: {  	s5 =	sshll.u32 s26, $0x1;
	_ =	strace $0x80000046;
	[dreg:$0x1] =	wrdreg $0xFFFFFFFF  }
0xa7: {  	s28 =	simm.s32 $_size_execute0_lowered;
	s3 =	sadd.s32 s3, s5;
	[dreg:$0x0] =	wrdreg $0x0  }
0xa8: {  	s5 =	sshll.u32 s28, $0x1;
	[dreg:$0x2] =	wrdreg s3  }
0xa9: {  	[dreg:$0x3] =	wrdreg s5  }
0xaa: {  	[dreg:$0x4] =	wrdreg $0xC0  }
0xab: {  	_ =	task [dreg:s7], $0x5FFFF  }
0xac: {  	[dreg:$0x1] =	wrdreg $0xFFFFFFFF  }
0xad: {  	[dreg:$0x0] =	wrdreg $0x60  }
0xae: {  	[dreg:$0x2] =	wrdreg s2  }
0xaf: {  	[dreg:$0x3] =	wrdreg s24  }
0xb0: {  	[dreg:$0x4] =	wrdreg $0x9  }
0xb1: {  	_ =	task.clear_ibuf [dreg:s7], $0x5FFFF;
	_ =	strace $0x90000046  }
0xb2: {  	s29 =	simm.s32 $0x9;
	_ =	strace $0x80000048  }
0xb3: {  	_ =	swait.ge [sflag:s29], $0x1  }
0xb4: {  	[sflag:s29] =	ssyncadd.s32 $0xFFFFFFFF  }
0xb5: {  	_ =	strace $0x90000048  }
0xb6: {  	_ =	sfence  }
0xb7: {  	s30 =	sld [smem:$0x0];
	_ =	sdelay $0x2  }
0xb8: {  	s31 =	sshll.u32 s1, $0xD;
	s1 =	sshrl.u32 s1, $0x2  }
0xb9: {  	s3 =	sand.u32 $0x4000, s31;
	s1 =	sadd.s32 s1, s30  }
0xba: {  	s0 =	sor.u32 s3, s0;
	s1 =	sshll.u32 s1, $0x11  }
0xbb: {  	s0 =	sor.u32 s1, s0  }
0xbc: {  	s0 =	sadd.s32 $0x8F2B, s0  }
0xbd: {  	[sflag:s0] =	ssyncadd.remote.s32 $0x1  }
0xbe: {  	_ =	sfence.sel $0xFFFF  }
0xbf: {  	[dreg:$0x0] =	wrdreg $0xFFFFFFFF;
	(pc) =	sbr.abs _section_cstart, $3  }
0xc0: {  	[dreg:$0x1] =	wrdreg $0xFFFFFFFF  }
0xc1: {  	_ =	task.clear_ibuf [dreg:s7], $0x2FFFF;
	_ =	strace $0x9FFFFFFF  }
0xc2: {  	(tm) =	ssettm $0x7FFFFFFF  }
0xc3: {  	_ =	shalt  }
tec
execute0_lowered:
.L_overlay_start_1:
0x0: {  	(tag) =	ssettag $0x1  }
0x1: {  	s2 =	rddreg [dreg:$0x0]  }
0x2: {  	s4 =	rddreg [dreg:$0x1]  }
0x3: {  	s3 =	srdreg.scid;
	s0 =	rddreg [dreg:$0x2]  }
0x4: {  	s1 =	stileid.u32;
	s9 =	simm.s32 $0x10000;
	s10 =	simm.s32 $0x14000  }
0x5: {  	s11 =	simm.s32 $0x1;
	s12 =	simm.s32 $0x2;
	s13 =	simm.s32 $0x0  }
0x6: {  	s5 =	sand.u32 $0x1, s3;
	s3 =	simm.s32 $0x0;
	s6 =	sshll.u32 s1, $0x11  }
0x7: {  	s29 =	sshll.u32 s1, $0x13;
	s7 =	sshll.u32 s5, $0x10;
	[smem:$0x7FF] =	sst s3  }
0x8: {  	s8 =	ssub.s32 $0x2, s5;
	s5 =	sshll.u32 s5, $0x12;
	s6 =	sor.u32 s7, s6  }
0x9: {  	_ =	strace $0x80000047;
	s7 =	sadd.s32 s29, s4;
	s30 =	sshrl.u32 s8, $0x1  }
0xa: {  	s6 =	sshrl.u32 s6, $0x3;
	s8 =	ssub.s32 s8, s30;
	s31 =	sadd.s32 s5, s7  }
0xb: {  	s7 =	simm.s32 $0x3;
	s6 =	sadd.s32 s6, s4;
	s5 =	smax.u32 s8, $0x1  }
0xc: {  	s8 =	simm.s32 $0x200;
	s4 =	sadd.s32 $0x202000, s6;
	s6 =	sadd.s32 $0x242000, s31  }
.LBB2_1:
0xd: {  	[tilespmem:s3], [sflag:$0x3] =	stream.linear.gather [hbm4b:s4+s3], $0x10000, $0x38;
	[tilespmem:$0x18000] =	vst v63  }
0xe: {  	_ =	swait.ge [sflag:s7], $0x10000  }
0xf: {  	[sflag:s7] =	ssyncset.done $0x0  }
0x10: {  	s14 =	simm.s32 $0x0;
	[sflag:s7] =	ssyncadd.s32 $0xFFFF0000  }
0x11: {  	[tilespmem:s9], [sflag:$0x1] =	stream.indirect.gather [hbm4b:s2+s8], $0x20, s14, s8, $0xb8;
	[tilespmem:$0x18000] =	vst v63  }
0x12: {  	s30 =	simm.s32 $0x200  }
0x13: {  	[tilespmem:s10], [sflag:$0x2] =	stream.indirect.gather [hbm4b:s2+s8], $0x20, s30, s8, $0xb8;
	[tilespmem:$0x18000] =	vst v63  }
0x14: {  	_ =	swait.ge [sflag:s11], $0x4000  }
0x15: {  	[sflag:s11] =	ssyncset.done $0x0  }
0x16: {  	s31 =	sadd.s32 $0x0, s6;
	[sflag:s11] =	ssyncadd.s32 $0xFFFFC000  }
0x17: {  	[hbm4b:s31+s3] =	stream.linear.scatter [tilespmem:s9], [sflag:$0x3], $0x4000, $0x38;
	[tilespmem:$0x18000] =	vst v63  }
0x18: {  	_ =	swait.ge [sflag:s7], $0x4000  }
0x19: {  	[sflag:s7] =	ssyncset.done $0x0  }
0x1a: {  	[sflag:s7] =	ssyncadd.s32 $0xFFFFC000  }
0x1b: {  	_ =	swait.ge [sflag:s12], $0x4000  }
0x1c: {  	[sflag:s12] =	ssyncset.done $0x0  }
0x1d: {  	s14 =	sadd.s32 $0x800, s31;
	[sflag:s12] =	ssyncadd.s32 $0xFFFFC000  }
0x1e: {  	[hbm4b:s14+s3] =	stream.linear.scatter [tilespmem:s10], [sflag:$0x3], $0x4000, $0x38;
	[tilespmem:$0x18000] =	vst v63  }
0x1f: {  	_ =	swait.ge [sflag:s7], $0x4000  }
0x20: {  	s15 =	simm.s32 $0x2000;
	s14 =	simm.s32 $0x1000;
	[sflag:s7] =	ssyncset.done $0x0  }
.LBB2_2:
0x21: {  	s16 =	sshra.s32 s14, $0x2  }
0x22: {  	[sflag:s7] =	ssyncadd.s32 $0xFFFFC000;
	s17 =	smov.u32 s15;
	s18 =	sadd.s32 $0x1000, s15  }
0x23: {  	[tilespmem:s9], [sflag:$0x1] =	stream.indirect.gather [hbm4b:s2+s8], $0x20, s16, s8, $0xb8;
	[tilespmem:$0x18000] =	vst v63  }
0x24: {  	p0 =	sne.s32 s15, $0x3F000;
	s15 =	sadd.s32 $0x200, s16  }
0x25: {  	[tilespmem:s10], [sflag:$0x2] =	stream.indirect.gather [hbm4b:s2+s8], $0x20, s15, s8, $0xb8;
	[tilespmem:$0x18000] =	vst v63  }
0x26: {  	_ =	swait.ge [sflag:s11], $0x4000  }
0x27: {  	[sflag:s11] =	ssyncset.done $0x0  }
0x28: {  	s15 =	sadd.s32 s14, s6;
	s14 =	smov.u32 s17;
	[sflag:s11] =	ssyncadd.s32 $0xFFFFC000  }
0x29: {  	[hbm4b:s15+s3] =	stream.linear.scatter [tilespmem:s9], [sflag:$0x3], $0x4000, $0x38;
	[tilespmem:$0x18000] =	vst v63  }
0x2a: {  	_ =	swait.ge [sflag:s7], $0x4000  }
0x2b: {  	[sflag:s7] =	ssyncset.done $0x0  }
0x2c: {  	[sflag:s7] =	ssyncadd.s32 $0xFFFFC000  }
0x2d: {  	_ =	swait.ge [sflag:s12], $0x4000  }
.Ltmp0:
0x2e: {  	[sflag:s12] =	ssyncset.done $0x0;
	(pc) =	sbr.rel @p0 .LBB2_2-.Ltmp0, $4  }
0x2f: {  	s15 =	sadd.s32 $0x800, s15;
	[sflag:s12] =	ssyncadd.s32 $0xFFFFC000  }
0x30: {  	[hbm4b:s15+s3] =	stream.linear.scatter [tilespmem:s10], [sflag:$0x3], $0x4000, $0x38;
	[tilespmem:$0x18000] =	vst v63  }
0x31: {  	_ =	swait.ge [sflag:s7], $0x4000  }
0x32: {  	s15 =	smov.u32 s18;
	[sflag:s7] =	ssyncset.done $0x0  }
0x33: {  	s15 =	sshra.s32 s14, $0x2;
	[sflag:s7] =	ssyncadd.s32 $0xFFFFC000  }
0x34: {  	[tilespmem:s9], [sflag:$0x1] =	stream.indirect.gather [hbm4b:s2+s8], $0x20, s15, s8, $0xb8;
	[tilespmem:$0x18000] =	vst v63  }
0x35: {  	s15 =	sadd.s32 $0x200, s15  }
0x36: {  	[tilespmem:s10], [sflag:$0x2] =	stream.indirect.gather [hbm4b:s2+s8], $0x20, s15, s8, $0xb8;
	[tilespmem:$0x18000] =	vst v63  }
0x37: {  	_ =	swait.ge [sflag:s11], $0x4000  }
0x38: {  	[sflag:s11] =	ssyncset.done $0x0  }
0x39: {  	s31 =	sadd.s32 s14, s6;
	[sflag:s11] =	ssyncadd.s32 $0xFFFFC000  }
0x3a: {  	[hbm4b:s31+s3] =	stream.linear.scatter [tilespmem:s9], [sflag:$0x3], $0x4000, $0x38;
	[tilespmem:$0x18000] =	vst v63  }
0x3b: {  	_ =	swait.ge [sflag:s7], $0x4000  }
0x3c: {  	[sflag:s7] =	ssyncset.done $0x0  }
0x3d: {  	[sflag:s7] =	ssyncadd.s32 $0xFFFFC000  }
0x3e: {  	s13 =	sadd.s32 $0x1, s13;
	_ =	swait.ge [sflag:s12], $0x4000  }
0x3f: {  	p0 =	sne.s32 s13, s5;
	[sflag:s12] =	ssyncset.done $0x0  }
.Ltmp1:
0x40: {  	s14 =	sadd.s32 $0x800, s31;
	[sflag:s12] =	ssyncadd.s32 $0xFFFFC000;
	(pc) =	sbr.rel @p0 .LBB2_1-.Ltmp1, $4  }
0x41: {  	[hbm4b:s14+s3] =	stream.linear.scatter [tilespmem:s10], [sflag:$0x3], $0x4000, $0x38;
	[tilespmem:$0x18000] =	vst v63  }
0x42: {  	_ =	swait.ge [sflag:s7], $0x4000  }
0x43: {  	[sflag:s7] =	ssyncset.done $0x0  }
0x44: {  	[sflag:s7] =	ssyncadd.s32 $0xFFFFC000  }
0x45: {  	_ =	sfence.sel $0x180000  }
0x46: {  	[bflag:$0x0] =	sbarrier.arrive $0xFFFF  }
0x47: {  	p0 =	sne.s32 s1, $0x0;
	_ =	strace $0x90000047  }
0x48: {  	s0 =	sadd.s32 @!p0 $0x100000, s0;
	[bflag:$0x2] =	sbarrier.arrive $0xFFFF  }
0x49: {  	[sflag:s0] =	ssyncadd.tile.s32 @!p0 $0x1;
	_ =	shalt  }
.Lfunc_end2:
_tile_overlayer_lowered:
.L_overlay_start_2:
0x4a: {  	(tag) =	ssettag $0x2  }
0x4b: {  	s0 =	rddreg [dreg:$0x0];
	s2 =	stileid.u32  }
0x4c: {  	s1 =	rddreg [dreg:$0x1];
	p0 =	sne.s32 s2, $0x0  }
0x4d: {  	s3 =	rddreg [dreg:$0x2];
	[bflag:$0x3] =	sbarrier.arrive $0xFFFF;
	s2 =	simm.s32 @!p0 $0x1C03  }
0x4e: {  	[timem:s3], [sflag:s2] =	dma.local @!p0 [hbm:s0], s1  }
0x4f: {  	s0 =	simm.s32 @!p0 $0x3  }
0x50: {  	_ =	swait.ge @!p0 [sflag:s0], s1  }
0x51: {  	s1 =	ssub.s32 @!p0 $0x0, s1;
	[sflag:s0] =	ssyncset.done @!p0 $0x0  }
0x52: {  	[sflag:s0] =	ssyncadd.s32 @!p0 s1  }
0x53: {  	[bflag:$0x3] =	sbarrier.arrive $0xFFFF  }
0x54: {  	_ =	shalt  }

// kernel: sparse-core-data-format-call.cloned.1.call-start
scs
called_computation_lowered:
.L_overlay_start_0:
0x0: {  	s1 =	sld [smem:$0x3FD9]  }
0x1: {  	s2 =	sld [smem:$0x3FFE];
	_ =	sdelay $0x1  }
0x2: {  	s3 =	srdreg.scid  }
0x3: {  	s0 =	sand.u32 $0x1, s3  }
0x4: {  	s17 =	sshll.u32 s0, $0xA;
	s1 =	sadd.s32 s2, s1  }
0x5: {  	s1 =	sadd.s32 s1, s17  }
0x6: {  	[smem:$0x3FBF] =	sst s1  }
0x7: {  	_ = 	snop  }
0x8: {  	(tm) =	ssettm $0x1  }
0x9: {  	s18 =	sld [smem:$0x3FFB];
	_ =	sdelay $0x3  }
0xa: {  	_ =	strace s18  }
0xb: {  	s1 =	sld [smem:$0x3FFC];
	_ =	sdelay $0x3  }
0xc: {  	_ =	strace s1  }
0xd: {  	s1 =	sld [smem:$0x3FFD];
	_ =	sdelay $0x3  }
0xe: {  	_ =	strace s1  }
0xf: {  	_ =	strace $0x8FFFFFFF  }
0x10: {  	s19 =	sld [smem:$0x3FDB];
	_ =	sdelay $0x1  }
0x11: {  	s20 =	simm.s32 $_scs_section_size  }
0x12: {  	s4 =	simm.s32 $_size__tile_overlayer_lowered;
	s5 =	simm.s32 $_tile_overlayer_lowered  }
0x13: {  	s23 =	simm.s32 $0x1BFF;
	s22 =	sshll.u32 s5, $0x1;
	s1 =	sadd.s32 s20, s19  }
0x14: {  	s6 =	simm.s32 $0x0;
	s21 =	sshll.u32 s4, $0x1;
	s4 =	sadd.s32 s22, s1  }
0x15: {  	[timem:s6], [sflag:s23] =	dma.local [hbm:s4], s21  }
0x16: {  	_ =	swait.ge [sflag:s23], s21  }
0x17: {  	s2 =	ssub.s32 $0x0, s21;
	[sflag:s23] =	ssyncset.done $0x0  }
0x18: {  	[sflag:s23] =	ssyncadd.s32 s2;
	_ =	sdelay $0x1  }
0x19: {  	s24 =	simm.s32 $0x1B8B  }
0x1a: {  	_ =	swait.ge [sflag:s24], $0x1  }
0x1b: {  	[sflag:s24] =	ssyncset.done $0x0  }
0x1c: {  	s26 =	simm.s32 $0x1B8E;
	s25 =	sld [smem:$0x3FFE];
	[sflag:s24] =	ssyncadd.s32 $0xFFFFFFFF  }
0x1d: {  	s27 =	simm.s32 $execute0_lowered;
	[smem:$0x3FD2] =	sst s26  }
0x1e: {  	s4 =	sshll.u32 s27, $0x1;
	_ =	strace $0x80000049;
	[dreg:$0x1] =	wrdreg $0xFFFFFFFF  }
0x1f: {  	s28 =	simm.s32 $_size_execute0_lowered;
	s1 =	sadd.s32 s1, s4;
	[dreg:$0x0] =	wrdreg $0x0  }
0x20: {  	s4 =	sshll.u32 s28, $0x1;
	[dreg:$0x2] =	wrdreg s1  }
0x21: {  	[dreg:$0x3] =	wrdreg s4  }
0x22: {  	[dreg:$0x4] =	wrdreg $0xC0  }
0x23: {  	_ =	task [dreg:s6], $0x5FFFF  }
0x24: {  	[dreg:$0x1] =	wrdreg $0xFFFFFFFF  }
0x25: {  	[dreg:$0x0] =	wrdreg $0x60  }
0x26: {  	[dreg:$0x2] =	wrdreg s25  }
0x27: {  	[dreg:$0x3] =	wrdreg $0x9  }
0x28: {  	_ =	task.clear_ibuf [dreg:s6], $0x4FFFF;
	_ =	strace $0x90000049  }
0x29: {  	s29 =	simm.s32 $0x9;
	_ =	strace $0x8000004B  }
0x2a: {  	_ =	swait.ge [sflag:s29], $0x1  }
0x2b: {  	[sflag:s29] =	ssyncadd.s32 $0xFFFFFFFF  }
0x2c: {  	_ =	strace $0x9000004B  }
0x2d: {  	_ =	sfence  }
0x2e: {  	s30 =	sld [smem:$0x0];
	_ =	sdelay $0x2  }
0x2f: {  	s31 =	sshll.u32 s3, $0xD;
	s3 =	sshrl.u32 s3, $0x2  }
0x30: {  	s2 =	sand.u32 $0x4000, s31;
	s1 =	sadd.s32 s3, s30  }
0x31: {  	s0 =	sor.u32 s2, s0;
	s1 =	sshll.u32 s1, $0x11  }
0x32: {  	s0 =	sor.u32 s1, s0  }
0x33: {  	s0 =	sadd.s32 $0x8F2B, s0  }
0x34: {  	[sflag:s0] =	ssyncadd.remote.s32 $0x1  }
0x35: {  	_ =	sfence.sel $0xFFFF  }
0x36: {  	[dreg:$0x0] =	wrdreg $0xFFFFFFFF;
	(pc) =	sbr.abs _section_cstart, $3  }
0x37: {  	[dreg:$0x1] =	wrdreg $0xFFFFFFFF  }
0x38: {  	_ =	task.clear_ibuf [dreg:s6], $0x2FFFF;
	_ =	strace $0x9FFFFFFF  }
0x39: {  	(tm) =	ssettm $0x7FFFFFFF  }
tec
execute0_lowered:
.L_overlay_start_1:
0x0: {  	(tag) =	ssettag $0x1  }
0x1: {  	s0 =	srdreg.scid  }
0x2: {  	s1 =	sshll.u32 s0, $0x4  }
0x3: {  	s6 =	rddreg [dreg:$0x0];
	s0 =	stileid.u32;
	s1 =	sand.u32 $0x10, s1  }
0x4: {  	s5 =	simm.s32 $0x1;
	s31 =	simm.s32 $0x2;
	s1 =	sor.u32 s0, s1  }
0x5: {  	s13 =	simm.s32 $0x0;
	s8 =	simm.s32 $0x100000;
	s2 =	sshll.u32 s1, $0x7  }
0x6: {  	s12 =	simm.s32 $0x0;
	s9 =	simm.s32 $0x0;
	s3 =	ssub.s32 $0x20000, s2  }
0x7: {  	s11 =	simm.s32 $0x0;
	s1 =	rddreg [dreg:$0x1];
	s4 =	sand.u32 $0xF80, s3  }
.Ltmp0:
0x8: {  	_ =	strace $0x8000004A;
	p0 =	sne.s32 s4, $0x0;
	(pc) =	sbr.rel .LBB1_1-.Ltmp0, $4  }
0x9: {  	s10 =	smov.u32 s2;
	s7 =	sshrl.u32 s3, $0xC;
	s5 =	simm.s32 @!p0 $0x0  }
0xa: {  	s3 =	sadd.s32 $0xA42000, s6;
	s4 =	simm.s32 $0x1;
	s5 =	sadd.s32 s5, s7  }
0xb: {  	s6 =	sadd.s32 $0x2000, s6;
	[sflag:s4] =	ssyncpa.u1 $0x0;
	s5 =	sshll.u32 s5, $0x2  }
0xc: {  	p0 =	por $0x0, $0x0;
	[sflag:s31] =	ssyncpa.u1 $0x0;
	s7 =	sor.u32 $0x1, s5  }
.LBB1_4:
0xd: {  	v5 =	vld [tilespmem:s16+$0xFFFFFFD0]  }
0xe: {  	[tilespmem:s17+$0x2040 ss:$0x81] =	vst.msk $0xffff, v1;
	v58 =	vld [tilespmem:s16+$0xFFFFFFE0]  }
0xf: {  	[tilespmem:s17+$0x2850 ss:$0x81] =	vst.msk $0xffff, v2;
	v59 =	vld [tilespmem:s16+$0xFFFFFFF0]  }
0x10: {  	s18 =	sshra.s32 s18, $0x2;
	[tilespmem:s17+$0x3060 ss:$0x81] =	vst.msk $0xffff, v3;
	v60 =	vld [tilespmem:s16+$0x0]  }
0x11: {  	[tilespmem:s17+$0x0 ss:$0x81] =	vst.msk $0xffff, v0;
	v61 =	vld [tilespmem:s16+$0x10];
	s15 =	sadd.s32 s18, s15  }
0x12: {  	s26 =	sshll.u32 s13, $0x11;
	v62 =	vld [tilespmem:s16+$0x20];
	[tilespmem:s15+$0x3870 ss:$0x81] =	vst.msk $0xffff, v4  }
0x13: {  	s27 =	sand.u32 $0x78, s12;
	s19 =	sshll.u32 s12, $0x3;
	v63 =	vld [tilespmem:s16+$0xFFFFFFC0];
	s29 =	sshll.u32 s13, $0x7;
	[tilespmem:s15+$0x810 ss:$0x81] =	vst.msk $0xffff, v5  }
0x14: {  	s17 =	sand.u32 $0x3F00000, s26;
	s28 =	sand.u32 $0x3FFFC00, s19;
	s19 =	sand.u32 $0x1FC00, s19;
	[tilespmem:s15+$0x1020 ss:$0x81] =	vst.msk $0xffff, v58  }
0x15: {  	s13 =	sand.u32 $0x380, s29;
	s16 =	sadd.s32 s28, s17;
	s30 =	sor.u32 s27, s19;
	[tilespmem:s15+$0x1830 ss:$0x81] =	vst.msk $0xffff, v59  }
0x16: {  	s16 =	sand.u32 $0x3FE0000, s16;
	s13 =	sor.u32 s13, s30;
	[tilespmem:s15+$0x2040 ss:$0x81] =	vst.msk $0xffff, v60  }
0x17: {  	s31 =	sand.u32 $0x7, s12;
	s13 =	sor.u32 s16, s13;
	[tilespmem:s15+$0x2850 ss:$0x81] =	vst.msk $0xffff, v61  }
0x18: {  	s12 =	sshll.u32 s31, $0x12;
	[tilespmem:s15+$0x3060 ss:$0x81] =	vst.msk $0xffff, v62;
	s13 =	sshrl.u32 s13, $0x3  }
0x19: {  	s12 =	sor.u32 $0x400, s12;
	[tilespmem:s15+$0x0 ss:$0x81] =	vst.msk $0xffff, v63;
	s13 =	sadd.s32 s6, s13  }
0x1a: {  	[hbm4b:s13+s12] =	stream.strided.scatter [tilespmem:s14], [sflag:$0x2], $0x4000, s8, s12, $0x20;
	[tilespmem:$0x10100] =	vst v63  }
.LBB1_5:
0x1b: {  	s14 =	sadd.s32 $0x80, s9  }
0x1c: {  	s12 =	sadd.s32 $0x1000, s10;
	s16 =	smov.u32 s10;
	p2 =	sgt.s32 s14, $0x1FF  }
0x1d: {  	s16 =	smov.u32 @p2 s12  }
0x1e: {  	s14 =	simm.s32 @p2 $0x0;
	p2 =	sgt.s32 s16, $0x1FFFF  }
0x1f: {  	s16 =	smov.u32 @p2 s2;
	p2 =	sne.s32 s11, s7  }
.Ltmp1:
0x20: {  	p1 =	slt.u32 s11, $0x2;
	(pc) =	sbr.rel @!p2 .LBB1_6-.Ltmp1, $4  }
0x21: {  	s15 =	simm.s32 @!p1 $0x2  }
0x22: {  	s13 =	smov.u32 s9;
	p0 =	por !p0, !p0;
	_ =	swait.ge @!p1 [sflag:s15], $0x4000  }
0x23: {  	s12 =	smov.u32 s10;
	[sflag:s15] =	ssyncset.done @!p1 $0x0;
	s9 =	smov.u32 s14  }
0x24: {  	s11 =	sadd.s32 $0x1, s11;
	[sflag:s15] =	ssyncadd.s32 @!p1 $0xFFFFC000;
	s10 =	smov.u32 s16  }
.LBB1_1:
0x25: {  	p1 =	sge.u32 s11, s5  }
0x26: {  	s31 =	sadd.s32 $0xFFFFFFFF, s11;
	s14 =	sshll.u32 @!p1 s10, $0x9  }
0x27: {  	s15 =	sshll.u32 @!p1 s9, $0x3;
	s16 =	sshll.u32 @!p1 s10, $0x7;
	s14 =	sand.u32 @!p1 $0x3FFF000, s14  }
0x28: {  	s17 =	sand.u32 @!p1 $0x78, s9;
	s14 =	sadd.s32 @!p1 s14, s15;
	s15 =	sand.u32 @!p1 $0x380, s16  }
0x29: {  	s16 =	sxor.u32 @!p1 $0xFFFFFFFF, s11;
	s14 =	sand.u32 @!p1 $0x3FFFC00, s14;
	s15 =	sor.u32 @!p1 s15, s17  }
0x2a: {  	s16 =	sshll.u32 @!p1 s16, $0xE;
	s14 =	sor.u32 @!p1 s14, s15;
	s15 =	sand.u32 @!p1 $0x7, s9  }
0x2b: {  	s17 =	simm.s32 @!p1 $0x1000;
	s14 =	sshrl.u32 @!p1 s14, $0x3;
	s15 =	sshll.u32 @!p1 s15, $0x12  }
0x2c: {  	s16 =	sand.u32 @!p1 $0x4000, s16;
	s14 =	sadd.s32 @!p1 s3, s14;
	s15 =	sor.u32 @!p1 $0x400, s15  }
0x2d: {  	[tilespmem:s16], [sflag:$0x1] =	stream.strided.gather @!p1 [hbm4b:s14+s15], $0x4000, s17, s15, $0x38;
	[tilespmem:$0x10100] =	vst v63  }
0x2e: {  	p1 =	sge.u32 s31, s5  }
.Ltmp2:
0x2f: {  	_ = 	snop;
	(pc) =	sbr.rel @p1 .LBB1_5-.Ltmp2, $1  }
0x30: {  	_ =	sdelay $0x3  }
0x31: {  	s14 =	simm.s32 $0x1  }
0x32: {  	_ =	swait.ge [sflag:s4], $0x4000;
	s14 =	simm.s32 @!p0 $0x0  }
0x33: {  	[sflag:s4] =	ssyncset.done $0x0;
	s15 =	sshll.u32 s14, $0xE  }
0x34: {  	[sflag:s4] =	ssyncadd.s32 $0xFFFFC000;
	s16 =	sor.u32 $0x40, s15  }
0x35: {  	s14 =	smul.u32 $0x10200, s14;
	v0 =	vld [tilespmem:s16+$0x30]  }
0x36: {  	v3 =	vld [tilespmem:s16+$0xFFFFFFD0]  }
0x37: {  	s14 =	sshrl.u32 s14, $0x2;
	v4 =	vld [tilespmem:s16+$0xFFFFFFE0]  }
0x38: {  	v5 =	vld [tilespmem:s16+$0xFFFFFFF0];
	s15 =	sor.u32 $0x8000, s14  }
0x39: {  	s31 =	sand.u32 $0x1, s11;
	v1 =	vld [tilespmem:s16+$0x0];
	s17 =	sadd.s32 $0x0, s15  }
0x3a: {  	v2 =	vld [tilespmem:s16+$0x10];
	s14 =	smul.u32 $0x10200, s31;
	[tilespmem:s17+$0x3870 ss:$0x81] =	vst.msk $0xffff, v0  }
0x3b: {  	[tilespmem:s17+$0x810 ss:$0x81] =	vst.msk $0xffff, v3;
	v3 =	vld [tilespmem:s16+$0x20]  }
0x3c: {  	s14 =	sshrl.u32 s14, $0x2;
	v0 =	vld [tilespmem:s16+$0xFFFFFFC0];
	[tilespmem:s17+$0x1020 ss:$0x81] =	vst.msk $0xffff, v4;
	s16 =	sadd.s32 $0x80, s16  }
0x3d: {  	s18 =	simm.s32 $0x4;
	s19 =	simm.s32 $0x8;
	s14 =	sor.u32 $0x8000, s14;
	[tilespmem:s17+$0x1830 ss:$0x81] =	vst.msk $0xffff, v5;
	v4 =	vld [tilespmem:s16+$0x30]  }
.LBB1_3:
0x3e: {  	p1 =	sne.s32 s19, $0x1FC;
	v5 =	vld [tilespmem:s16+$0xFFFFFFD0];
	[tilespmem:s17+$0x2040 ss:$0x81] =	vst.msk $0xffff, v1  }
0x3f: {  	v6 =	vld [tilespmem:s16+$0xFFFFFFE0];
	[tilespmem:s17+$0x2850 ss:$0x81] =	vst.msk $0xffff, v2  }
0x40: {  	s20 =	sshra.s32 s18, $0x2;
	s18 =	smov.u32 s19;
	v7 =	vld [tilespmem:s16+$0xFFFFFFF0];
	[tilespmem:s17+$0x3060 ss:$0x81] =	vst.msk $0xffff, v3  }
.Ltmp3:
0x41: {  	v1 =	vld [tilespmem:s16+$0x0];
	[tilespmem:s17+$0x0 ss:$0x81] =	vst.msk $0xffff, v0;
	s17 =	sadd.s32 s20, s15;
	(pc) =	sbr.rel @p1 .LBB1_3-.Ltmp3, $4  }
0x42: {  	v2 =	vld [tilespmem:s16+$0x10];
	[tilespmem:s17+$0x3870 ss:$0x81] =	vst.msk $0xffff, v4  }
0x43: {  	[tilespmem:s17+$0x810 ss:$0x81] =	vst.msk $0xffff, v5;
	v3 =	vld [tilespmem:s16+$0x20]  }
0x44: {  	v0 =	vld [tilespmem:s16+$0xFFFFFFC0];
	[tilespmem:s17+$0x1020 ss:$0x81] =	vst.msk $0xffff, v6;
	s16 =	sadd.s32 $0x80, s16  }
0x45: {  	s19 =	sadd.s32 $0x4, s19;
	v4 =	vld [tilespmem:s16+$0x30];
	[tilespmem:s17+$0x1830 ss:$0x81] =	vst.msk $0xffff, v7  }
.Ltmp4:
0x46: {  	_ = 	snop;
	(pc) =	sbr.rel .LBB1_4-.Ltmp4, $1  }
0x47: {  	_ =	sdelay $0x3  }
.LBB1_6:
0x48: {  	_ =	sfence.sel $0x180000  }
0x49: {  	s2 =	simm.s32 $0x1;
	[bflag:$0x0] =	sbarrier.arrive $0xFFFF  }
0x4a: {  	s31 =	simm.s32 $0x2;
	[sflag:s2] =	ssyncpa.u1 $0x1  }
0x4b: {  	[sflag:s31] =	ssyncpa.u1 $0x1  }
0x4c: {  	p0 =	sne.s32 s0, $0x0;
	_ =	strace $0x9000004A  }
0x4d: {  	s0 =	sadd.s32 @!p0 $0x100000, s1;
	[bflag:$0x2] =	sbarrier.arrive $0xFFFF  }
0x4e: {  	[sflag:s0] =	ssyncadd.tile.s32 @!p0 $0x1;
	_ =	shalt  }
.Lfunc_end1:
_tile_overlayer_lowered:
.L_overlay_start_2:
0x4f: {  	(tag) =	ssettag $0x2  }
0x50: {  	s0 =	rddreg [dreg:$0x0];
	s2 =	stileid.u32  }
0x51: {  	s1 =	rddreg [dreg:$0x1];
	p0 =	sne.s32 s2, $0x0  }
0x52: {  	s3 =	rddreg [dreg:$0x2];
	[bflag:$0x3] =	sbarrier.arrive $0xFFFF;
	s2 =	simm.s32 @!p0 $0x1C01  }
0x53: {  	[timem:s3], [sflag:s2] =	dma.local @!p0 [hbm:s0], s1  }
0x54: {  	s0 =	simm.s32 @!p0 $0x1  }
0x55: {  	_ =	swait.ge @!p0 [sflag:s0], s1  }
0x56: {  	s1 =	ssub.s32 @!p0 $0x0, s1;
	[sflag:s0] =	ssyncset.done @!p0 $0x0  }
0x57: {  	[sflag:s0] =	ssyncadd.s32 @!p0 s1  }
0x58: {  	[bflag:$0x3] =	sbarrier.arrive $0xFFFF  }
0x59: {  	_ =	shalt  }

</sc_bundles>
